<compile_context>
chip_gen: v7x
topology: tpu7x:2x2x1
jax: 0.10.2.dev20260603
libtpu: 0.0.44.dev20260713+nightly
codegen_flags: <defaults>
</compile_context>

<pallas_src>
import functools

import jax
import jax.numpy as jnp
from jax import lax
from jax.experimental import pallas as pl
from jax.experimental.pallas import tpu as pltpu
from jax.experimental.pallas import tpu_sc as plsc

_N = 10000
_E = 320000
_D = 128
_DH = _D // 2
_NC = 2
_NS = 16
_NPAD = 10000
_RPT = _NPAD // _NS
_CH = 80
_NBUF = 5
_SLAG = 2
_DEGW = 16

_EPT_AGG = _E // _NS
_NCHUNK_AGG = _EPT_AGG // _CH
_NCHUNK_DEG = _NCHUNK_AGG // _NC

_mesh = plsc.VectorSubcoreMesh(core_axis_name="c", subcore_axis_name="s")



@functools.partial(
    pl.kernel,
    out_type=jax.ShapeDtypeStruct((_NC, _NPAD, _DEGW), jnp.float32),
    mesh=_mesh,
    scratch_types=[
        pltpu.VMEM((_NCHUNK_DEG, _CH), jnp.int32),
        pltpu.VMEM((_CH, _DEGW), jnp.float32),
        pltpu.VMEM_SHARED((_NPAD, _DEGW), jnp.float32),
    ] + [pltpu.SemaphoreType.DMA] * _NBUF,
    compiler_params=pltpu.CompilerParams(use_tc_tiling_on_sc=False),
)
def _deg_sc(ei_hbm, ones_hbm, zeros_hbm, out_hbm, dst_v, ones_v, shared_deg,
            *sems):
    cid = lax.axis_index("c")
    sid = lax.axis_index("s")
    pltpu.sync_copy(zeros_hbm, shared_deg.at[pl.ds(sid * _RPT, _RPT)])
    pltpu.sync_copy(ei_hbm.at[1, sid, pl.ds(cid * _NCHUNK_DEG, _NCHUNK_DEG)],
                    dst_v)
    pltpu.sync_copy(ones_hbm, ones_v)
    plsc.subcore_barrier()

    def body(g, carry):
        for b in range(_NBUF):
            j = g * _NBUF + b

            @pl.when(j >= _NBUF)
            def _():
                pltpu.make_async_copy(
                    ones_v, shared_deg.at[dst_v.at[j - _NBUF]],
                    sems[b]).wait()

            pltpu.async_copy(ones_v, shared_deg.at[dst_v.at[j]], sems[b],
                             add=True)
        return carry

    lax.fori_loop(0, _NCHUNK_DEG // _NBUF, body, 0)
    for j in range(_NCHUNK_DEG - _NBUF, _NCHUNK_DEG):
        pltpu.make_async_copy(ones_v, shared_deg.at[dst_v.at[j]],
                              sems[j % _NBUF]).wait()
    plsc.subcore_barrier()
    pltpu.sync_copy(shared_deg.at[pl.ds(sid * _RPT, _RPT)],
                    out_hbm.at[cid, pl.ds(sid * _RPT, _RPT)])


@functools.partial(
    pl.kernel,
    out_type=jax.ShapeDtypeStruct((_NC, _NPAD, _DH), jnp.float32),
    mesh=_mesh,
    scratch_types=[
        pltpu.VMEM((_NCHUNK_AGG, _CH), jnp.int32),
        pltpu.VMEM((_NCHUNK_AGG, _CH), jnp.int32),
        pltpu.VMEM((_NBUF, _CH, _DH), jnp.float32),
        pltpu.VMEM_SHARED((_NPAD, _DH), jnp.float32),
    ] + [pltpu.SemaphoreType.DMA] * (2 * _NBUF),
    compiler_params=pltpu.CompilerParams(use_tc_tiling_on_sc=False),
)
def _agg_sc(ei_hbm, y_hbm, zeros_hbm, out_hbm,
            src_v, dst_v, rows_v, shared_agg, *sems):
    cid = lax.axis_index("c")
    sid = lax.axis_index("s")
    gsem = sems[:_NBUF]
    ssem = sems[_NBUF:]
    pltpu.sync_copy(zeros_hbm, shared_agg.at[pl.ds(sid * _RPT, _RPT)])
    pltpu.sync_copy(ei_hbm.at[0, sid], src_v)
    pltpu.sync_copy(ei_hbm.at[1, sid], dst_v)
    plsc.subcore_barrier()

    yt = y_hbm.at[pl.ds(cid * _N, _N)]

    def fire_g(j, b):
        pltpu.async_copy(yt.at[src_v.at[j]], rows_v.at[b], gsem[b])

    def wait_g(j, b):
        pltpu.make_async_copy(yt.at[src_v.at[j]], rows_v.at[b],
                              gsem[b]).wait()

    def fire_s(j, b):
        pltpu.async_copy(rows_v.at[b], shared_agg.at[dst_v.at[j]], ssem[b],
                         add=True)

    def wait_s(j, b):
        pltpu.make_async_copy(rows_v.at[b], shared_agg.at[dst_v.at[j]],
                              ssem[b]).wait()

    for b in range(_NBUF - _SLAG):
        fire_g(b, b)

    def body(g, carry):
        for b in range(_NBUF):
            j = g * _NBUF + b

            @pl.when(j >= _SLAG)
            def _():
                wait_s(j - _SLAG, (b - _SLAG) % _NBUF)

            @pl.when(j + _NBUF - _SLAG < _NCHUNK_AGG)
            def _():
                fire_g(j + _NBUF - _SLAG, (b - _SLAG) % _NBUF)

            wait_g(j, b)
            fire_s(j, b)
        return carry

    lax.fori_loop(0, _NCHUNK_AGG // _NBUF, body, 0)

    for j in range((_NCHUNK_AGG // _NBUF) * _NBUF, _NCHUNK_AGG):
        wait_s(j - _SLAG, (j - _SLAG) % _NBUF)
        wait_g(j, j % _NBUF)
        fire_s(j, j % _NBUF)
    for j in range(_NCHUNK_AGG - _SLAG, _NCHUNK_AGG):
        wait_s(j, j % _NBUF)
    plsc.subcore_barrier()
    pltpu.sync_copy(shared_agg.at[pl.ds(sid * _RPT, _RPT)],
                    out_hbm.at[cid, pl.ds(sid * _RPT, _RPT)])



_NF = _N // 2
_FBLK = 1000
_fgrid = (_NF // _FBLK,)

_x2_spec = pl.BlockSpec((_FBLK, 2 * _D), lambda i: (i, 0))
_fold_spec = pl.BlockSpec((2, _FBLK, _D), lambda i: (0, i, 0))
_dinv_spec = pl.BlockSpec((_FBLK, _D), lambda i: (i, 0))
_bw_spec = pl.BlockSpec((2, 2 * _D, _D), lambda i: (0, 0, 0))
_g_spec = pl.BlockSpec((2, _D, 2 * _D), lambda i: (0, 0, 0))
_bf_spec = pl.BlockSpec((2, 1, _D), lambda i: (0, 0, 0))
_out_fold = jax.ShapeDtypeStruct((2, _NF, _D), jnp.float32)
_out_pair = jax.ShapeDtypeStruct((_NF, 2 * _D), jnp.float32)


def _y1_tc(x2_ref, bw_ref, df_ref, o_ref):
    df = df_ref[...]
    x2 = x2_ref[...]
    for h in range(2):
        o_ref[h] = df * jnp.dot(x2, bw_ref[h],
                                preferred_element_type=jnp.float32)


def _relu_fold(a_ref, y_ref, bf_ref, df):
    f = []
    for h in range(2):
        v = df * (a_ref[h] + y_ref[h]) + bf_ref[h]
        f.append(jnp.maximum(v, 0.0))
    return f


def _mid_tc(a_ref, y_ref, bf_ref, g_ref, df_ref, o_ref):
    df = df_ref[...]
    f = _relu_fold(a_ref, y_ref, bf_ref, df)
    out2 = (jnp.dot(f[0], g_ref[0], preferred_element_type=jnp.float32)
            + jnp.dot(f[1], g_ref[1], preferred_element_type=jnp.float32))
    for h in range(2):
        o_ref[h] = df * jnp.concatenate(
            [out2[:, _DH * h:_DH * (h + 1)],
             out2[:, _D + _DH * h:_D + _DH * (h + 1)]], axis=1)


def _out_tc(a_ref, y_ref, bf_ref, df_ref, o_ref):
    df = df_ref[...]
    f = _relu_fold(a_ref, y_ref, bf_ref, df)
    o_ref[...] = jnp.concatenate(
        [f[0][:, :_DH], f[1][:, :_DH], f[0][:, _DH:], f[1][:, _DH:]], axis=1)


def _blockdiag2(w):
    z = jnp.zeros_like(w)
    return jnp.concatenate([jnp.concatenate([w, z], axis=1),
                            jnp.concatenate([z, w], axis=1)], axis=0)


def kernel(x, edge_index, W1, b1, W2, b2):
    ei = edge_index.reshape(2, _NS, _NCHUNK_AGG, _CH)
    ones_deg = jnp.ones((_CH, _DEGW), jnp.float32)
    zeros_deg = jnp.zeros((_RPT, _DEGW), jnp.float32)
    zeros_row = jnp.zeros((_RPT, _DH), jnp.float32)

    deg = _deg_sc(ei, ones_deg, zeros_deg)
    dinv = lax.rsqrt(1.0 + deg[0, :_N, 0] + deg[1, :_N, 0])
    dinv_f = jnp.broadcast_to(dinv[:, None], (_N, _DH)).reshape(_NF, _D)

    x2 = x.reshape(_NF, 2 * _D)
    bw1 = jnp.stack([_blockdiag2(W1[:, :_DH]), _blockdiag2(W1[:, _DH:])])
    g2 = jnp.stack([_blockdiag2(W2[:_DH, :]), _blockdiag2(W2[_DH:, :])])
    bf1 = jnp.stack([jnp.concatenate([b1[:_DH], b1[:_DH]]).reshape(1, _D),
                     jnp.concatenate([b1[_DH:], b1[_DH:]]).reshape(1, _D)])
    bf2 = jnp.stack([jnp.concatenate([b2[:_DH], b2[:_DH]]).reshape(1, _D),
                     jnp.concatenate([b2[_DH:], b2[_DH:]]).reshape(1, _D)])

    y1 = pl.pallas_call(
        _y1_tc,
        grid=_fgrid,
        in_specs=[_x2_spec, _bw_spec, _dinv_spec],
        out_specs=_fold_spec,
        out_shape=_out_fold,
    )(x2, bw1, dinv_f)

    agg1 = _agg_sc(ei, y1.reshape(2 * _N, _DH), zeros_row)

    y2 = pl.pallas_call(
        _mid_tc,
        grid=_fgrid,
        in_specs=[_fold_spec, _fold_spec, _bf_spec, _g_spec, _dinv_spec],
        out_specs=_fold_spec,
        out_shape=_out_fold,
    )(agg1.reshape(_NC, _NPAD // 2, _D), y1, bf1, g2, dinv_f)

    agg2 = _agg_sc(ei, y2.reshape(2 * _N, _DH), zeros_row)

    out = pl.pallas_call(
        _out_tc,
        grid=_fgrid,
        in_specs=[_fold_spec, _fold_spec, _bf_spec, _dinv_spec],
        out_specs=pl.BlockSpec((_FBLK, 2 * _D), lambda i: (i, 0)),
        out_shape=_out_pair,
    )(agg2.reshape(_NC, _NPAD // 2, _D), y2, bf2, dinv_f)

    return out.reshape(_N, _D)

# --- scband reference (transcript-rebuilt; emitter-appended) ---
"""Pipeline reference for scband-gcnbackbone-44805098832142 (READ-ONLY COPY).

The authoritative reference and input builder live on the scoring server;
editing this copy changes nothing except your own understanding.
"""

import jax, jax.numpy as jnp
import numpy as np

N = 10000
E = 320000
D = 128


def gcn_conv(x, edge_index, W, b):
    n = x.shape[0]
    src = edge_index[0]
    dst = edge_index[1]
    loop = jnp.arange(n, dtype=edge_index.dtype)
    src = jnp.concatenate([src, loop])
    dst = jnp.concatenate([dst, loop])
    ew = jnp.ones(src.shape[0], dtype=x.dtype)
    deg = jnp.zeros((n,), dtype=x.dtype).at[dst].add(ew)
    dinv = jnp.where(deg > 0, 1.0 / jnp.sqrt(deg), 0.0)
    norm = dinv[src] * dinv[dst]
    xw = x @ W
    msg = xw[src] * norm[:, None]
    out = jnp.zeros((n, W.shape[1]), dtype=x.dtype).at[dst].add(msg)
    return out + b


def setup_inputs(seed: int = 0) -> dict:
    key = jax.random.key(seed)
    k1, k2, k3, k4, k5, k6 = jax.random.split(key, 6)
    x = jax.random.normal(k1, (N, D), dtype=jnp.float32)
    edge_index = jax.random.randint(k2, (2, E), 0, N, dtype=jnp.int32)
    s = 1.0 / np.sqrt(D)
    W1 = jax.random.uniform(k3, (D, D), dtype=jnp.float32, minval=-s, maxval=s)
    b1 = jnp.zeros((D,), dtype=jnp.float32)
    W2 = jax.random.uniform(k4, (D, D), dtype=jnp.float32, minval=-s, maxval=s)
    b2 = jnp.zeros((D,), dtype=jnp.float32)
    return {"x": x, "edge_index": edge_index, "W1": W1, "b1": b1, "W2": W2, "b2": b2}


def reference(x, edge_index, W1, b1, W2, b2):
    # GCNBackbone with n_layers=2, norm='none', drop=0.0 (eval), plus=False, no residual
    h = jax.nn.relu(gcn_conv(x, edge_index, W1, b1))
    h = jax.nn.relu(gcn_conv(h, edge_index, W2, b2))
    return h

if __name__ == "__main__":
    import jax
    _d = setup_inputs()
    print(jax.jit(kernel)(*tuple(_d.values())))

</pallas_src>

<mosaic_0001>
#map = affine_map<(d0, d1) -> (0, 0, 0, 0)>
#map1 = affine_map<(d0, d1) -> (0, 0)>
#map2 = affine_map<(d0, d1) -> (0, 0, 0)>
module attributes {stable_mosaic.version = 14 : i64} {
  func.func @_deg_sc(%arg0: i32, %arg1: i32, %arg2: memref<2x16x250x80xi32, #tpu.memory_space<hbm>>, %arg3: memref<80x16xf32, #tpu.memory_space<hbm>>, %arg4: memref<625x16xf32, #tpu.memory_space<hbm>>, %arg5: memref<2x10000x16xf32, #tpu.memory_space<hbm>>, %arg6: memref<125x80xi32, #tpu.memory_space<vmem>>, %arg7: memref<80x16xf32, #tpu.memory_space<vmem>>, %arg8: memref<10000x16xf32, #tpu.memory_space<vmem_shared>>, %arg9: memref<!tpu.dma_semaphore, #tpu.memory_space<semaphore_mem>>, %arg10: memref<!tpu.dma_semaphore, #tpu.memory_space<semaphore_mem>>, %arg11: memref<!tpu.dma_semaphore, #tpu.memory_space<semaphore_mem>>, %arg12: memref<!tpu.dma_semaphore, #tpu.memory_space<semaphore_mem>>, %arg13: memref<!tpu.dma_semaphore, #tpu.memory_space<semaphore_mem>>) attributes {dimension_semantics = [#tpu.dimension_semantics<core_parallel>, #tpu.dimension_semantics<subcore_parallel>], iteration_bounds = array<i64: 2, 16>, scalar_prefetch = 0 : i64, scratch_operands = 8 : i64, tpu.core_type = #tpu.core_type<sc_vector_subcore>, window_params = [{transform_indices = #map}, {transform_indices = #map1}, {transform_indices = #map1}, {transform_indices = #map2}]} {
    %mul3A = arith.constant 625 : i32
    %mul3A_0 = arith.muli %arg1, %mul3A : i32
    "tpu.region"() ({
      %run_scoped3A_47 = tpu.sem_alloc : memref<!tpu.dma_semaphore, #tpu.memory_space<semaphore_mem>>
      %dma_start3A = arith.constant 0 : i32
      %dma_start3A_48 = tpu.memref_slice %arg8[%mul3A_0, %dma_start3A] : memref<10000x16xf32, #tpu.memory_space<vmem_shared>> -> memref<625x16xf32, #tpu.memory_space<vmem_shared>>
      tpu.enqueue_dma source(%arg4 : memref<625x16xf32, #tpu.memory_space<hbm>>) target(%dma_start3A_48 : memref<625x16xf32, #tpu.memory_space<vmem_shared>>) target_semaphore(%run_scoped3A_47 : memref<!tpu.dma_semaphore, #tpu.memory_space<semaphore_mem>>)
      %dma_wait3A_49 = arith.constant 0 : i32
      %dma_wait3A_50 = tpu.memref_slice %arg8[%mul3A_0, %dma_wait3A_49] : memref<10000x16xf32, #tpu.memory_space<vmem_shared>> -> memref<625x16xf32, #tpu.memory_space<vmem_shared>>
      tpu.wait_dma2 semaphore(%run_scoped3A_47 : memref<!tpu.dma_semaphore, #tpu.memory_space<semaphore_mem>>) src(%arg4 : memref<625x16xf32, #tpu.memory_space<hbm>>) dst(%dma_wait3A_50 : memref<625x16xf32, #tpu.memory_space<vmem_shared>>)
      tpu.yield
    }) : () -> ()
    %mul3A_1 = arith.constant 125 : i32
    %mul3A_2 = arith.muli %arg0, %mul3A_1 : i32
    %run_scoped3A = arith.constant 1 : i32
    "tpu.region"() ({
      %run_scoped3A_47 = tpu.sem_alloc : memref<!tpu.dma_semaphore, #tpu.memory_space<semaphore_mem>>
      %dma_start3A = arith.constant 0 : i32
      %dma_start3A_48 = tpu.memref_slice %arg2[%run_scoped3A, %arg1, %mul3A_2, %dma_start3A] : memref<2x16x250x80xi32, #tpu.memory_space<hbm>> -> memref<1x1x125x80xi32, #tpu.memory_space<hbm>>
      %dma_start3A_49 = tpu.memref_squeeze %dma_start3A_48 : memref<1x1x125x80xi32, #tpu.memory_space<hbm>> -> memref<125x80xi32, #tpu.memory_space<hbm>>
      %dma_start3A_50 = arith.constant 0 : i32
      %dma_start3A_51 = tpu.memref_slice %arg2[%run_scoped3A, %arg1, %mul3A_2, %dma_start3A_50] : memref<2x16x250x80xi32, #tpu.memory_space<hbm>> -> memref<1x1x125x80xi32, #tpu.memory_space<hbm>>
      %dma_start3A_52 = tpu.memref_squeeze %dma_start3A_51 : memref<1x1x125x80xi32, #tpu.memory_space<hbm>> -> memref<125x80xi32, #tpu.memory_space<hbm>>
      tpu.enqueue_dma source(%dma_start3A_52 : memref<125x80xi32, #tpu.memory_space<hbm>>) target(%arg6 : memref<125x80xi32, #tpu.memory_space<vmem>>) target_semaphore(%run_scoped3A_47 : memref<!tpu.dma_semaphore, #tpu.memory_space<semaphore_mem>>)
      %dma_wait3A_53 = arith.constant 0 : i32
      %dma_wait3A_54 = tpu.memref_slice %arg2[%run_scoped3A, %arg1, %mul3A_2, %dma_wait3A_53] : memref<2x16x250x80xi32, #tpu.memory_space<hbm>> -> memref<1x1x125x80xi32, #tpu.memory_space<hbm>>
      %dma_wait3A_55 = tpu.memref_squeeze %dma_wait3A_54 : memref<1x1x125x80xi32, #tpu.memory_space<hbm>> -> memref<125x80xi32, #tpu.memory_space<hbm>>
      %dma_wait3A_56 = arith.constant 0 : i32
      %dma_wait3A_57 = tpu.memref_slice %arg2[%run_scoped3A, %arg1, %mul3A_2, %dma_wait3A_56] : memref<2x16x250x80xi32, #tpu.memory_space<hbm>> -> memref<1x1x125x80xi32, #tpu.memory_space<hbm>>
      %dma_wait3A_58 = tpu.memref_squeeze %dma_wait3A_57 : memref<1x1x125x80xi32, #tpu.memory_space<hbm>> -> memref<125x80xi32, #tpu.memory_space<hbm>>
      tpu.wait_dma2 semaphore(%run_scoped3A_47 : memref<!tpu.dma_semaphore, #tpu.memory_space<semaphore_mem>>) src(%dma_wait3A_58 : memref<125x80xi32, #tpu.memory_space<hbm>>) dst(%arg6 : memref<125x80xi32, #tpu.memory_space<vmem>>)
      tpu.yield
    }) : () -> ()
    "tpu.region"() ({
      %run_scoped3A_47 = tpu.sem_alloc : memref<!tpu.dma_semaphore, #tpu.memory_space<semaphore_mem>>
      tpu.enqueue_dma source(%arg3 : memref<80x16xf32, #tpu.memory_space<hbm>>) target(%arg7 : memref<80x16xf32, #tpu.memory_space<vmem>>) target_semaphore(%run_scoped3A_47 : memref<!tpu.dma_semaphore, #tpu.memory_space<semaphore_mem>>)
      tpu.wait_dma2 semaphore(%run_scoped3A_47 : memref<!tpu.dma_semaphore, #tpu.memory_space<semaphore_mem>>) src(%arg3 : memref<80x16xf32, #tpu.memory_space<hbm>>) dst(%arg7 : memref<80x16xf32, #tpu.memory_space<vmem>>)
      tpu.yield
    }) : () -> ()
    %barrier3A = arith.constant 0 : index
    tpu.barrier barrier_id(%barrier3A)
    %scan3A = arith.constant 0 : i32
    %scan3A_3 = arith.constant 0 : i32
    %scan3A_4 = arith.constant 25 : i32
    %scan3A_5 = arith.addi %scan3A_3, %scan3A_4 : i32
    %scan3A_6 = arith.constant 1 : i32
    scf.for %scan3A_47 = %scan3A_3 to %scan3A_5 step %scan3A_6  : i32 {
      %mul3A_48 = arith.constant 5 : i32
      %mul3A_49 = arith.muli %scan3A_47, %mul3A_48 : i32
      %add3A = arith.constant 0 : i32
      %add3A_50 = arith.addi %mul3A_49, %add3A : i32
      %ge3A = arith.constant 5 : i32
      %ge3A_51 = arith.cmpi sge, %add3A_50, %ge3A : i32
      %convert_element_type3A = arith.extui %ge3A_51 : i1 to i32
      %cond3A = arith.constant 0 : i32
      %cond3A_52 = arith.cmpi ne, %convert_element_type3A, %cond3A : i32
      scf.if %cond3A_52 {
        %sub3A = arith.constant 5 : i32
        %sub3A_118 = arith.subi %add3A_50, %sub3A : i32
        %dma_wait3A_119 = arith.constant 0 : i32
        %dma_wait3A_120 = tpu.memref_slice %arg6[%sub3A_118, %dma_wait3A_119] : memref<125x80xi32, #tpu.memory_space<vmem>> -> memref<1x80xi32, #tpu.memory_space<vmem>>
        %dma_wait3A_121 = tpu.memref_squeeze %dma_wait3A_120 : memref<1x80xi32, #tpu.memory_space<vmem>> -> memref<80xi32, #tpu.memory_space<vmem>>
        %dma_wait3A_122 = arith.constant 0 : i32
        %dma_wait3A_123 = arith.constant 0 : i32
        %dma_wait3A_124 = tpu.memref_slice %arg8[%dma_wait3A_122, %dma_wait3A_123] : memref<10000x16xf32, #tpu.memory_space<vmem_shared>> -> memref<10000x16xf32, #tpu.memory_space<vmem_shared>>
        tpu.wait_indirect_dma semaphore(%arg9 : memref<!tpu.dma_semaphore, #tpu.memory_space<semaphore_mem>>) src(%arg7 : memref<80x16xf32, #tpu.memory_space<vmem>>) dst(%dma_wait3A_124 : memref<10000x16xf32, #tpu.memory_space<vmem_shared>>)
      } else {
      }
      %dma_start3A = arith.constant 0 : i32
      %dma_start3A_53 = tpu.memref_slice %arg6[%add3A_50, %dma_start3A] : memref<125x80xi32, #tpu.memory_space<vmem>> -> memref<1x80xi32, #tpu.memory_space<vmem>>
      %dma_start3A_54 = tpu.memref_squeeze %dma_start3A_53 : memref<1x80xi32, #tpu.memory_space<vmem>> -> memref<80xi32, #tpu.memory_space<vmem>>
      %dma_start3A_55 = arith.constant 0 : i32
      %dma_start3A_56 = arith.constant 0 : i32
      %dma_start3A_57 = tpu.memref_slice %arg8[%dma_start3A_55, %dma_start3A_56] : memref<10000x16xf32, #tpu.memory_space<vmem_shared>> -> memref<10000x16xf32, #tpu.memory_space<vmem_shared>>
      tpu.enqueue_indirect_dma source(%arg7 : memref<80x16xf32, #tpu.memory_space<vmem>>) target(%dma_start3A_57 : memref<10000x16xf32, #tpu.memory_space<vmem_shared>>) offsets(%dma_start3A_54 : memref<80xi32, #tpu.memory_space<vmem>>) semaphore(%arg9 : memref<!tpu.dma_semaphore, #tpu.memory_space<semaphore_mem>>) {add = true}
      %mul3A_58 = arith.constant 5 : i32
      %mul3A_59 = arith.muli %scan3A_47, %mul3A_58 : i32
      %add3A_60 = arith.constant 1 : i32
      %add3A_61 = arith.addi %mul3A_59, %add3A_60 : i32
      %ge3A_62 = arith.constant 5 : i32
      %ge3A_63 = arith.cmpi sge, %add3A_61, %ge3A_62 : i32
      %convert_element_type3A_64 = arith.extui %ge3A_63 : i1 to i32
      %cond3A_65 = arith.constant 0 : i32
      %cond3A_66 = arith.cmpi ne, %convert_element_type3A_64, %cond3A_65 : i32
      scf.if %cond3A_66 {
        %sub3A = arith.constant 5 : i32
        %sub3A_118 = arith.subi %add3A_61, %sub3A : i32
        %dma_wait3A_119 = arith.constant 0 : i32
        %dma_wait3A_120 = tpu.memref_slice %arg6[%sub3A_118, %dma_wait3A_119] : memref<125x80xi32, #tpu.memory_space<vmem>> -> memref<1x80xi32, #tpu.memory_space<vmem>>
        %dma_wait3A_121 = tpu.memref_squeeze %dma_wait3A_120 : memref<1x80xi32, #tpu.memory_space<vmem>> -> memref<80xi32, #tpu.memory_space<vmem>>
        %dma_wait3A_122 = arith.constant 0 : i32
        %dma_wait3A_123 = arith.constant 0 : i32
        %dma_wait3A_124 = tpu.memref_slice %arg8[%dma_wait3A_122, %dma_wait3A_123] : memref<10000x16xf32, #tpu.memory_space<vmem_shared>> -> memref<10000x16xf32, #tpu.memory_space<vmem_shared>>
        tpu.wait_indirect_dma semaphore(%arg10 : memref<!tpu.dma_semaphore, #tpu.memory_space<semaphore_mem>>) src(%arg7 : memref<80x16xf32, #tpu.memory_space<vmem>>) dst(%dma_wait3A_124 : memref<10000x16xf32, #tpu.memory_space<vmem_shared>>)
      } else {
      }
      %dma_start3A_67 = arith.constant 0 : i32
      %dma_start3A_68 = tpu.memref_slice %arg6[%add3A_61, %dma_start3A_67] : memref<125x80xi32, #tpu.memory_space<vmem>> -> memref<1x80xi32, #tpu.memory_space<vmem>>
      %dma_start3A_69 = tpu.memref_squeeze %dma_start3A_68 : memref<1x80xi32, #tpu.memory_space<vmem>> -> memref<80xi32, #tpu.memory_space<vmem>>
      %dma_start3A_70 = arith.constant 0 : i32
      %dma_start3A_71 = arith.constant 0 : i32
      %dma_start3A_72 = tpu.memref_slice %arg8[%dma_start3A_70, %dma_start3A_71] : memref<10000x16xf32, #tpu.memory_space<vmem_shared>> -> memref<10000x16xf32, #tpu.memory_space<vmem_shared>>
      tpu.enqueue_indirect_dma source(%arg7 : memref<80x16xf32, #tpu.memory_space<vmem>>) target(%dma_start3A_72 : memref<10000x16xf32, #tpu.memory_space<vmem_shared>>) offsets(%dma_start3A_69 : memref<80xi32, #tpu.memory_space<vmem>>) semaphore(%arg10 : memref<!tpu.dma_semaphore, #tpu.memory_space<semaphore_mem>>) {add = true}
      %mul3A_73 = arith.constant 5 : i32
      %mul3A_74 = arith.muli %scan3A_47, %mul3A_73 : i32
      %add3A_75 = arith.constant 2 : i32
      %add3A_76 = arith.addi %mul3A_74, %add3A_75 : i32
      %ge3A_77 = arith.constant 5 : i32
      %ge3A_78 = arith.cmpi sge, %add3A_76, %ge3A_77 : i32
      %convert_element_type3A_79 = arith.extui %ge3A_78 : i1 to i32
      %cond3A_80 = arith.constant 0 : i32
      %cond3A_81 = arith.cmpi ne, %convert_element_type3A_79, %cond3A_80 : i32
      scf.if %cond3A_81 {
        %sub3A = arith.constant 5 : i32
        %sub3A_118 = arith.subi %add3A_76, %sub3A : i32
        %dma_wait3A_119 = arith.constant 0 : i32
        %dma_wait3A_120 = tpu.memref_slice %arg6[%sub3A_118, %dma_wait3A_119] : memref<125x80xi32, #tpu.memory_space<vmem>> -> memref<1x80xi32, #tpu.memory_space<vmem>>
        %dma_wait3A_121 = tpu.memref_squeeze %dma_wait3A_120 : memref<1x80xi32, #tpu.memory_space<vmem>> -> memref<80xi32, #tpu.memory_space<vmem>>
        %dma_wait3A_122 = arith.constant 0 : i32
        %dma_wait3A_123 = arith.constant 0 : i32
        %dma_wait3A_124 = tpu.memref_slice %arg8[%dma_wait3A_122, %dma_wait3A_123] : memref<10000x16xf32, #tpu.memory_space<vmem_shared>> -> memref<10000x16xf32, #tpu.memory_space<vmem_shared>>
        tpu.wait_indirect_dma semaphore(%arg11 : memref<!tpu.dma_semaphore, #tpu.memory_space<semaphore_mem>>) src(%arg7 : memref<80x16xf32, #tpu.memory_space<vmem>>) dst(%dma_wait3A_124 : memref<10000x16xf32, #tpu.memory_space<vmem_shared>>)
      } else {
      }
      %dma_start3A_82 = arith.constant 0 : i32
      %dma_start3A_83 = tpu.memref_slice %arg6[%add3A_76, %dma_start3A_82] : memref<125x80xi32, #tpu.memory_space<vmem>> -> memref<1x80xi32, #tpu.memory_space<vmem>>
      %dma_start3A_84 = tpu.memref_squeeze %dma_start3A_83 : memref<1x80xi32, #tpu.memory_space<vmem>> -> memref<80xi32, #tpu.memory_space<vmem>>
      %dma_start3A_85 = arith.constant 0 : i32
      %dma_start3A_86 = arith.constant 0 : i32
      %dma_start3A_87 = tpu.memref_slice %arg8[%dma_start3A_85, %dma_start3A_86] : memref<10000x16xf32, #tpu.memory_space<vmem_shared>> -> memref<10000x16xf32, #tpu.memory_space<vmem_shared>>
      tpu.enqueue_indirect_dma source(%arg7 : memref<80x16xf32, #tpu.memory_space<vmem>>) target(%dma_start3A_87 : memref<10000x16xf32, #tpu.memory_space<vmem_shared>>) offsets(%dma_start3A_84 : memref<80xi32, #tpu.memory_space<vmem>>) semaphore(%arg11 : memref<!tpu.dma_semaphore, #tpu.memory_space<semaphore_mem>>) {add = true}
      %mul3A_88 = arith.constant 5 : i32
      %mul3A_89 = arith.muli %scan3A_47, %mul3A_88 : i32
      %add3A_90 = arith.constant 3 : i32
      %add3A_91 = arith.addi %mul3A_89, %add3A_90 : i32
      %ge3A_92 = arith.constant 5 : i32
      %ge3A_93 = arith.cmpi sge, %add3A_91, %ge3A_92 : i32
      %convert_element_type3A_94 = arith.extui %ge3A_93 : i1 to i32
      %cond3A_95 = arith.constant 0 : i32
      %cond3A_96 = arith.cmpi ne, %convert_element_type3A_94, %cond3A_95 : i32
      scf.if %cond3A_96 {
        %sub3A = arith.constant 5 : i32
        %sub3A_118 = arith.subi %add3A_91, %sub3A : i32
        %dma_wait3A_119 = arith.constant 0 : i32
        %dma_wait3A_120 = tpu.memref_slice %arg6[%sub3A_118, %dma_wait3A_119] : memref<125x80xi32, #tpu.memory_space<vmem>> -> memref<1x80xi32, #tpu.memory_space<vmem>>
        %dma_wait3A_121 = tpu.memref_squeeze %dma_wait3A_120 : memref<1x80xi32, #tpu.memory_space<vmem>> -> memref<80xi32, #tpu.memory_space<vmem>>
        %dma_wait3A_122 = arith.constant 0 : i32
        %dma_wait3A_123 = arith.constant 0 : i32
        %dma_wait3A_124 = tpu.memref_slice %arg8[%dma_wait3A_122, %dma_wait3A_123] : memref<10000x16xf32, #tpu.memory_space<vmem_shared>> -> memref<10000x16xf32, #tpu.memory_space<vmem_shared>>
        tpu.wait_indirect_dma semaphore(%arg12 : memref<!tpu.dma_semaphore, #tpu.memory_space<semaphore_mem>>) src(%arg7 : memref<80x16xf32, #tpu.memory_space<vmem>>) dst(%dma_wait3A_124 : memref<10000x16xf32, #tpu.memory_space<vmem_shared>>)
      } else {
      }
      %dma_start3A_97 = arith.constant 0 : i32
      %dma_start3A_98 = tpu.memref_slice %arg6[%add3A_91, %dma_start3A_97] : memref<125x80xi32, #tpu.memory_space<vmem>> -> memref<1x80xi32, #tpu.memory_space<vmem>>
      %dma_start3A_99 = tpu.memref_squeeze %dma_start3A_98 : memref<1x80xi32, #tpu.memory_space<vmem>> -> memref<80xi32, #tpu.memory_space<vmem>>
      %dma_start3A_100 = arith.constant 0 : i32
      %dma_start3A_101 = arith.constant 0 : i32
      %dma_start3A_102 = tpu.memref_slice %arg8[%dma_start3A_100, %dma_start3A_101] : memref<10000x16xf32, #tpu.memory_space<vmem_shared>> -> memref<10000x16xf32, #tpu.memory_space<vmem_shared>>
      tpu.enqueue_indirect_dma source(%arg7 : memref<80x16xf32, #tpu.memory_space<vmem>>) target(%dma_start3A_102 : memref<10000x16xf32, #tpu.memory_space<vmem_shared>>) offsets(%dma_start3A_99 : memref<80xi32, #tpu.memory_space<vmem>>) semaphore(%arg12 : memref<!tpu.dma_semaphore, #tpu.memory_space<semaphore_mem>>) {add = true}
      %mul3A_103 = arith.constant 5 : i32
      %mul3A_104 = arith.muli %scan3A_47, %mul3A_103 : i32
      %add3A_105 = arith.constant 4 : i32
      %add3A_106 = arith.addi %mul3A_104, %add3A_105 : i32
      %ge3A_107 = arith.constant 5 : i32
      %ge3A_108 = arith.cmpi sge, %add3A_106, %ge3A_107 : i32
      %convert_element_type3A_109 = arith.extui %ge3A_108 : i1 to i32
      %cond3A_110 = arith.constant 0 : i32
      %cond3A_111 = arith.cmpi ne, %convert_element_type3A_109, %cond3A_110 : i32
      scf.if %cond3A_111 {
        %sub3A = arith.constant 5 : i32
        %sub3A_118 = arith.subi %add3A_106, %sub3A : i32
        %dma_wait3A_119 = arith.constant 0 : i32
        %dma_wait3A_120 = tpu.memref_slice %arg6[%sub3A_118, %dma_wait3A_119] : memref<125x80xi32, #tpu.memory_space<vmem>> -> memref<1x80xi32, #tpu.memory_space<vmem>>
        %dma_wait3A_121 = tpu.memref_squeeze %dma_wait3A_120 : memref<1x80xi32, #tpu.memory_space<vmem>> -> memref<80xi32, #tpu.memory_space<vmem>>
        %dma_wait3A_122 = arith.constant 0 : i32
        %dma_wait3A_123 = arith.constant 0 : i32
        %dma_wait3A_124 = tpu.memref_slice %arg8[%dma_wait3A_122, %dma_wait3A_123] : memref<10000x16xf32, #tpu.memory_space<vmem_shared>> -> memref<10000x16xf32, #tpu.memory_space<vmem_shared>>
        tpu.wait_indirect_dma semaphore(%arg13 : memref<!tpu.dma_semaphore, #tpu.memory_space<semaphore_mem>>) src(%arg7 : memref<80x16xf32, #tpu.memory_space<vmem>>) dst(%dma_wait3A_124 : memref<10000x16xf32, #tpu.memory_space<vmem_shared>>)
      } else {
      }
      %dma_start3A_112 = arith.constant 0 : i32
      %dma_start3A_113 = tpu.memref_slice %arg6[%add3A_106, %dma_start3A_112] : memref<125x80xi32, #tpu.memory_space<vmem>> -> memref<1x80xi32, #tpu.memory_space<vmem>>
      %dma_start3A_114 = tpu.memref_squeeze %dma_start3A_113 : memref<1x80xi32, #tpu.memory_space<vmem>> -> memref<80xi32, #tpu.memory_space<vmem>>
      %dma_start3A_115 = arith.constant 0 : i32
      %dma_start3A_116 = arith.constant 0 : i32
      %dma_start3A_117 = tpu.memref_slice %arg8[%dma_start3A_115, %dma_start3A_116] : memref<10000x16xf32, #tpu.memory_space<vmem_shared>> -> memref<10000x16xf32, #tpu.memory_space<vmem_shared>>
      tpu.enqueue_indirect_dma source(%arg7 : memref<80x16xf32, #tpu.memory_space<vmem>>) target(%dma_start3A_117 : memref<10000x16xf32, #tpu.memory_space<vmem_shared>>) offsets(%dma_start3A_114 : memref<80xi32, #tpu.memory_space<vmem>>) semaphore(%arg13 : memref<!tpu.dma_semaphore, #tpu.memory_space<semaphore_mem>>) {add = true}
    }
    %scan3A_7 = arith.constant 25 : i32
    %dma_wait3A = arith.constant 120 : i32
    %dma_wait3A_8 = arith.constant 0 : i32
    %dma_wait3A_9 = tpu.memref_slice %arg6[%dma_wait3A, %dma_wait3A_8] : memref<125x80xi32, #tpu.memory_space<vmem>> -> memref<1x80xi32, #tpu.memory_space<vmem>>
    %dma_wait3A_10 = tpu.memref_squeeze %dma_wait3A_9 : memref<1x80xi32, #tpu.memory_space<vmem>> -> memref<80xi32, #tpu.memory_space<vmem>>
    %dma_wait3A_11 = arith.constant 0 : i32
    %dma_wait3A_12 = arith.constant 0 : i32
    %dma_wait3A_13 = tpu.memref_slice %arg8[%dma_wait3A_11, %dma_wait3A_12] : memref<10000x16xf32, #tpu.memory_space<vmem_shared>> -> memref<10000x16xf32, #tpu.memory_space<vmem_shared>>
    tpu.wait_indirect_dma semaphore(%arg9 : memref<!tpu.dma_semaphore, #tpu.memory_space<semaphore_mem>>) src(%arg7 : memref<80x16xf32, #tpu.memory_space<vmem>>) dst(%dma_wait3A_13 : memref<10000x16xf32, #tpu.memory_space<vmem_shared>>)
    %dma_wait3A_14 = arith.constant 121 : i32
    %dma_wait3A_15 = arith.constant 0 : i32
    %dma_wait3A_16 = tpu.memref_slice %arg6[%dma_wait3A_14, %dma_wait3A_15] : memref<125x80xi32, #tpu.memory_space<vmem>> -> memref<1x80xi32, #tpu.memory_space<vmem>>
    %dma_wait3A_17 = tpu.memref_squeeze %dma_wait3A_16 : memref<1x80xi32, #tpu.memory_space<vmem>> -> memref<80xi32, #tpu.memory_space<vmem>>
    %dma_wait3A_18 = arith.constant 0 : i32
    %dma_wait3A_19 = arith.constant 0 : i32
    %dma_wait3A_20 = tpu.memref_slice %arg8[%dma_wait3A_18, %dma_wait3A_19] : memref<10000x16xf32, #tpu.memory_space<vmem_shared>> -> memref<10000x16xf32, #tpu.memory_space<vmem_shared>>
    tpu.wait_indirect_dma semaphore(%arg10 : memref<!tpu.dma_semaphore, #tpu.memory_space<semaphore_mem>>) src(%arg7 : memref<80x16xf32, #tpu.memory_space<vmem>>) dst(%dma_wait3A_20 : memref<10000x16xf32, #tpu.memory_space<vmem_shared>>)
    %dma_wait3A_21 = arith.constant 122 : i32
    %dma_wait3A_22 = arith.constant 0 : i32
    %dma_wait3A_23 = tpu.memref_slice %arg6[%dma_wait3A_21, %dma_wait3A_22] : memref<125x80xi32, #tpu.memory_space<vmem>> -> memref<1x80xi32, #tpu.memory_space<vmem>>
    %dma_wait3A_24 = tpu.memref_squeeze %dma_wait3A_23 : memref<1x80xi32, #tpu.memory_space<vmem>> -> memref<80xi32, #tpu.memory_space<vmem>>
    %dma_wait3A_25 = arith.constant 0 : i32
    %dma_wait3A_26 = arith.constant 0 : i32
    %dma_wait3A_27 = tpu.memref_slice %arg8[%dma_wait3A_25, %dma_wait3A_26] : memref<10000x16xf32, #tpu.memory_space<vmem_shared>> -> memref<10000x16xf32, #tpu.memory_space<vmem_shared>>
    tpu.wait_indirect_dma semaphore(%arg11 : memref<!tpu.dma_semaphore, #tpu.memory_space<semaphore_mem>>) src(%arg7 : memref<80x16xf32, #tpu.memory_space<vmem>>) dst(%dma_wait3A_27 : memref<10000x16xf32, #tpu.memory_space<vmem_shared>>)
    %dma_wait3A_28 = arith.constant 123 : i32
    %dma_wait3A_29 = arith.constant 0 : i32
    %dma_wait3A_30 = tpu.memref_slice %arg6[%dma_wait3A_28, %dma_wait3A_29] : memref<125x80xi32, #tpu.memory_space<vmem>> -> memref<1x80xi32, #tpu.memory_space<vmem>>
    %dma_wait3A_31 = tpu.memref_squeeze %dma_wait3A_30 : memref<1x80xi32, #tpu.memory_space<vmem>> -> memref<80xi32, #tpu.memory_space<vmem>>
    %dma_wait3A_32 = arith.constant 0 : i32
    %dma_wait3A_33 = arith.constant 0 : i32
    %dma_wait3A_34 = tpu.memref_slice %arg8[%dma_wait3A_32, %dma_wait3A_33] : memref<10000x16xf32, #tpu.memory_space<vmem_shared>> -> memref<10000x16xf32, #tpu.memory_space<vmem_shared>>
    tpu.wait_indirect_dma semaphore(%arg12 : memref<!tpu.dma_semaphore, #tpu.memory_space<semaphore_mem>>) src(%arg7 : memref<80x16xf32, #tpu.memory_space<vmem>>) dst(%dma_wait3A_34 : memref<10000x16xf32, #tpu.memory_space<vmem_shared>>)
    %dma_wait3A_35 = arith.constant 124 : i32
    %dma_wait3A_36 = arith.constant 0 : i32
    %dma_wait3A_37 = tpu.memref_slice %arg6[%dma_wait3A_35, %dma_wait3A_36] : memref<125x80xi32, #tpu.memory_space<vmem>> -> memref<1x80xi32, #tpu.memory_space<vmem>>
    %dma_wait3A_38 = tpu.memref_squeeze %dma_wait3A_37 : memref<1x80xi32, #tpu.memory_space<vmem>> -> memref<80xi32, #tpu.memory_space<vmem>>
    %dma_wait3A_39 = arith.constant 0 : i32
    %dma_wait3A_40 = arith.constant 0 : i32
    %dma_wait3A_41 = tpu.memref_slice %arg8[%dma_wait3A_39, %dma_wait3A_40] : memref<10000x16xf32, #tpu.memory_space<vmem_shared>> -> memref<10000x16xf32, #tpu.memory_space<vmem_shared>>
    tpu.wait_indirect_dma semaphore(%arg13 : memref<!tpu.dma_semaphore, #tpu.memory_space<semaphore_mem>>) src(%arg7 : memref<80x16xf32, #tpu.memory_space<vmem>>) dst(%dma_wait3A_41 : memref<10000x16xf32, #tpu.memory_space<vmem_shared>>)
    %barrier3A_42 = arith.constant 0 : index
    tpu.barrier barrier_id(%barrier3A_42)
    %mul3A_43 = arith.constant 625 : i32
    %mul3A_44 = arith.muli %arg1, %mul3A_43 : i32
    %mul3A_45 = arith.constant 625 : i32
    %mul3A_46 = arith.muli %arg1, %mul3A_45 : i32
    "tpu.region"() ({
      %run_scoped3A_47 = tpu.sem_alloc : memref<!tpu.dma_semaphore, #tpu.memory_space<semaphore_mem>>
      %dma_start3A = arith.constant 0 : i32
      %dma_start3A_48 = tpu.memref_slice %arg5[%arg0, %mul3A_46, %dma_start3A] : memref<2x10000x16xf32, #tpu.memory_space<hbm>> -> memref<1x625x16xf32, #tpu.memory_space<hbm>>
      %dma_start3A_49 = tpu.memref_squeeze %dma_start3A_48 : memref<1x625x16xf32, #tpu.memory_space<hbm>> -> memref<625x16xf32, #tpu.memory_space<hbm>>
      %dma_start3A_50 = arith.constant 0 : i32
      %dma_start3A_51 = tpu.memref_slice %arg8[%mul3A_44, %dma_start3A_50] : memref<10000x16xf32, #tpu.memory_space<vmem_shared>> -> memref<625x16xf32, #tpu.memory_space<vmem_shared>>
      tpu.enqueue_dma source(%dma_start3A_51 : memref<625x16xf32, #tpu.memory_space<vmem_shared>>) target(%dma_start3A_49 : memref<625x16xf32, #tpu.memory_space<hbm>>) target_semaphore(%run_scoped3A_47 : memref<!tpu.dma_semaphore, #tpu.memory_space<semaphore_mem>>)
      %dma_wait3A_52 = arith.constant 0 : i32
      %dma_wait3A_53 = tpu.memref_slice %arg5[%arg0, %mul3A_46, %dma_wait3A_52] : memref<2x10000x16xf32, #tpu.memory_space<hbm>> -> memref<1x625x16xf32, #tpu.memory_space<hbm>>
      %dma_wait3A_54 = tpu.memref_squeeze %dma_wait3A_53 : memref<1x625x16xf32, #tpu.memory_space<hbm>> -> memref<625x16xf32, #tpu.memory_space<hbm>>
      %dma_wait3A_55 = arith.constant 0 : i32
      %dma_wait3A_56 = tpu.memref_slice %arg8[%mul3A_44, %dma_wait3A_55] : memref<10000x16xf32, #tpu.memory_space<vmem_shared>> -> memref<625x16xf32, #tpu.memory_space<vmem_shared>>
      tpu.wait_dma2 semaphore(%run_scoped3A_47 : memref<!tpu.dma_semaphore, #tpu.memory_space<semaphore_mem>>) src(%dma_wait3A_56 : memref<625x16xf32, #tpu.memory_space<vmem_shared>>) dst(%dma_wait3A_54 : memref<625x16xf32, #tpu.memory_space<hbm>>)
      tpu.yield
    }) : () -> ()
    return
  }
}

#map = affine_map<(d0, d1) -> (0, 0, 0, 0)>
#map1 = affine_map<(d0, d1) -> (0, 0)>
#map2 = affine_map<(d0, d1) -> (0, 0, 0)>
module attributes {stable_mosaic.version = 14 : i64} {
  func.func @_agg_sc(%arg0: i32, %arg1: i32, %arg2: memref<2x16x250x80xi32, #tpu.memory_space<hbm>>, %arg3: memref<20000x64xf32, #tpu.memory_space<hbm>>, %arg4: memref<625x64xf32, #tpu.memory_space<hbm>>, %arg5: memref<2x10000x64xf32, #tpu.memory_space<hbm>>, %arg6: memref<250x80xi32, #tpu.memory_space<vmem>>, %arg7: memref<250x80xi32, #tpu.memory_space<vmem>>, %arg8: memref<5x80x64xf32, #tpu.memory_space<vmem>>, %arg9: memref<10000x64xf32, #tpu.memory_space<vmem_shared>>, %arg10: memref<!tpu.dma_semaphore, #tpu.memory_space<semaphore_mem>>, %arg11: memref<!tpu.dma_semaphore, #tpu.memory_space<semaphore_mem>>, %arg12: memref<!tpu.dma_semaphore, #tpu.memory_space<semaphore_mem>>, %arg13: memref<!tpu.dma_semaphore, #tpu.memory_space<semaphore_mem>>, %arg14: memref<!tpu.dma_semaphore, #tpu.memory_space<semaphore_mem>>, %arg15: memref<!tpu.dma_semaphore, #tpu.memory_space<semaphore_mem>>, %arg16: memref<!tpu.dma_semaphore, #tpu.memory_space<semaphore_mem>>, %arg17: memref<!tpu.dma_semaphore, #tpu.memory_space<semaphore_mem>>, %arg18: memref<!tpu.dma_semaphore, #tpu.memory_space<semaphore_mem>>, %arg19: memref<!tpu.dma_semaphore, #tpu.memory_space<semaphore_mem>>) attributes {dimension_semantics = [#tpu.dimension_semantics<core_parallel>, #tpu.dimension_semantics<subcore_parallel>], iteration_bounds = array<i64: 2, 16>, scalar_prefetch = 0 : i64, scratch_operands = 14 : i64, tpu.core_type = #tpu.core_type<sc_vector_subcore>, window_params = [{transform_indices = #map}, {transform_indices = #map1}, {transform_indices = #map1}, {transform_indices = #map2}]} {
    %mul3A = arith.constant 625 : i32
    %mul3A_0 = arith.muli %arg1, %mul3A : i32
    "tpu.region"() ({
      %run_scoped3A_78 = tpu.sem_alloc : memref<!tpu.dma_semaphore, #tpu.memory_space<semaphore_mem>>
      %dma_start3A_79 = arith.constant 0 : i32
      %dma_start3A_80 = tpu.memref_slice %arg9[%mul3A_0, %dma_start3A_79] : memref<10000x64xf32, #tpu.memory_space<vmem_shared>> -> memref<625x64xf32, #tpu.memory_space<vmem_shared>>
      tpu.enqueue_dma source(%arg4 : memref<625x64xf32, #tpu.memory_space<hbm>>) target(%dma_start3A_80 : memref<625x64xf32, #tpu.memory_space<vmem_shared>>) target_semaphore(%run_scoped3A_78 : memref<!tpu.dma_semaphore, #tpu.memory_space<semaphore_mem>>)
      %dma_wait3A_81 = arith.constant 0 : i32
      %dma_wait3A_82 = tpu.memref_slice %arg9[%mul3A_0, %dma_wait3A_81] : memref<10000x64xf32, #tpu.memory_space<vmem_shared>> -> memref<625x64xf32, #tpu.memory_space<vmem_shared>>
      tpu.wait_dma2 semaphore(%run_scoped3A_78 : memref<!tpu.dma_semaphore, #tpu.memory_space<semaphore_mem>>) src(%arg4 : memref<625x64xf32, #tpu.memory_space<hbm>>) dst(%dma_wait3A_82 : memref<625x64xf32, #tpu.memory_space<vmem_shared>>)
      tpu.yield
    }) : () -> ()
    %run_scoped3A = arith.constant 0 : i32
    "tpu.region"() ({
      %run_scoped3A_78 = tpu.sem_alloc : memref<!tpu.dma_semaphore, #tpu.memory_space<semaphore_mem>>
      %dma_start3A_79 = arith.constant 0 : i32
      %dma_start3A_80 = arith.constant 0 : i32
      %dma_start3A_81 = tpu.memref_slice %arg2[%run_scoped3A, %arg1, %dma_start3A_79, %dma_start3A_80] : memref<2x16x250x80xi32, #tpu.memory_space<hbm>> -> memref<1x1x250x80xi32, #tpu.memory_space<hbm>>
      %dma_start3A_82 = tpu.memref_squeeze %dma_start3A_81 : memref<1x1x250x80xi32, #tpu.memory_space<hbm>> -> memref<250x80xi32, #tpu.memory_space<hbm>>
      %dma_start3A_83 = arith.constant 0 : i32
      %dma_start3A_84 = arith.constant 0 : i32
      %dma_start3A_85 = tpu.memref_slice %arg2[%run_scoped3A, %arg1, %dma_start3A_83, %dma_start3A_84] : memref<2x16x250x80xi32, #tpu.memory_space<hbm>> -> memref<1x1x250x80xi32, #tpu.memory_space<hbm>>
      %dma_start3A_86 = tpu.memref_squeeze %dma_start3A_85 : memref<1x1x250x80xi32, #tpu.memory_space<hbm>> -> memref<250x80xi32, #tpu.memory_space<hbm>>
      tpu.enqueue_dma source(%dma_start3A_86 : memref<250x80xi32, #tpu.memory_space<hbm>>) target(%arg6 : memref<250x80xi32, #tpu.memory_space<vmem>>) target_semaphore(%run_scoped3A_78 : memref<!tpu.dma_semaphore, #tpu.memory_space<semaphore_mem>>)
      %dma_wait3A_87 = arith.constant 0 : i32
      %dma_wait3A_88 = arith.constant 0 : i32
      %dma_wait3A_89 = tpu.memref_slice %arg2[%run_scoped3A, %arg1, %dma_wait3A_87, %dma_wait3A_88] : memref<2x16x250x80xi32, #tpu.memory_space<hbm>> -> memref<1x1x250x80xi32, #tpu.memory_space<hbm>>
      %dma_wait3A_90 = tpu.memref_squeeze %dma_wait3A_89 : memref<1x1x250x80xi32, #tpu.memory_space<hbm>> -> memref<250x80xi32, #tpu.memory_space<hbm>>
      %dma_wait3A_91 = arith.constant 0 : i32
      %dma_wait3A_92 = arith.constant 0 : i32
      %dma_wait3A_93 = tpu.memref_slice %arg2[%run_scoped3A, %arg1, %dma_wait3A_91, %dma_wait3A_92] : memref<2x16x250x80xi32, #tpu.memory_space<hbm>> -> memref<1x1x250x80xi32, #tpu.memory_space<hbm>>
      %dma_wait3A_94 = tpu.memref_squeeze %dma_wait3A_93 : memref<1x1x250x80xi32, #tpu.memory_space<hbm>> -> memref<250x80xi32, #tpu.memory_space<hbm>>
      tpu.wait_dma2 semaphore(%run_scoped3A_78 : memref<!tpu.dma_semaphore, #tpu.memory_space<semaphore_mem>>) src(%dma_wait3A_94 : memref<250x80xi32, #tpu.memory_space<hbm>>) dst(%arg6 : memref<250x80xi32, #tpu.memory_space<vmem>>)
      tpu.yield
    }) : () -> ()
    %run_scoped3A_1 = arith.constant 1 : i32
    "tpu.region"() ({
      %run_scoped3A_78 = tpu.sem_alloc : memref<!tpu.dma_semaphore, #tpu.memory_space<semaphore_mem>>
      %dma_start3A_79 = arith.constant 0 : i32
      %dma_start3A_80 = arith.constant 0 : i32
      %dma_start3A_81 = tpu.memref_slice %arg2[%run_scoped3A_1, %arg1, %dma_start3A_79, %dma_start3A_80] : memref<2x16x250x80xi32, #tpu.memory_space<hbm>> -> memref<1x1x250x80xi32, #tpu.memory_space<hbm>>
      %dma_start3A_82 = tpu.memref_squeeze %dma_start3A_81 : memref<1x1x250x80xi32, #tpu.memory_space<hbm>> -> memref<250x80xi32, #tpu.memory_space<hbm>>
      %dma_start3A_83 = arith.constant 0 : i32
      %dma_start3A_84 = arith.constant 0 : i32
      %dma_start3A_85 = tpu.memref_slice %arg2[%run_scoped3A_1, %arg1, %dma_start3A_83, %dma_start3A_84] : memref<2x16x250x80xi32, #tpu.memory_space<hbm>> -> memref<1x1x250x80xi32, #tpu.memory_space<hbm>>
      %dma_start3A_86 = tpu.memref_squeeze %dma_start3A_85 : memref<1x1x250x80xi32, #tpu.memory_space<hbm>> -> memref<250x80xi32, #tpu.memory_space<hbm>>
      tpu.enqueue_dma source(%dma_start3A_86 : memref<250x80xi32, #tpu.memory_space<hbm>>) target(%arg7 : memref<250x80xi32, #tpu.memory_space<vmem>>) target_semaphore(%run_scoped3A_78 : memref<!tpu.dma_semaphore, #tpu.memory_space<semaphore_mem>>)
      %dma_wait3A_87 = arith.constant 0 : i32
      %dma_wait3A_88 = arith.constant 0 : i32
      %dma_wait3A_89 = tpu.memref_slice %arg2[%run_scoped3A_1, %arg1, %dma_wait3A_87, %dma_wait3A_88] : memref<2x16x250x80xi32, #tpu.memory_space<hbm>> -> memref<1x1x250x80xi32, #tpu.memory_space<hbm>>
      %dma_wait3A_90 = tpu.memref_squeeze %dma_wait3A_89 : memref<1x1x250x80xi32, #tpu.memory_space<hbm>> -> memref<250x80xi32, #tpu.memory_space<hbm>>
      %dma_wait3A_91 = arith.constant 0 : i32
      %dma_wait3A_92 = arith.constant 0 : i32
      %dma_wait3A_93 = tpu.memref_slice %arg2[%run_scoped3A_1, %arg1, %dma_wait3A_91, %dma_wait3A_92] : memref<2x16x250x80xi32, #tpu.memory_space<hbm>> -> memref<1x1x250x80xi32, #tpu.memory_space<hbm>>
      %dma_wait3A_94 = tpu.memref_squeeze %dma_wait3A_93 : memref<1x1x250x80xi32, #tpu.memory_space<hbm>> -> memref<250x80xi32, #tpu.memory_space<hbm>>
      tpu.wait_dma2 semaphore(%run_scoped3A_78 : memref<!tpu.dma_semaphore, #tpu.memory_space<semaphore_mem>>) src(%dma_wait3A_94 : memref<250x80xi32, #tpu.memory_space<hbm>>) dst(%arg7 : memref<250x80xi32, #tpu.memory_space<vmem>>)
      tpu.yield
    }) : () -> ()
    %barrier3A = arith.constant 0 : index
    tpu.barrier barrier_id(%barrier3A)
    %mul3A_2 = arith.constant 10000 : i32
    %mul3A_3 = arith.muli %arg0, %mul3A_2 : i32
    %dma_start3A = arith.constant 0 : i32
    %dma_start3A_4 = arith.constant 0 : i32
    %dma_start3A_5 = arith.constant 0 : i32
    %dma_start3A_6 = arith.constant 0 : i32
    %dma_start3A_7 = tpu.memref_slice %arg8[%dma_start3A_4, %dma_start3A_5, %dma_start3A_6] : memref<5x80x64xf32, #tpu.memory_space<vmem>> -> memref<1x80x64xf32, #tpu.memory_space<vmem>>
    %dma_start3A_8 = tpu.memref_squeeze %dma_start3A_7 : memref<1x80x64xf32, #tpu.memory_space<vmem>> -> memref<80x64xf32, #tpu.memory_space<vmem>>
    %dma_start3A_9 = arith.constant 0 : i32
    %dma_start3A_10 = tpu.memref_slice %arg6[%dma_start3A, %dma_start3A_9] : memref<250x80xi32, #tpu.memory_space<vmem>> -> memref<1x80xi32, #tpu.memory_space<vmem>>
    %dma_start3A_11 = tpu.memref_squeeze %dma_start3A_10 : memref<1x80xi32, #tpu.memory_space<vmem>> -> memref<80xi32, #tpu.memory_space<vmem>>
    %dma_start3A_12 = arith.constant 0 : i32
    %dma_start3A_13 = tpu.memref_slice %arg3[%mul3A_3, %dma_start3A_12] : memref<20000x64xf32, #tpu.memory_space<hbm>> -> memref<10000x64xf32, #tpu.memory_space<hbm>>
    %dma_start3A_14 = arith.constant 0 : i32
    %dma_start3A_15 = arith.constant 0 : i32
    %dma_start3A_16 = tpu.memref_slice %dma_start3A_13[%dma_start3A_14, %dma_start3A_15] : memref<10000x64xf32, #tpu.memory_space<hbm>> -> memref<10000x64xf32, #tpu.memory_space<hbm>>
    tpu.enqueue_indirect_dma source(%dma_start3A_16 : memref<10000x64xf32, #tpu.memory_space<hbm>>) target(%dma_start3A_8 : memref<80x64xf32, #tpu.memory_space<vmem>>) offsets(%dma_start3A_11 : memref<80xi32, #tpu.memory_space<vmem>>) semaphore(%arg10 : memref<!tpu.dma_semaphore, #tpu.memory_space<semaphore_mem>>)
    %dma_start3A_17 = arith.constant 1 : i32
    %dma_start3A_18 = arith.constant 1 : i32
    %dma_start3A_19 = arith.constant 0 : i32
    %dma_start3A_20 = arith.constant 0 : i32
    %dma_start3A_21 = tpu.memref_slice %arg8[%dma_start3A_18, %dma_start3A_19, %dma_start3A_20] : memref<5x80x64xf32, #tpu.memory_space<vmem>> -> memref<1x80x64xf32, #tpu.memory_space<vmem>>
    %dma_start3A_22 = tpu.memref_squeeze %dma_start3A_21 : memref<1x80x64xf32, #tpu.memory_space<vmem>> -> memref<80x64xf32, #tpu.memory_space<vmem>>
    %dma_start3A_23 = arith.constant 0 : i32
    %dma_start3A_24 = tpu.memref_slice %arg6[%dma_start3A_17, %dma_start3A_23] : memref<250x80xi32, #tpu.memory_space<vmem>> -> memref<1x80xi32, #tpu.memory_space<vmem>>
    %dma_start3A_25 = tpu.memref_squeeze %dma_start3A_24 : memref<1x80xi32, #tpu.memory_space<vmem>> -> memref<80xi32, #tpu.memory_space<vmem>>
    %dma_start3A_26 = arith.constant 0 : i32
    %dma_start3A_27 = tpu.memref_slice %arg3[%mul3A_3, %dma_start3A_26] : memref<20000x64xf32, #tpu.memory_space<hbm>> -> memref<10000x64xf32, #tpu.memory_space<hbm>>
    %dma_start3A_28 = arith.constant 0 : i32
    %dma_start3A_29 = arith.constant 0 : i32
    %dma_start3A_30 = tpu.memref_slice %dma_start3A_27[%dma_start3A_28, %dma_start3A_29] : memref<10000x64xf32, #tpu.memory_space<hbm>> -> memref<10000x64xf32, #tpu.memory_space<hbm>>
    tpu.enqueue_indirect_dma source(%dma_start3A_30 : memref<10000x64xf32, #tpu.memory_space<hbm>>) target(%dma_start3A_22 : memref<80x64xf32, #tpu.memory_space<vmem>>) offsets(%dma_start3A_25 : memref<80xi32, #tpu.memory_space<vmem>>) semaphore(%arg11 : memref<!tpu.dma_semaphore, #tpu.memory_space<semaphore_mem>>)
    %dma_start3A_31 = arith.constant 2 : i32
    %dma_start3A_32 = arith.constant 2 : i32
    %dma_start3A_33 = arith.constant 0 : i32
    %dma_start3A_34 = arith.constant 0 : i32
    %dma_start3A_35 = tpu.memref_slice %arg8[%dma_start3A_32, %dma_start3A_33, %dma_start3A_34] : memref<5x80x64xf32, #tpu.memory_space<vmem>> -> memref<1x80x64xf32, #tpu.memory_space<vmem>>
    %dma_start3A_36 = tpu.memref_squeeze %dma_start3A_35 : memref<1x80x64xf32, #tpu.memory_space<vmem>> -> memref<80x64xf32, #tpu.memory_space<vmem>>
    %dma_start3A_37 = arith.constant 0 : i32
    %dma_start3A_38 = tpu.memref_slice %arg6[%dma_start3A_31, %dma_start3A_37] : memref<250x80xi32, #tpu.memory_space<vmem>> -> memref<1x80xi32, #tpu.memory_space<vmem>>
    %dma_start3A_39 = tpu.memref_squeeze %dma_start3A_38 : memref<1x80xi32, #tpu.memory_space<vmem>> -> memref<80xi32, #tpu.memory_space<vmem>>
    %dma_start3A_40 = arith.constant 0 : i32
    %dma_start3A_41 = tpu.memref_slice %arg3[%mul3A_3, %dma_start3A_40] : memref<20000x64xf32, #tpu.memory_space<hbm>> -> memref<10000x64xf32, #tpu.memory_space<hbm>>
    %dma_start3A_42 = arith.constant 0 : i32
    %dma_start3A_43 = arith.constant 0 : i32
    %dma_start3A_44 = tpu.memref_slice %dma_start3A_41[%dma_start3A_42, %dma_start3A_43] : memref<10000x64xf32, #tpu.memory_space<hbm>> -> memref<10000x64xf32, #tpu.memory_space<hbm>>
    tpu.enqueue_indirect_dma source(%dma_start3A_44 : memref<10000x64xf32, #tpu.memory_space<hbm>>) target(%dma_start3A_36 : memref<80x64xf32, #tpu.memory_space<vmem>>) offsets(%dma_start3A_39 : memref<80xi32, #tpu.memory_space<vmem>>) semaphore(%arg12 : memref<!tpu.dma_semaphore, #tpu.memory_space<semaphore_mem>>)
    %scan3A = arith.constant 0 : i32
    %scan3A_45 = arith.constant 0 : i32
    %scan3A_46 = arith.constant 50 : i32
    %scan3A_47 = arith.addi %scan3A_45, %scan3A_46 : i32
    %scan3A_48 = arith.constant 1 : i32
    scf.for %scan3A_78 = %scan3A_45 to %scan3A_47 step %scan3A_48  : i32 {
      %mul3A_79 = arith.constant 5 : i32
      %mul3A_80 = arith.muli %scan3A_78, %mul3A_79 : i32
      %add3A = arith.constant 0 : i32
      %add3A_81 = arith.addi %mul3A_80, %add3A : i32
      %ge3A = arith.constant 2 : i32
      %ge3A_82 = arith.cmpi sge, %add3A_81, %ge3A : i32
      %convert_element_type3A = arith.extui %ge3A_82 : i1 to i32
      %cond3A = arith.constant 0 : i32
      %cond3A_83 = arith.cmpi ne, %convert_element_type3A, %cond3A : i32
      scf.if %cond3A_83 {
        %sub3A_283 = arith.constant 2 : i32
        %sub3A_284 = arith.subi %add3A_81, %sub3A_283 : i32
        %dma_wait3A_285 = arith.constant 3 : i32
        %dma_wait3A_286 = arith.constant 0 : i32
        %dma_wait3A_287 = arith.constant 0 : i32
        %dma_wait3A_288 = tpu.memref_slice %arg8[%dma_wait3A_285, %dma_wait3A_286, %dma_wait3A_287] : memref<5x80x64xf32, #tpu.memory_space<vmem>> -> memref<1x80x64xf32, #tpu.memory_space<vmem>>
        %dma_wait3A_289 = tpu.memref_squeeze %dma_wait3A_288 : memref<1x80x64xf32, #tpu.memory_space<vmem>> -> memref<80x64xf32, #tpu.memory_space<vmem>>
        %dma_wait3A_290 = arith.constant 0 : i32
        %dma_wait3A_291 = tpu.memref_slice %arg7[%sub3A_284, %dma_wait3A_290] : memref<250x80xi32, #tpu.memory_space<vmem>> -> memref<1x80xi32, #tpu.memory_space<vmem>>
        %dma_wait3A_292 = tpu.memref_squeeze %dma_wait3A_291 : memref<1x80xi32, #tpu.memory_space<vmem>> -> memref<80xi32, #tpu.memory_space<vmem>>
        %dma_wait3A_293 = arith.constant 0 : i32
        %dma_wait3A_294 = arith.constant 0 : i32
        %dma_wait3A_295 = tpu.memref_slice %arg9[%dma_wait3A_293, %dma_wait3A_294] : memref<10000x64xf32, #tpu.memory_space<vmem_shared>> -> memref<10000x64xf32, #tpu.memory_space<vmem_shared>>
        tpu.wait_indirect_dma semaphore(%arg18 : memref<!tpu.dma_semaphore, #tpu.memory_space<semaphore_mem>>) src(%dma_wait3A_289 : memref<80x64xf32, #tpu.memory_space<vmem>>) dst(%dma_wait3A_295 : memref<10000x64xf32, #tpu.memory_space<vmem_shared>>)
      } else {
      }
      %add3A_84 = arith.constant 5 : i32
      %add3A_85 = arith.addi %add3A_81, %add3A_84 : i32
      %sub3A = arith.constant 2 : i32
      %sub3A_86 = arith.subi %add3A_85, %sub3A : i32
      %lt3A = arith.constant 250 : i32
      %lt3A_87 = arith.cmpi slt, %sub3A_86, %lt3A : i32
      %convert_element_type3A_88 = arith.extui %lt3A_87 : i1 to i32
      %cond3A_89 = arith.constant 0 : i32
      %cond3A_90 = arith.cmpi ne, %convert_element_type3A_88, %cond3A_89 : i32
      scf.if %cond3A_90 {
        %add3A_283 = arith.constant 5 : i32
        %add3A_284 = arith.addi %add3A_81, %add3A_283 : i32
        %sub3A_285 = arith.constant 2 : i32
        %sub3A_286 = arith.subi %add3A_284, %sub3A_285 : i32
        %dma_start3A_287 = arith.constant 3 : i32
        %dma_start3A_288 = arith.constant 0 : i32
        %dma_start3A_289 = arith.constant 0 : i32
        %dma_start3A_290 = tpu.memref_slice %arg8[%dma_start3A_287, %dma_start3A_288, %dma_start3A_289] : memref<5x80x64xf32, #tpu.memory_space<vmem>> -> memref<1x80x64xf32, #tpu.memory_space<vmem>>
        %dma_start3A_291 = tpu.memref_squeeze %dma_start3A_290 : memref<1x80x64xf32, #tpu.memory_space<vmem>> -> memref<80x64xf32, #tpu.memory_space<vmem>>
        %dma_start3A_292 = arith.constant 0 : i32
        %dma_start3A_293 = tpu.memref_slice %arg6[%sub3A_286, %dma_start3A_292] : memref<250x80xi32, #tpu.memory_space<vmem>> -> memref<1x80xi32, #tpu.memory_space<vmem>>
        %dma_start3A_294 = tpu.memref_squeeze %dma_start3A_293 : memref<1x80xi32, #tpu.memory_space<vmem>> -> memref<80xi32, #tpu.memory_space<vmem>>
        %dma_start3A_295 = arith.constant 0 : i32
        %dma_start3A_296 = tpu.memref_slice %arg3[%mul3A_3, %dma_start3A_295] : memref<20000x64xf32, #tpu.memory_space<hbm>> -> memref<10000x64xf32, #tpu.memory_space<hbm>>
        %dma_start3A_297 = arith.constant 0 : i32
        %dma_start3A_298 = arith.constant 0 : i32
        %dma_start3A_299 = tpu.memref_slice %dma_start3A_296[%dma_start3A_297, %dma_start3A_298] : memref<10000x64xf32, #tpu.memory_space<hbm>> -> memref<10000x64xf32, #tpu.memory_space<hbm>>
        tpu.enqueue_indirect_dma source(%dma_start3A_299 : memref<10000x64xf32, #tpu.memory_space<hbm>>) target(%dma_start3A_291 : memref<80x64xf32, #tpu.memory_space<vmem>>) offsets(%dma_start3A_294 : memref<80xi32, #tpu.memory_space<vmem>>) semaphore(%arg13 : memref<!tpu.dma_semaphore, #tpu.memory_space<semaphore_mem>>)
      } else {
      }
      %dma_wait3A_91 = arith.constant 0 : i32
      %dma_wait3A_92 = arith.constant 0 : i32
      %dma_wait3A_93 = arith.constant 0 : i32
      %dma_wait3A_94 = tpu.memref_slice %arg8[%dma_wait3A_91, %dma_wait3A_92, %dma_wait3A_93] : memref<5x80x64xf32, #tpu.memory_space<vmem>> -> memref<1x80x64xf32, #tpu.memory_space<vmem>>
      %dma_wait3A_95 = tpu.memref_squeeze %dma_wait3A_94 : memref<1x80x64xf32, #tpu.memory_space<vmem>> -> memref<80x64xf32, #tpu.memory_space<vmem>>
      %dma_wait3A_96 = arith.constant 0 : i32
      %dma_wait3A_97 = tpu.memref_slice %arg6[%add3A_81, %dma_wait3A_96] : memref<250x80xi32, #tpu.memory_space<vmem>> -> memref<1x80xi32, #tpu.memory_space<vmem>>
      %dma_wait3A_98 = tpu.memref_squeeze %dma_wait3A_97 : memref<1x80xi32, #tpu.memory_space<vmem>> -> memref<80xi32, #tpu.memory_space<vmem>>
      %dma_wait3A_99 = arith.constant 0 : i32
      %dma_wait3A_100 = tpu.memref_slice %arg3[%mul3A_3, %dma_wait3A_99] : memref<20000x64xf32, #tpu.memory_space<hbm>> -> memref<10000x64xf32, #tpu.memory_space<hbm>>
      %dma_wait3A_101 = arith.constant 0 : i32
      %dma_wait3A_102 = arith.constant 0 : i32
      %dma_wait3A_103 = tpu.memref_slice %dma_wait3A_100[%dma_wait3A_101, %dma_wait3A_102] : memref<10000x64xf32, #tpu.memory_space<hbm>> -> memref<10000x64xf32, #tpu.memory_space<hbm>>
      tpu.wait_indirect_dma semaphore(%arg10 : memref<!tpu.dma_semaphore, #tpu.memory_space<semaphore_mem>>) src(%dma_wait3A_103 : memref<10000x64xf32, #tpu.memory_space<hbm>>) dst(%dma_wait3A_95 : memref<80x64xf32, #tpu.memory_space<vmem>>)
      %dma_start3A_104 = arith.constant 0 : i32
      %dma_start3A_105 = arith.constant 0 : i32
      %dma_start3A_106 = arith.constant 0 : i32
      %dma_start3A_107 = tpu.memref_slice %arg8[%dma_start3A_104, %dma_start3A_105, %dma_start3A_106] : memref<5x80x64xf32, #tpu.memory_space<vmem>> -> memref<1x80x64xf32, #tpu.memory_space<vmem>>
      %dma_start3A_108 = tpu.memref_squeeze %dma_start3A_107 : memref<1x80x64xf32, #tpu.memory_space<vmem>> -> memref<80x64xf32, #tpu.memory_space<vmem>>
      %dma_start3A_109 = arith.constant 0 : i32
      %dma_start3A_110 = tpu.memref_slice %arg7[%add3A_81, %dma_start3A_109] : memref<250x80xi32, #tpu.memory_space<vmem>> -> memref<1x80xi32, #tpu.memory_space<vmem>>
      %dma_start3A_111 = tpu.memref_squeeze %dma_start3A_110 : memref<1x80xi32, #tpu.memory_space<vmem>> -> memref<80xi32, #tpu.memory_space<vmem>>
      %dma_start3A_112 = arith.constant 0 : i32
      %dma_start3A_113 = arith.constant 0 : i32
      %dma_start3A_114 = tpu.memref_slice %arg9[%dma_start3A_112, %dma_start3A_113] : memref<10000x64xf32, #tpu.memory_space<vmem_shared>> -> memref<10000x64xf32, #tpu.memory_space<vmem_shared>>
      tpu.enqueue_indirect_dma source(%dma_start3A_108 : memref<80x64xf32, #tpu.memory_space<vmem>>) target(%dma_start3A_114 : memref<10000x64xf32, #tpu.memory_space<vmem_shared>>) offsets(%dma_start3A_111 : memref<80xi32, #tpu.memory_space<vmem>>) semaphore(%arg15 : memref<!tpu.dma_semaphore, #tpu.memory_space<semaphore_mem>>) {add = true}
      %mul3A_115 = arith.constant 5 : i32
      %mul3A_116 = arith.muli %scan3A_78, %mul3A_115 : i32
      %add3A_117 = arith.constant 1 : i32
      %add3A_118 = arith.addi %mul3A_116, %add3A_117 : i32
      %ge3A_119 = arith.constant 2 : i32
      %ge3A_120 = arith.cmpi sge, %add3A_118, %ge3A_119 : i32
      %convert_element_type3A_121 = arith.extui %ge3A_120 : i1 to i32
      %cond3A_122 = arith.constant 0 : i32
      %cond3A_123 = arith.cmpi ne, %convert_element_type3A_121, %cond3A_122 : i32
      scf.if %cond3A_123 {
        %sub3A_283 = arith.constant 2 : i32
        %sub3A_284 = arith.subi %add3A_118, %sub3A_283 : i32
        %dma_wait3A_285 = arith.constant 4 : i32
        %dma_wait3A_286 = arith.constant 0 : i32
        %dma_wait3A_287 = arith.constant 0 : i32
        %dma_wait3A_288 = tpu.memref_slice %arg8[%dma_wait3A_285, %dma_wait3A_286, %dma_wait3A_287] : memref<5x80x64xf32, #tpu.memory_space<vmem>> -> memref<1x80x64xf32, #tpu.memory_space<vmem>>
        %dma_wait3A_289 = tpu.memref_squeeze %dma_wait3A_288 : memref<1x80x64xf32, #tpu.memory_space<vmem>> -> memref<80x64xf32, #tpu.memory_space<vmem>>
        %dma_wait3A_290 = arith.constant 0 : i32
        %dma_wait3A_291 = tpu.memref_slice %arg7[%sub3A_284, %dma_wait3A_290] : memref<250x80xi32, #tpu.memory_space<vmem>> -> memref<1x80xi32, #tpu.memory_space<vmem>>
        %dma_wait3A_292 = tpu.memref_squeeze %dma_wait3A_291 : memref<1x80xi32, #tpu.memory_space<vmem>> -> memref<80xi32, #tpu.memory_space<vmem>>
        %dma_wait3A_293 = arith.constant 0 : i32
        %dma_wait3A_294 = arith.constant 0 : i32
        %dma_wait3A_295 = tpu.memref_slice %arg9[%dma_wait3A_293, %dma_wait3A_294] : memref<10000x64xf32, #tpu.memory_space<vmem_shared>> -> memref<10000x64xf32, #tpu.memory_space<vmem_shared>>
        tpu.wait_indirect_dma semaphore(%arg19 : memref<!tpu.dma_semaphore, #tpu.memory_space<semaphore_mem>>) src(%dma_wait3A_289 : memref<80x64xf32, #tpu.memory_space<vmem>>) dst(%dma_wait3A_295 : memref<10000x64xf32, #tpu.memory_space<vmem_shared>>)
      } else {
      }
      %add3A_124 = arith.constant 5 : i32
      %add3A_125 = arith.addi %add3A_118, %add3A_124 : i32
      %sub3A_126 = arith.constant 2 : i32
      %sub3A_127 = arith.subi %add3A_125, %sub3A_126 : i32
      %lt3A_128 = arith.constant 250 : i32
      %lt3A_129 = arith.cmpi slt, %sub3A_127, %lt3A_128 : i32
      %convert_element_type3A_130 = arith.extui %lt3A_129 : i1 to i32
      %cond3A_131 = arith.constant 0 : i32
      %cond3A_132 = arith.cmpi ne, %convert_element_type3A_130, %cond3A_131 : i32
      scf.if %cond3A_132 {
        %add3A_283 = arith.constant 5 : i32
        %add3A_284 = arith.addi %add3A_118, %add3A_283 : i32
        %sub3A_285 = arith.constant 2 : i32
        %sub3A_286 = arith.subi %add3A_284, %sub3A_285 : i32
        %dma_start3A_287 = arith.constant 4 : i32
        %dma_start3A_288 = arith.constant 0 : i32
        %dma_start3A_289 = arith.constant 0 : i32
        %dma_start3A_290 = tpu.memref_slice %arg8[%dma_start3A_287, %dma_start3A_288, %dma_start3A_289] : memref<5x80x64xf32, #tpu.memory_space<vmem>> -> memref<1x80x64xf32, #tpu.memory_space<vmem>>
        %dma_start3A_291 = tpu.memref_squeeze %dma_start3A_290 : memref<1x80x64xf32, #tpu.memory_space<vmem>> -> memref<80x64xf32, #tpu.memory_space<vmem>>
        %dma_start3A_292 = arith.constant 0 : i32
        %dma_start3A_293 = tpu.memref_slice %arg6[%sub3A_286, %dma_start3A_292] : memref<250x80xi32, #tpu.memory_space<vmem>> -> memref<1x80xi32, #tpu.memory_space<vmem>>
        %dma_start3A_294 = tpu.memref_squeeze %dma_start3A_293 : memref<1x80xi32, #tpu.memory_space<vmem>> -> memref<80xi32, #tpu.memory_space<vmem>>
        %dma_start3A_295 = arith.constant 0 : i32
        %dma_start3A_296 = tpu.memref_slice %arg3[%mul3A_3, %dma_start3A_295] : memref<20000x64xf32, #tpu.memory_space<hbm>> -> memref<10000x64xf32, #tpu.memory_space<hbm>>
        %dma_start3A_297 = arith.constant 0 : i32
        %dma_start3A_298 = arith.constant 0 : i32
        %dma_start3A_299 = tpu.memref_slice %dma_start3A_296[%dma_start3A_297, %dma_start3A_298] : memref<10000x64xf32, #tpu.memory_space<hbm>> -> memref<10000x64xf32, #tpu.memory_space<hbm>>
        tpu.enqueue_indirect_dma source(%dma_start3A_299 : memref<10000x64xf32, #tpu.memory_space<hbm>>) target(%dma_start3A_291 : memref<80x64xf32, #tpu.memory_space<vmem>>) offsets(%dma_start3A_294 : memref<80xi32, #tpu.memory_space<vmem>>) semaphore(%arg14 : memref<!tpu.dma_semaphore, #tpu.memory_space<semaphore_mem>>)
      } else {
      }
      %dma_wait3A_133 = arith.constant 1 : i32
      %dma_wait3A_134 = arith.constant 0 : i32
      %dma_wait3A_135 = arith.constant 0 : i32
      %dma_wait3A_136 = tpu.memref_slice %arg8[%dma_wait3A_133, %dma_wait3A_134, %dma_wait3A_135] : memref<5x80x64xf32, #tpu.memory_space<vmem>> -> memref<1x80x64xf32, #tpu.memory_space<vmem>>
      %dma_wait3A_137 = tpu.memref_squeeze %dma_wait3A_136 : memref<1x80x64xf32, #tpu.memory_space<vmem>> -> memref<80x64xf32, #tpu.memory_space<vmem>>
      %dma_wait3A_138 = arith.constant 0 : i32
      %dma_wait3A_139 = tpu.memref_slice %arg6[%add3A_118, %dma_wait3A_138] : memref<250x80xi32, #tpu.memory_space<vmem>> -> memref<1x80xi32, #tpu.memory_space<vmem>>
      %dma_wait3A_140 = tpu.memref_squeeze %dma_wait3A_139 : memref<1x80xi32, #tpu.memory_space<vmem>> -> memref<80xi32, #tpu.memory_space<vmem>>
      %dma_wait3A_141 = arith.constant 0 : i32
      %dma_wait3A_142 = tpu.memref_slice %arg3[%mul3A_3, %dma_wait3A_141] : memref<20000x64xf32, #tpu.memory_space<hbm>> -> memref<10000x64xf32, #tpu.memory_space<hbm>>
      %dma_wait3A_143 = arith.constant 0 : i32
      %dma_wait3A_144 = arith.constant 0 : i32
      %dma_wait3A_145 = tpu.memref_slice %dma_wait3A_142[%dma_wait3A_143, %dma_wait3A_144] : memref<10000x64xf32, #tpu.memory_space<hbm>> -> memref<10000x64xf32, #tpu.memory_space<hbm>>
      tpu.wait_indirect_dma semaphore(%arg11 : memref<!tpu.dma_semaphore, #tpu.memory_space<semaphore_mem>>) src(%dma_wait3A_145 : memref<10000x64xf32, #tpu.memory_space<hbm>>) dst(%dma_wait3A_137 : memref<80x64xf32, #tpu.memory_space<vmem>>)
      %dma_start3A_146 = arith.constant 1 : i32
      %dma_start3A_147 = arith.constant 0 : i32
      %dma_start3A_148 = arith.constant 0 : i32
      %dma_start3A_149 = tpu.memref_slice %arg8[%dma_start3A_146, %dma_start3A_147, %dma_start3A_148] : memref<5x80x64xf32, #tpu.memory_space<vmem>> -> memref<1x80x64xf32, #tpu.memory_space<vmem>>
      %dma_start3A_150 = tpu.memref_squeeze %dma_start3A_149 : memref<1x80x64xf32, #tpu.memory_space<vmem>> -> memref<80x64xf32, #tpu.memory_space<vmem>>
      %dma_start3A_151 = arith.constant 0 : i32
      %dma_start3A_152 = tpu.memref_slice %arg7[%add3A_118, %dma_start3A_151] : memref<250x80xi32, #tpu.memory_space<vmem>> -> memref<1x80xi32, #tpu.memory_space<vmem>>
      %dma_start3A_153 = tpu.memref_squeeze %dma_start3A_152 : memref<1x80xi32, #tpu.memory_space<vmem>> -> memref<80xi32, #tpu.memory_space<vmem>>
      %dma_start3A_154 = arith.constant 0 : i32
      %dma_start3A_155 = arith.constant 0 : i32
      %dma_start3A_156 = tpu.memref_slice %arg9[%dma_start3A_154, %dma_start3A_155] : memref<10000x64xf32, #tpu.memory_space<vmem_shared>> -> memref<10000x64xf32, #tpu.memory_space<vmem_shared>>
      tpu.enqueue_indirect_dma source(%dma_start3A_150 : memref<80x64xf32, #tpu.memory_space<vmem>>) target(%dma_start3A_156 : memref<10000x64xf32, #tpu.memory_space<vmem_shared>>) offsets(%dma_start3A_153 : memref<80xi32, #tpu.memory_space<vmem>>) semaphore(%arg16 : memref<!tpu.dma_semaphore, #tpu.memory_space<semaphore_mem>>) {add = true}
      %mul3A_157 = arith.constant 5 : i32
      %mul3A_158 = arith.muli %scan3A_78, %mul3A_157 : i32
      %add3A_159 = arith.constant 2 : i32
      %add3A_160 = arith.addi %mul3A_158, %add3A_159 : i32
      %ge3A_161 = arith.constant 2 : i32
      %ge3A_162 = arith.cmpi sge, %add3A_160, %ge3A_161 : i32
      %convert_element_type3A_163 = arith.extui %ge3A_162 : i1 to i32
      %cond3A_164 = arith.constant 0 : i32
      %cond3A_165 = arith.cmpi ne, %convert_element_type3A_163, %cond3A_164 : i32
      scf.if %cond3A_165 {
        %sub3A_283 = arith.constant 2 : i32
        %sub3A_284 = arith.subi %add3A_160, %sub3A_283 : i32
        %dma_wait3A_285 = arith.constant 0 : i32
        %dma_wait3A_286 = arith.constant 0 : i32
        %dma_wait3A_287 = arith.constant 0 : i32
        %dma_wait3A_288 = tpu.memref_slice %arg8[%dma_wait3A_285, %dma_wait3A_286, %dma_wait3A_287] : memref<5x80x64xf32, #tpu.memory_space<vmem>> -> memref<1x80x64xf32, #tpu.memory_space<vmem>>
        %dma_wait3A_289 = tpu.memref_squeeze %dma_wait3A_288 : memref<1x80x64xf32, #tpu.memory_space<vmem>> -> memref<80x64xf32, #tpu.memory_space<vmem>>
        %dma_wait3A_290 = arith.constant 0 : i32
        %dma_wait3A_291 = tpu.memref_slice %arg7[%sub3A_284, %dma_wait3A_290] : memref<250x80xi32, #tpu.memory_space<vmem>> -> memref<1x80xi32, #tpu.memory_space<vmem>>
        %dma_wait3A_292 = tpu.memref_squeeze %dma_wait3A_291 : memref<1x80xi32, #tpu.memory_space<vmem>> -> memref<80xi32, #tpu.memory_space<vmem>>
        %dma_wait3A_293 = arith.constant 0 : i32
        %dma_wait3A_294 = arith.constant 0 : i32
        %dma_wait3A_295 = tpu.memref_slice %arg9[%dma_wait3A_293, %dma_wait3A_294] : memref<10000x64xf32, #tpu.memory_space<vmem_shared>> -> memref<10000x64xf32, #tpu.memory_space<vmem_shared>>
        tpu.wait_indirect_dma semaphore(%arg15 : memref<!tpu.dma_semaphore, #tpu.memory_space<semaphore_mem>>) src(%dma_wait3A_289 : memref<80x64xf32, #tpu.memory_space<vmem>>) dst(%dma_wait3A_295 : memref<10000x64xf32, #tpu.memory_space<vmem_shared>>)
      } else {
      }
      %add3A_166 = arith.constant 5 : i32
      %add3A_167 = arith.addi %add3A_160, %add3A_166 : i32
      %sub3A_168 = arith.constant 2 : i32
      %sub3A_169 = arith.subi %add3A_167, %sub3A_168 : i32
      %lt3A_170 = arith.constant 250 : i32
      %lt3A_171 = arith.cmpi slt, %sub3A_169, %lt3A_170 : i32
      %convert_element_type3A_172 = arith.extui %lt3A_171 : i1 to i32
      %cond3A_173 = arith.constant 0 : i32
      %cond3A_174 = arith.cmpi ne, %convert_element_type3A_172, %cond3A_173 : i32
      scf.if %cond3A_174 {
        %add3A_283 = arith.constant 5 : i32
        %add3A_284 = arith.addi %add3A_160, %add3A_283 : i32
        %sub3A_285 = arith.constant 2 : i32
        %sub3A_286 = arith.subi %add3A_284, %sub3A_285 : i32
        %dma_start3A_287 = arith.constant 0 : i32
        %dma_start3A_288 = arith.constant 0 : i32
        %dma_start3A_289 = arith.constant 0 : i32
        %dma_start3A_290 = tpu.memref_slice %arg8[%dma_start3A_287, %dma_start3A_288, %dma_start3A_289] : memref<5x80x64xf32, #tpu.memory_space<vmem>> -> memref<1x80x64xf32, #tpu.memory_space<vmem>>
        %dma_start3A_291 = tpu.memref_squeeze %dma_start3A_290 : memref<1x80x64xf32, #tpu.memory_space<vmem>> -> memref<80x64xf32, #tpu.memory_space<vmem>>
        %dma_start3A_292 = arith.constant 0 : i32
        %dma_start3A_293 = tpu.memref_slice %arg6[%sub3A_286, %dma_start3A_292] : memref<250x80xi32, #tpu.memory_space<vmem>> -> memref<1x80xi32, #tpu.memory_space<vmem>>
        %dma_start3A_294 = tpu.memref_squeeze %dma_start3A_293 : memref<1x80xi32, #tpu.memory_space<vmem>> -> memref<80xi32, #tpu.memory_space<vmem>>
        %dma_start3A_295 = arith.constant 0 : i32
        %dma_start3A_296 = tpu.memref_slice %arg3[%mul3A_3, %dma_start3A_295] : memref<20000x64xf32, #tpu.memory_space<hbm>> -> memref<10000x64xf32, #tpu.memory_space<hbm>>
        %dma_start3A_297 = arith.constant 0 : i32
        %dma_start3A_298 = arith.constant 0 : i32
        %dma_start3A_299 = tpu.memref_slice %dma_start3A_296[%dma_start3A_297, %dma_start3A_298] : memref<10000x64xf32, #tpu.memory_space<hbm>> -> memref<10000x64xf32, #tpu.memory_space<hbm>>
        tpu.enqueue_indirect_dma source(%dma_start3A_299 : memref<10000x64xf32, #tpu.memory_space<hbm>>) target(%dma_start3A_291 : memref<80x64xf32, #tpu.memory_space<vmem>>) offsets(%dma_start3A_294 : memref<80xi32, #tpu.memory_space<vmem>>) semaphore(%arg10 : memref<!tpu.dma_semaphore, #tpu.memory_space<semaphore_mem>>)
      } else {
      }
      %dma_wait3A_175 = arith.constant 2 : i32
      %dma_wait3A_176 = arith.constant 0 : i32
      %dma_wait3A_177 = arith.constant 0 : i32
      %dma_wait3A_178 = tpu.memref_slice %arg8[%dma_wait3A_175, %dma_wait3A_176, %dma_wait3A_177] : memref<5x80x64xf32, #tpu.memory_space<vmem>> -> memref<1x80x64xf32, #tpu.memory_space<vmem>>
      %dma_wait3A_179 = tpu.memref_squeeze %dma_wait3A_178 : memref<1x80x64xf32, #tpu.memory_space<vmem>> -> memref<80x64xf32, #tpu.memory_space<vmem>>
      %dma_wait3A_180 = arith.constant 0 : i32
      %dma_wait3A_181 = tpu.memref_slice %arg6[%add3A_160, %dma_wait3A_180] : memref<250x80xi32, #tpu.memory_space<vmem>> -> memref<1x80xi32, #tpu.memory_space<vmem>>
      %dma_wait3A_182 = tpu.memref_squeeze %dma_wait3A_181 : memref<1x80xi32, #tpu.memory_space<vmem>> -> memref<80xi32, #tpu.memory_space<vmem>>
      %dma_wait3A_183 = arith.constant 0 : i32
      %dma_wait3A_184 = tpu.memref_slice %arg3[%mul3A_3, %dma_wait3A_183] : memref<20000x64xf32, #tpu.memory_space<hbm>> -> memref<10000x64xf32, #tpu.memory_space<hbm>>
      %dma_wait3A_185 = arith.constant 0 : i32
      %dma_wait3A_186 = arith.constant 0 : i32
      %dma_wait3A_187 = tpu.memref_slice %dma_wait3A_184[%dma_wait3A_185, %dma_wait3A_186] : memref<10000x64xf32, #tpu.memory_space<hbm>> -> memref<10000x64xf32, #tpu.memory_space<hbm>>
      tpu.wait_indirect_dma semaphore(%arg12 : memref<!tpu.dma_semaphore, #tpu.memory_space<semaphore_mem>>) src(%dma_wait3A_187 : memref<10000x64xf32, #tpu.memory_space<hbm>>) dst(%dma_wait3A_179 : memref<80x64xf32, #tpu.memory_space<vmem>>)
      %dma_start3A_188 = arith.constant 2 : i32
      %dma_start3A_189 = arith.constant 0 : i32
      %dma_start3A_190 = arith.constant 0 : i32
      %dma_start3A_191 = tpu.memref_slice %arg8[%dma_start3A_188, %dma_start3A_189, %dma_start3A_190] : memref<5x80x64xf32, #tpu.memory_space<vmem>> -> memref<1x80x64xf32, #tpu.memory_space<vmem>>
      %dma_start3A_192 = tpu.memref_squeeze %dma_start3A_191 : memref<1x80x64xf32, #tpu.memory_space<vmem>> -> memref<80x64xf32, #tpu.memory_space<vmem>>
      %dma_start3A_193 = arith.constant 0 : i32
      %dma_start3A_194 = tpu.memref_slice %arg7[%add3A_160, %dma_start3A_193] : memref<250x80xi32, #tpu.memory_space<vmem>> -> memref<1x80xi32, #tpu.memory_space<vmem>>
      %dma_start3A_195 = tpu.memref_squeeze %dma_start3A_194 : memref<1x80xi32, #tpu.memory_space<vmem>> -> memref<80xi32, #tpu.memory_space<vmem>>
      %dma_start3A_196 = arith.constant 0 : i32
      %dma_start3A_197 = arith.constant 0 : i32
      %dma_start3A_198 = tpu.memref_slice %arg9[%dma_start3A_196, %dma_start3A_197] : memref<10000x64xf32, #tpu.memory_space<vmem_shared>> -> memref<10000x64xf32, #tpu.memory_space<vmem_shared>>
      tpu.enqueue_indirect_dma source(%dma_start3A_192 : memref<80x64xf32, #tpu.memory_space<vmem>>) target(%dma_start3A_198 : memref<10000x64xf32, #tpu.memory_space<vmem_shared>>) offsets(%dma_start3A_195 : memref<80xi32, #tpu.memory_space<vmem>>) semaphore(%arg17 : memref<!tpu.dma_semaphore, #tpu.memory_space<semaphore_mem>>) {add = true}
      %mul3A_199 = arith.constant 5 : i32
      %mul3A_200 = arith.muli %scan3A_78, %mul3A_199 : i32
      %add3A_201 = arith.constant 3 : i32
      %add3A_202 = arith.addi %mul3A_200, %add3A_201 : i32
      %ge3A_203 = arith.constant 2 : i32
      %ge3A_204 = arith.cmpi sge, %add3A_202, %ge3A_203 : i32
      %convert_element_type3A_205 = arith.extui %ge3A_204 : i1 to i32
      %cond3A_206 = arith.constant 0 : i32
      %cond3A_207 = arith.cmpi ne, %convert_element_type3A_205, %cond3A_206 : i32
      scf.if %cond3A_207 {
        %sub3A_283 = arith.constant 2 : i32
        %sub3A_284 = arith.subi %add3A_202, %sub3A_283 : i32
        %dma_wait3A_285 = arith.constant 1 : i32
        %dma_wait3A_286 = arith.constant 0 : i32
        %dma_wait3A_287 = arith.constant 0 : i32
        %dma_wait3A_288 = tpu.memref_slice %arg8[%dma_wait3A_285, %dma_wait3A_286, %dma_wait3A_287] : memref<5x80x64xf32, #tpu.memory_space<vmem>> -> memref<1x80x64xf32, #tpu.memory_space<vmem>>
        %dma_wait3A_289 = tpu.memref_squeeze %dma_wait3A_288 : memref<1x80x64xf32, #tpu.memory_space<vmem>> -> memref<80x64xf32, #tpu.memory_space<vmem>>
        %dma_wait3A_290 = arith.constant 0 : i32
        %dma_wait3A_291 = tpu.memref_slice %arg7[%sub3A_284, %dma_wait3A_290] : memref<250x80xi32, #tpu.memory_space<vmem>> -> memref<1x80xi32, #tpu.memory_space<vmem>>
        %dma_wait3A_292 = tpu.memref_squeeze %dma_wait3A_291 : memref<1x80xi32, #tpu.memory_space<vmem>> -> memref<80xi32, #tpu.memory_space<vmem>>
        %dma_wait3A_293 = arith.constant 0 : i32
        %dma_wait3A_294 = arith.constant 0 : i32
        %dma_wait3A_295 = tpu.memref_slice %arg9[%dma_wait3A_293, %dma_wait3A_294] : memref<10000x64xf32, #tpu.memory_space<vmem_shared>> -> memref<10000x64xf32, #tpu.memory_space<vmem_shared>>
        tpu.wait_indirect_dma semaphore(%arg16 : memref<!tpu.dma_semaphore, #tpu.memory_space<semaphore_mem>>) src(%dma_wait3A_289 : memref<80x64xf32, #tpu.memory_space<vmem>>) dst(%dma_wait3A_295 : memref<10000x64xf32, #tpu.memory_space<vmem_shared>>)
      } else {
      }
      %add3A_208 = arith.constant 5 : i32
      %add3A_209 = arith.addi %add3A_202, %add3A_208 : i32
      %sub3A_210 = arith.constant 2 : i32
      %sub3A_211 = arith.subi %add3A_209, %sub3A_210 : i32
      %lt3A_212 = arith.constant 250 : i32
      %lt3A_213 = arith.cmpi slt, %sub3A_211, %lt3A_212 : i32
      %convert_element_type3A_214 = arith.extui %lt3A_213 : i1 to i32
      %cond3A_215 = arith.constant 0 : i32
      %cond3A_216 = arith.cmpi ne, %convert_element_type3A_214, %cond3A_215 : i32
      scf.if %cond3A_216 {
        %add3A_283 = arith.constant 5 : i32
        %add3A_284 = arith.addi %add3A_202, %add3A_283 : i32
        %sub3A_285 = arith.constant 2 : i32
        %sub3A_286 = arith.subi %add3A_284, %sub3A_285 : i32
        %dma_start3A_287 = arith.constant 1 : i32
        %dma_start3A_288 = arith.constant 0 : i32
        %dma_start3A_289 = arith.constant 0 : i32
        %dma_start3A_290 = tpu.memref_slice %arg8[%dma_start3A_287, %dma_start3A_288, %dma_start3A_289] : memref<5x80x64xf32, #tpu.memory_space<vmem>> -> memref<1x80x64xf32, #tpu.memory_space<vmem>>
        %dma_start3A_291 = tpu.memref_squeeze %dma_start3A_290 : memref<1x80x64xf32, #tpu.memory_space<vmem>> -> memref<80x64xf32, #tpu.memory_space<vmem>>
        %dma_start3A_292 = arith.constant 0 : i32
        %dma_start3A_293 = tpu.memref_slice %arg6[%sub3A_286, %dma_start3A_292] : memref<250x80xi32, #tpu.memory_space<vmem>> -> memref<1x80xi32, #tpu.memory_space<vmem>>
        %dma_start3A_294 = tpu.memref_squeeze %dma_start3A_293 : memref<1x80xi32, #tpu.memory_space<vmem>> -> memref<80xi32, #tpu.memory_space<vmem>>
        %dma_start3A_295 = arith.constant 0 : i32
        %dma_start3A_296 = tpu.memref_slice %arg3[%mul3A_3, %dma_start3A_295] : memref<20000x64xf32, #tpu.memory_space<hbm>> -> memref<10000x64xf32, #tpu.memory_space<hbm>>
        %dma_start3A_297 = arith.constant 0 : i32
        %dma_start3A_298 = arith.constant 0 : i32
        %dma_start3A_299 = tpu.memref_slice %dma_start3A_296[%dma_start3A_297, %dma_start3A_298] : memref<10000x64xf32, #tpu.memory_space<hbm>> -> memref<10000x64xf32, #tpu.memory_space<hbm>>
        tpu.enqueue_indirect_dma source(%dma_start3A_299 : memref<10000x64xf32, #tpu.memory_space<hbm>>) target(%dma_start3A_291 : memref<80x64xf32, #tpu.memory_space<vmem>>) offsets(%dma_start3A_294 : memref<80xi32, #tpu.memory_space<vmem>>) semaphore(%arg11 : memref<!tpu.dma_semaphore, #tpu.memory_space<semaphore_mem>>)
      } else {
      }
      %dma_wait3A_217 = arith.constant 3 : i32
      %dma_wait3A_218 = arith.constant 0 : i32
      %dma_wait3A_219 = arith.constant 0 : i32
      %dma_wait3A_220 = tpu.memref_slice %arg8[%dma_wait3A_217, %dma_wait3A_218, %dma_wait3A_219] : memref<5x80x64xf32, #tpu.memory_space<vmem>> -> memref<1x80x64xf32, #tpu.memory_space<vmem>>
      %dma_wait3A_221 = tpu.memref_squeeze %dma_wait3A_220 : memref<1x80x64xf32, #tpu.memory_space<vmem>> -> memref<80x64xf32, #tpu.memory_space<vmem>>
      %dma_wait3A_222 = arith.constant 0 : i32
      %dma_wait3A_223 = tpu.memref_slice %arg6[%add3A_202, %dma_wait3A_222] : memref<250x80xi32, #tpu.memory_space<vmem>> -> memref<1x80xi32, #tpu.memory_space<vmem>>
      %dma_wait3A_224 = tpu.memref_squeeze %dma_wait3A_223 : memref<1x80xi32, #tpu.memory_space<vmem>> -> memref<80xi32, #tpu.memory_space<vmem>>
      %dma_wait3A_225 = arith.constant 0 : i32
      %dma_wait3A_226 = tpu.memref_slice %arg3[%mul3A_3, %dma_wait3A_225] : memref<20000x64xf32, #tpu.memory_space<hbm>> -> memref<10000x64xf32, #tpu.memory_space<hbm>>
      %dma_wait3A_227 = arith.constant 0 : i32
      %dma_wait3A_228 = arith.constant 0 : i32
      %dma_wait3A_229 = tpu.memref_slice %dma_wait3A_226[%dma_wait3A_227, %dma_wait3A_228] : memref<10000x64xf32, #tpu.memory_space<hbm>> -> memref<10000x64xf32, #tpu.memory_space<hbm>>
      tpu.wait_indirect_dma semaphore(%arg13 : memref<!tpu.dma_semaphore, #tpu.memory_space<semaphore_mem>>) src(%dma_wait3A_229 : memref<10000x64xf32, #tpu.memory_space<hbm>>) dst(%dma_wait3A_221 : memref<80x64xf32, #tpu.memory_space<vmem>>)
      %dma_start3A_230 = arith.constant 3 : i32
      %dma_start3A_231 = arith.constant 0 : i32
      %dma_start3A_232 = arith.constant 0 : i32
      %dma_start3A_233 = tpu.memref_slice %arg8[%dma_start3A_230, %dma_start3A_231, %dma_start3A_232] : memref<5x80x64xf32, #tpu.memory_space<vmem>> -> memref<1x80x64xf32, #tpu.memory_space<vmem>>
      %dma_start3A_234 = tpu.memref_squeeze %dma_start3A_233 : memref<1x80x64xf32, #tpu.memory_space<vmem>> -> memref<80x64xf32, #tpu.memory_space<vmem>>
      %dma_start3A_235 = arith.constant 0 : i32
      %dma_start3A_236 = tpu.memref_slice %arg7[%add3A_202, %dma_start3A_235] : memref<250x80xi32, #tpu.memory_space<vmem>> -> memref<1x80xi32, #tpu.memory_space<vmem>>
      %dma_start3A_237 = tpu.memref_squeeze %dma_start3A_236 : memref<1x80xi32, #tpu.memory_space<vmem>> -> memref<80xi32, #tpu.memory_space<vmem>>
      %dma_start3A_238 = arith.constant 0 : i32
      %dma_start3A_239 = arith.constant 0 : i32
      %dma_start3A_240 = tpu.memref_slice %arg9[%dma_start3A_238, %dma_start3A_239] : memref<10000x64xf32, #tpu.memory_space<vmem_shared>> -> memref<10000x64xf32, #tpu.memory_space<vmem_shared>>
      tpu.enqueue_indirect_dma source(%dma_start3A_234 : memref<80x64xf32, #tpu.memory_space<vmem>>) target(%dma_start3A_240 : memref<10000x64xf32, #tpu.memory_space<vmem_shared>>) offsets(%dma_start3A_237 : memref<80xi32, #tpu.memory_space<vmem>>) semaphore(%arg18 : memref<!tpu.dma_semaphore, #tpu.memory_space<semaphore_mem>>) {add = true}
      %mul3A_241 = arith.constant 5 : i32
      %mul3A_242 = arith.muli %scan3A_78, %mul3A_241 : i32
      %add3A_243 = arith.constant 4 : i32
      %add3A_244 = arith.addi %mul3A_242, %add3A_243 : i32
      %ge3A_245 = arith.constant 2 : i32
      %ge3A_246 = arith.cmpi sge, %add3A_244, %ge3A_245 : i32
      %convert_element_type3A_247 = arith.extui %ge3A_246 : i1 to i32
      %cond3A_248 = arith.constant 0 : i32
      %cond3A_249 = arith.cmpi ne, %convert_element_type3A_247, %cond3A_248 : i32
      scf.if %cond3A_249 {
        %sub3A_283 = arith.constant 2 : i32
        %sub3A_284 = arith.subi %add3A_244, %sub3A_283 : i32
        %dma_wait3A_285 = arith.constant 2 : i32
        %dma_wait3A_286 = arith.constant 0 : i32
        %dma_wait3A_287 = arith.constant 0 : i32
        %dma_wait3A_288 = tpu.memref_slice %arg8[%dma_wait3A_285, %dma_wait3A_286, %dma_wait3A_287] : memref<5x80x64xf32, #tpu.memory_space<vmem>> -> memref<1x80x64xf32, #tpu.memory_space<vmem>>
        %dma_wait3A_289 = tpu.memref_squeeze %dma_wait3A_288 : memref<1x80x64xf32, #tpu.memory_space<vmem>> -> memref<80x64xf32, #tpu.memory_space<vmem>>
        %dma_wait3A_290 = arith.constant 0 : i32
        %dma_wait3A_291 = tpu.memref_slice %arg7[%sub3A_284, %dma_wait3A_290] : memref<250x80xi32, #tpu.memory_space<vmem>> -> memref<1x80xi32, #tpu.memory_space<vmem>>
        %dma_wait3A_292 = tpu.memref_squeeze %dma_wait3A_291 : memref<1x80xi32, #tpu.memory_space<vmem>> -> memref<80xi32, #tpu.memory_space<vmem>>
        %dma_wait3A_293 = arith.constant 0 : i32
        %dma_wait3A_294 = arith.constant 0 : i32
        %dma_wait3A_295 = tpu.memref_slice %arg9[%dma_wait3A_293, %dma_wait3A_294] : memref<10000x64xf32, #tpu.memory_space<vmem_shared>> -> memref<10000x64xf32, #tpu.memory_space<vmem_shared>>
        tpu.wait_indirect_dma semaphore(%arg17 : memref<!tpu.dma_semaphore, #tpu.memory_space<semaphore_mem>>) src(%dma_wait3A_289 : memref<80x64xf32, #tpu.memory_space<vmem>>) dst(%dma_wait3A_295 : memref<10000x64xf32, #tpu.memory_space<vmem_shared>>)
      } else {
      }
      %add3A_250 = arith.constant 5 : i32
      %add3A_251 = arith.addi %add3A_244, %add3A_250 : i32
      %sub3A_252 = arith.constant 2 : i32
      %sub3A_253 = arith.subi %add3A_251, %sub3A_252 : i32
      %lt3A_254 = arith.constant 250 : i32
      %lt3A_255 = arith.cmpi slt, %sub3A_253, %lt3A_254 : i32
      %convert_element_type3A_256 = arith.extui %lt3A_255 : i1 to i32
      %cond3A_257 = arith.constant 0 : i32
      %cond3A_258 = arith.cmpi ne, %convert_element_type3A_256, %cond3A_257 : i32
      scf.if %cond3A_258 {
        %add3A_283 = arith.constant 5 : i32
        %add3A_284 = arith.addi %add3A_244, %add3A_283 : i32
        %sub3A_285 = arith.constant 2 : i32
        %sub3A_286 = arith.subi %add3A_284, %sub3A_285 : i32
        %dma_start3A_287 = arith.constant 2 : i32
        %dma_start3A_288 = arith.constant 0 : i32
        %dma_start3A_289 = arith.constant 0 : i32
        %dma_start3A_290 = tpu.memref_slice %arg8[%dma_start3A_287, %dma_start3A_288, %dma_start3A_289] : memref<5x80x64xf32, #tpu.memory_space<vmem>> -> memref<1x80x64xf32, #tpu.memory_space<vmem>>
        %dma_start3A_291 = tpu.memref_squeeze %dma_start3A_290 : memref<1x80x64xf32, #tpu.memory_space<vmem>> -> memref<80x64xf32, #tpu.memory_space<vmem>>
        %dma_start3A_292 = arith.constant 0 : i32
        %dma_start3A_293 = tpu.memref_slice %arg6[%sub3A_286, %dma_start3A_292] : memref<250x80xi32, #tpu.memory_space<vmem>> -> memref<1x80xi32, #tpu.memory_space<vmem>>
        %dma_start3A_294 = tpu.memref_squeeze %dma_start3A_293 : memref<1x80xi32, #tpu.memory_space<vmem>> -> memref<80xi32, #tpu.memory_space<vmem>>
        %dma_start3A_295 = arith.constant 0 : i32
        %dma_start3A_296 = tpu.memref_slice %arg3[%mul3A_3, %dma_start3A_295] : memref<20000x64xf32, #tpu.memory_space<hbm>> -> memref<10000x64xf32, #tpu.memory_space<hbm>>
        %dma_start3A_297 = arith.constant 0 : i32
        %dma_start3A_298 = arith.constant 0 : i32
        %dma_start3A_299 = tpu.memref_slice %dma_start3A_296[%dma_start3A_297, %dma_start3A_298] : memref<10000x64xf32, #tpu.memory_space<hbm>> -> memref<10000x64xf32, #tpu.memory_space<hbm>>
        tpu.enqueue_indirect_dma source(%dma_start3A_299 : memref<10000x64xf32, #tpu.memory_space<hbm>>) target(%dma_start3A_291 : memref<80x64xf32, #tpu.memory_space<vmem>>) offsets(%dma_start3A_294 : memref<80xi32, #tpu.memory_space<vmem>>) semaphore(%arg12 : memref<!tpu.dma_semaphore, #tpu.memory_space<semaphore_mem>>)
      } else {
      }
      %dma_wait3A_259 = arith.constant 4 : i32
      %dma_wait3A_260 = arith.constant 0 : i32
      %dma_wait3A_261 = arith.constant 0 : i32
      %dma_wait3A_262 = tpu.memref_slice %arg8[%dma_wait3A_259, %dma_wait3A_260, %dma_wait3A_261] : memref<5x80x64xf32, #tpu.memory_space<vmem>> -> memref<1x80x64xf32, #tpu.memory_space<vmem>>
      %dma_wait3A_263 = tpu.memref_squeeze %dma_wait3A_262 : memref<1x80x64xf32, #tpu.memory_space<vmem>> -> memref<80x64xf32, #tpu.memory_space<vmem>>
      %dma_wait3A_264 = arith.constant 0 : i32
      %dma_wait3A_265 = tpu.memref_slice %arg6[%add3A_244, %dma_wait3A_264] : memref<250x80xi32, #tpu.memory_space<vmem>> -> memref<1x80xi32, #tpu.memory_space<vmem>>
      %dma_wait3A_266 = tpu.memref_squeeze %dma_wait3A_265 : memref<1x80xi32, #tpu.memory_space<vmem>> -> memref<80xi32, #tpu.memory_space<vmem>>
      %dma_wait3A_267 = arith.constant 0 : i32
      %dma_wait3A_268 = tpu.memref_slice %arg3[%mul3A_3, %dma_wait3A_267] : memref<20000x64xf32, #tpu.memory_space<hbm>> -> memref<10000x64xf32, #tpu.memory_space<hbm>>
      %dma_wait3A_269 = arith.constant 0 : i32
      %dma_wait3A_270 = arith.constant 0 : i32
      %dma_wait3A_271 = tpu.memref_slice %dma_wait3A_268[%dma_wait3A_269, %dma_wait3A_270] : memref<10000x64xf32, #tpu.memory_space<hbm>> -> memref<10000x64xf32, #tpu.memory_space<hbm>>
      tpu.wait_indirect_dma semaphore(%arg14 : memref<!tpu.dma_semaphore, #tpu.memory_space<semaphore_mem>>) src(%dma_wait3A_271 : memref<10000x64xf32, #tpu.memory_space<hbm>>) dst(%dma_wait3A_263 : memref<80x64xf32, #tpu.memory_space<vmem>>)
      %dma_start3A_272 = arith.constant 4 : i32
      %dma_start3A_273 = arith.constant 0 : i32
      %dma_start3A_274 = arith.constant 0 : i32
      %dma_start3A_275 = tpu.memref_slice %arg8[%dma_start3A_272, %dma_start3A_273, %dma_start3A_274] : memref<5x80x64xf32, #tpu.memory_space<vmem>> -> memref<1x80x64xf32, #tpu.memory_space<vmem>>
      %dma_start3A_276 = tpu.memref_squeeze %dma_start3A_275 : memref<1x80x64xf32, #tpu.memory_space<vmem>> -> memref<80x64xf32, #tpu.memory_space<vmem>>
      %dma_start3A_277 = arith.constant 0 : i32
      %dma_start3A_278 = tpu.memref_slice %arg7[%add3A_244, %dma_start3A_277] : memref<250x80xi32, #tpu.memory_space<vmem>> -> memref<1x80xi32, #tpu.memory_space<vmem>>
      %dma_start3A_279 = tpu.memref_squeeze %dma_start3A_278 : memref<1x80xi32, #tpu.memory_space<vmem>> -> memref<80xi32, #tpu.memory_space<vmem>>
      %dma_start3A_280 = arith.constant 0 : i32
      %dma_start3A_281 = arith.constant 0 : i32
      %dma_start3A_282 = tpu.memref_slice %arg9[%dma_start3A_280, %dma_start3A_281] : memref<10000x64xf32, #tpu.memory_space<vmem_shared>> -> memref<10000x64xf32, #tpu.memory_space<vmem_shared>>
      tpu.enqueue_indirect_dma source(%dma_start3A_276 : memref<80x64xf32, #tpu.memory_space<vmem>>) target(%dma_start3A_282 : memref<10000x64xf32, #tpu.memory_space<vmem_shared>>) offsets(%dma_start3A_279 : memref<80xi32, #tpu.memory_space<vmem>>) semaphore(%arg19 : memref<!tpu.dma_semaphore, #tpu.memory_space<semaphore_mem>>) {add = true}
    }
    %scan3A_49 = arith.constant 50 : i32
    %dma_wait3A = arith.constant 3 : i32
    %dma_wait3A_50 = arith.constant 248 : i32
    %dma_wait3A_51 = arith.constant 0 : i32
    %dma_wait3A_52 = arith.constant 0 : i32
    %dma_wait3A_53 = tpu.memref_slice %arg8[%dma_wait3A, %dma_wait3A_51, %dma_wait3A_52] : memref<5x80x64xf32, #tpu.memory_space<vmem>> -> memref<1x80x64xf32, #tpu.memory_space<vmem>>
    %dma_wait3A_54 = tpu.memref_squeeze %dma_wait3A_53 : memref<1x80x64xf32, #tpu.memory_space<vmem>> -> memref<80x64xf32, #tpu.memory_space<vmem>>
    %dma_wait3A_55 = arith.constant 0 : i32
    %dma_wait3A_56 = tpu.memref_slice %arg7[%dma_wait3A_50, %dma_wait3A_55] : memref<250x80xi32, #tpu.memory_space<vmem>> -> memref<1x80xi32, #tpu.memory_space<vmem>>
    %dma_wait3A_57 = tpu.memref_squeeze %dma_wait3A_56 : memref<1x80xi32, #tpu.memory_space<vmem>> -> memref<80xi32, #tpu.memory_space<vmem>>
    %dma_wait3A_58 = arith.constant 0 : i32
    %dma_wait3A_59 = arith.constant 0 : i32
    %dma_wait3A_60 = tpu.memref_slice %arg9[%dma_wait3A_58, %dma_wait3A_59] : memref<10000x64xf32, #tpu.memory_space<vmem_shared>> -> memref<10000x64xf32, #tpu.memory_space<vmem_shared>>
    tpu.wait_indirect_dma semaphore(%arg18 : memref<!tpu.dma_semaphore, #tpu.memory_space<semaphore_mem>>) src(%dma_wait3A_54 : memref<80x64xf32, #tpu.memory_space<vmem>>) dst(%dma_wait3A_60 : memref<10000x64xf32, #tpu.memory_space<vmem_shared>>)
    %dma_wait3A_61 = arith.constant 4 : i32
    %dma_wait3A_62 = arith.constant 249 : i32
    %dma_wait3A_63 = arith.constant 0 : i32
    %dma_wait3A_64 = arith.constant 0 : i32
    %dma_wait3A_65 = tpu.memref_slice %arg8[%dma_wait3A_61, %dma_wait3A_63, %dma_wait3A_64] : memref<5x80x64xf32, #tpu.memory_space<vmem>> -> memref<1x80x64xf32, #tpu.memory_space<vmem>>
    %dma_wait3A_66 = tpu.memref_squeeze %dma_wait3A_65 : memref<1x80x64xf32, #tpu.memory_space<vmem>> -> memref<80x64xf32, #tpu.memory_space<vmem>>
    %dma_wait3A_67 = arith.constant 0 : i32
    %dma_wait3A_68 = tpu.memref_slice %arg7[%dma_wait3A_62, %dma_wait3A_67] : memref<250x80xi32, #tpu.memory_space<vmem>> -> memref<1x80xi32, #tpu.memory_space<vmem>>
    %dma_wait3A_69 = tpu.memref_squeeze %dma_wait3A_68 : memref<1x80xi32, #tpu.memory_space<vmem>> -> memref<80xi32, #tpu.memory_space<vmem>>
    %dma_wait3A_70 = arith.constant 0 : i32
    %dma_wait3A_71 = arith.constant 0 : i32
    %dma_wait3A_72 = tpu.memref_slice %arg9[%dma_wait3A_70, %dma_wait3A_71] : memref<10000x64xf32, #tpu.memory_space<vmem_shared>> -> memref<10000x64xf32, #tpu.memory_space<vmem_shared>>
    tpu.wait_indirect_dma semaphore(%arg19 : memref<!tpu.dma_semaphore, #tpu.memory_space<semaphore_mem>>) src(%dma_wait3A_66 : memref<80x64xf32, #tpu.memory_space<vmem>>) dst(%dma_wait3A_72 : memref<10000x64xf32, #tpu.memory_space<vmem_shared>>)
    %barrier3A_73 = arith.constant 0 : index
    tpu.barrier barrier_id(%barrier3A_73)
    %mul3A_74 = arith.constant 625 : i32
    %mul3A_75 = arith.muli %arg1, %mul3A_74 : i32
    %mul3A_76 = arith.constant 625 : i32
    %mul3A_77 = arith.muli %arg1, %mul3A_76 : i32
    "tpu.region"() ({
      %run_scoped3A_78 = tpu.sem_alloc : memref<!tpu.dma_semaphore, #tpu.memory_space<semaphore_mem>>
      %dma_start3A_79 = arith.constant 0 : i32
      %dma_start3A_80 = tpu.memref_slice %arg5[%arg0, %mul3A_77, %dma_start3A_79] : memref<2x10000x64xf32, #tpu.memory_space<hbm>> -> memref<1x625x64xf32, #tpu.memory_space<hbm>>
      %dma_start3A_81 = tpu.memref_squeeze %dma_start3A_80 : memref<1x625x64xf32, #tpu.memory_space<hbm>> -> memref<625x64xf32, #tpu.memory_space<hbm>>
      %dma_start3A_82 = arith.constant 0 : i32
      %dma_start3A_83 = tpu.memref_slice %arg9[%mul3A_75, %dma_start3A_82] : memref<10000x64xf32, #tpu.memory_space<vmem_shared>> -> memref<625x64xf32, #tpu.memory_space<vmem_shared>>
      tpu.enqueue_dma source(%dma_start3A_83 : memref<625x64xf32, #tpu.memory_space<vmem_shared>>) target(%dma_start3A_81 : memref<625x64xf32, #tpu.memory_space<hbm>>) target_semaphore(%run_scoped3A_78 : memref<!tpu.dma_semaphore, #tpu.memory_space<semaphore_mem>>)
      %dma_wait3A_84 = arith.constant 0 : i32
      %dma_wait3A_85 = tpu.memref_slice %arg5[%arg0, %mul3A_77, %dma_wait3A_84] : memref<2x10000x64xf32, #tpu.memory_space<hbm>> -> memref<1x625x64xf32, #tpu.memory_space<hbm>>
      %dma_wait3A_86 = tpu.memref_squeeze %dma_wait3A_85 : memref<1x625x64xf32, #tpu.memory_space<hbm>> -> memref<625x64xf32, #tpu.memory_space<hbm>>
      %dma_wait3A_87 = arith.constant 0 : i32
      %dma_wait3A_88 = tpu.memref_slice %arg9[%mul3A_75, %dma_wait3A_87] : memref<10000x64xf32, #tpu.memory_space<vmem_shared>> -> memref<625x64xf32, #tpu.memory_space<vmem_shared>>
      tpu.wait_dma2 semaphore(%run_scoped3A_78 : memref<!tpu.dma_semaphore, #tpu.memory_space<semaphore_mem>>) src(%dma_wait3A_88 : memref<625x64xf32, #tpu.memory_space<vmem_shared>>) dst(%dma_wait3A_86 : memref<625x64xf32, #tpu.memory_space<hbm>>)
      tpu.yield
    }) : () -> ()
    return
  }
}

#map = affine_map<(d0, d1) -> (0, 0, 0, 0)>
#map1 = affine_map<(d0, d1) -> (0, 0)>
#map2 = affine_map<(d0, d1) -> (0, 0, 0)>
module attributes {stable_mosaic.version = 14 : i64} {
  func.func @_agg_sc(%arg0: i32, %arg1: i32, %arg2: memref<2x16x250x80xi32, #tpu.memory_space<hbm>>, %arg3: memref<20000x64xf32, #tpu.memory_space<hbm>>, %arg4: memref<625x64xf32, #tpu.memory_space<hbm>>, %arg5: memref<2x10000x64xf32, #tpu.memory_space<hbm>>, %arg6: memref<250x80xi32, #tpu.memory_space<vmem>>, %arg7: memref<250x80xi32, #tpu.memory_space<vmem>>, %arg8: memref<5x80x64xf32, #tpu.memory_space<vmem>>, %arg9: memref<10000x64xf32, #tpu.memory_space<vmem_shared>>, %arg10: memref<!tpu.dma_semaphore, #tpu.memory_space<semaphore_mem>>, %arg11: memref<!tpu.dma_semaphore, #tpu.memory_space<semaphore_mem>>, %arg12: memref<!tpu.dma_semaphore, #tpu.memory_space<semaphore_mem>>, %arg13: memref<!tpu.dma_semaphore, #tpu.memory_space<semaphore_mem>>, %arg14: memref<!tpu.dma_semaphore, #tpu.memory_space<semaphore_mem>>, %arg15: memref<!tpu.dma_semaphore, #tpu.memory_space<semaphore_mem>>, %arg16: memref<!tpu.dma_semaphore, #tpu.memory_space<semaphore_mem>>, %arg17: memref<!tpu.dma_semaphore, #tpu.memory_space<semaphore_mem>>, %arg18: memref<!tpu.dma_semaphore, #tpu.memory_space<semaphore_mem>>, %arg19: memref<!tpu.dma_semaphore, #tpu.memory_space<semaphore_mem>>) attributes {dimension_semantics = [#tpu.dimension_semantics<core_parallel>, #tpu.dimension_semantics<subcore_parallel>], iteration_bounds = array<i64: 2, 16>, scalar_prefetch = 0 : i64, scratch_operands = 14 : i64, tpu.core_type = #tpu.core_type<sc_vector_subcore>, window_params = [{transform_indices = #map}, {transform_indices = #map1}, {transform_indices = #map1}, {transform_indices = #map2}]} {
    %mul3A = arith.constant 625 : i32
    %mul3A_0 = arith.muli %arg1, %mul3A : i32
    "tpu.region"() ({
      %run_scoped3A_78 = tpu.sem_alloc : memref<!tpu.dma_semaphore, #tpu.memory_space<semaphore_mem>>
      %dma_start3A_79 = arith.constant 0 : i32
      %dma_start3A_80 = tpu.memref_slice %arg9[%mul3A_0, %dma_start3A_79] : memref<10000x64xf32, #tpu.memory_space<vmem_shared>> -> memref<625x64xf32, #tpu.memory_space<vmem_shared>>
      tpu.enqueue_dma source(%arg4 : memref<625x64xf32, #tpu.memory_space<hbm>>) target(%dma_start3A_80 : memref<625x64xf32, #tpu.memory_space<vmem_shared>>) target_semaphore(%run_scoped3A_78 : memref<!tpu.dma_semaphore, #tpu.memory_space<semaphore_mem>>)
      %dma_wait3A_81 = arith.constant 0 : i32
      %dma_wait3A_82 = tpu.memref_slice %arg9[%mul3A_0, %dma_wait3A_81] : memref<10000x64xf32, #tpu.memory_space<vmem_shared>> -> memref<625x64xf32, #tpu.memory_space<vmem_shared>>
      tpu.wait_dma2 semaphore(%run_scoped3A_78 : memref<!tpu.dma_semaphore, #tpu.memory_space<semaphore_mem>>) src(%arg4 : memref<625x64xf32, #tpu.memory_space<hbm>>) dst(%dma_wait3A_82 : memref<625x64xf32, #tpu.memory_space<vmem_shared>>)
      tpu.yield
    }) : () -> ()
    %run_scoped3A = arith.constant 0 : i32
    "tpu.region"() ({
      %run_scoped3A_78 = tpu.sem_alloc : memref<!tpu.dma_semaphore, #tpu.memory_space<semaphore_mem>>
      %dma_start3A_79 = arith.constant 0 : i32
      %dma_start3A_80 = arith.constant 0 : i32
      %dma_start3A_81 = tpu.memref_slice %arg2[%run_scoped3A, %arg1, %dma_start3A_79, %dma_start3A_80] : memref<2x16x250x80xi32, #tpu.memory_space<hbm>> -> memref<1x1x250x80xi32, #tpu.memory_space<hbm>>
      %dma_start3A_82 = tpu.memref_squeeze %dma_start3A_81 : memref<1x1x250x80xi32, #tpu.memory_space<hbm>> -> memref<250x80xi32, #tpu.memory_space<hbm>>
      %dma_start3A_83 = arith.constant 0 : i32
      %dma_start3A_84 = arith.constant 0 : i32
      %dma_start3A_85 = tpu.memref_slice %arg2[%run_scoped3A, %arg1, %dma_start3A_83, %dma_start3A_84] : memref<2x16x250x80xi32, #tpu.memory_space<hbm>> -> memref<1x1x250x80xi32, #tpu.memory_space<hbm>>
      %dma_start3A_86 = tpu.memref_squeeze %dma_start3A_85 : memref<1x1x250x80xi32, #tpu.memory_space<hbm>> -> memref<250x80xi32, #tpu.memory_space<hbm>>
      tpu.enqueue_dma source(%dma_start3A_86 : memref<250x80xi32, #tpu.memory_space<hbm>>) target(%arg6 : memref<250x80xi32, #tpu.memory_space<vmem>>) target_semaphore(%run_scoped3A_78 : memref<!tpu.dma_semaphore, #tpu.memory_space<semaphore_mem>>)
      %dma_wait3A_87 = arith.constant 0 : i32
      %dma_wait3A_88 = arith.constant 0 : i32
      %dma_wait3A_89 = tpu.memref_slice %arg2[%run_scoped3A, %arg1, %dma_wait3A_87, %dma_wait3A_88] : memref<2x16x250x80xi32, #tpu.memory_space<hbm>> -> memref<1x1x250x80xi32, #tpu.memory_space<hbm>>
      %dma_wait3A_90 = tpu.memref_squeeze %dma_wait3A_89 : memref<1x1x250x80xi32, #tpu.memory_space<hbm>> -> memref<250x80xi32, #tpu.memory_space<hbm>>
      %dma_wait3A_91 = arith.constant 0 : i32
      %dma_wait3A_92 = arith.constant 0 : i32
      %dma_wait3A_93 = tpu.memref_slice %arg2[%run_scoped3A, %arg1, %dma_wait3A_91, %dma_wait3A_92] : memref<2x16x250x80xi32, #tpu.memory_space<hbm>> -> memref<1x1x250x80xi32, #tpu.memory_space<hbm>>
      %dma_wait3A_94 = tpu.memref_squeeze %dma_wait3A_93 : memref<1x1x250x80xi32, #tpu.memory_space<hbm>> -> memref<250x80xi32, #tpu.memory_space<hbm>>
      tpu.wait_dma2 semaphore(%run_scoped3A_78 : memref<!tpu.dma_semaphore, #tpu.memory_space<semaphore_mem>>) src(%dma_wait3A_94 : memref<250x80xi32, #tpu.memory_space<hbm>>) dst(%arg6 : memref<250x80xi32, #tpu.memory_space<vmem>>)
      tpu.yield
    }) : () -> ()
    %run_scoped3A_1 = arith.constant 1 : i32
    "tpu.region"() ({
      %run_scoped3A_78 = tpu.sem_alloc : memref<!tpu.dma_semaphore, #tpu.memory_space<semaphore_mem>>
      %dma_start3A_79 = arith.constant 0 : i32
      %dma_start3A_80 = arith.constant 0 : i32
      %dma_start3A_81 = tpu.memref_slice %arg2[%run_scoped3A_1, %arg1, %dma_start3A_79, %dma_start3A_80] : memref<2x16x250x80xi32, #tpu.memory_space<hbm>> -> memref<1x1x250x80xi32, #tpu.memory_space<hbm>>
      %dma_start3A_82 = tpu.memref_squeeze %dma_start3A_81 : memref<1x1x250x80xi32, #tpu.memory_space<hbm>> -> memref<250x80xi32, #tpu.memory_space<hbm>>
      %dma_start3A_83 = arith.constant 0 : i32
      %dma_start3A_84 = arith.constant 0 : i32
      %dma_start3A_85 = tpu.memref_slice %arg2[%run_scoped3A_1, %arg1, %dma_start3A_83, %dma_start3A_84] : memref<2x16x250x80xi32, #tpu.memory_space<hbm>> -> memref<1x1x250x80xi32, #tpu.memory_space<hbm>>
      %dma_start3A_86 = tpu.memref_squeeze %dma_start3A_85 : memref<1x1x250x80xi32, #tpu.memory_space<hbm>> -> memref<250x80xi32, #tpu.memory_space<hbm>>
      tpu.enqueue_dma source(%dma_start3A_86 : memref<250x80xi32, #tpu.memory_space<hbm>>) target(%arg7 : memref<250x80xi32, #tpu.memory_space<vmem>>) target_semaphore(%run_scoped3A_78 : memref<!tpu.dma_semaphore, #tpu.memory_space<semaphore_mem>>)
      %dma_wait3A_87 = arith.constant 0 : i32
      %dma_wait3A_88 = arith.constant 0 : i32
      %dma_wait3A_89 = tpu.memref_slice %arg2[%run_scoped3A_1, %arg1, %dma_wait3A_87, %dma_wait3A_88] : memref<2x16x250x80xi32, #tpu.memory_space<hbm>> -> memref<1x1x250x80xi32, #tpu.memory_space<hbm>>
      %dma_wait3A_90 = tpu.memref_squeeze %dma_wait3A_89 : memref<1x1x250x80xi32, #tpu.memory_space<hbm>> -> memref<250x80xi32, #tpu.memory_space<hbm>>
      %dma_wait3A_91 = arith.constant 0 : i32
      %dma_wait3A_92 = arith.constant 0 : i32
      %dma_wait3A_93 = tpu.memref_slice %arg2[%run_scoped3A_1, %arg1, %dma_wait3A_91, %dma_wait3A_92] : memref<2x16x250x80xi32, #tpu.memory_space<hbm>> -> memref<1x1x250x80xi32, #tpu.memory_space<hbm>>
      %dma_wait3A_94 = tpu.memref_squeeze %dma_wait3A_93 : memref<1x1x250x80xi32, #tpu.memory_space<hbm>> -> memref<250x80xi32, #tpu.memory_space<hbm>>
      tpu.wait_dma2 semaphore(%run_scoped3A_78 : memref<!tpu.dma_semaphore, #tpu.memory_space<semaphore_mem>>) src(%dma_wait3A_94 : memref<250x80xi32, #tpu.memory_space<hbm>>) dst(%arg7 : memref<250x80xi32, #tpu.memory_space<vmem>>)
      tpu.yield
    }) : () -> ()
    %barrier3A = arith.constant 0 : index
    tpu.barrier barrier_id(%barrier3A)
    %mul3A_2 = arith.constant 10000 : i32
    %mul3A_3 = arith.muli %arg0, %mul3A_2 : i32
    %dma_start3A = arith.constant 0 : i32
    %dma_start3A_4 = arith.constant 0 : i32
    %dma_start3A_5 = arith.constant 0 : i32
    %dma_start3A_6 = arith.constant 0 : i32
    %dma_start3A_7 = tpu.memref_slice %arg8[%dma_start3A_4, %dma_start3A_5, %dma_start3A_6] : memref<5x80x64xf32, #tpu.memory_space<vmem>> -> memref<1x80x64xf32, #tpu.memory_space<vmem>>
    %dma_start3A_8 = tpu.memref_squeeze %dma_start3A_7 : memref<1x80x64xf32, #tpu.memory_space<vmem>> -> memref<80x64xf32, #tpu.memory_space<vmem>>
    %dma_start3A_9 = arith.constant 0 : i32
    %dma_start3A_10 = tpu.memref_slice %arg6[%dma_start3A, %dma_start3A_9] : memref<250x80xi32, #tpu.memory_space<vmem>> -> memref<1x80xi32, #tpu.memory_space<vmem>>
    %dma_start3A_11 = tpu.memref_squeeze %dma_start3A_10 : memref<1x80xi32, #tpu.memory_space<vmem>> -> memref<80xi32, #tpu.memory_space<vmem>>
    %dma_start3A_12 = arith.constant 0 : i32
    %dma_start3A_13 = tpu.memref_slice %arg3[%mul3A_3, %dma_start3A_12] : memref<20000x64xf32, #tpu.memory_space<hbm>> -> memref<10000x64xf32, #tpu.memory_space<hbm>>
    %dma_start3A_14 = arith.constant 0 : i32
    %dma_start3A_15 = arith.constant 0 : i32
    %dma_start3A_16 = tpu.memref_slice %dma_start3A_13[%dma_start3A_14, %dma_start3A_15] : memref<10000x64xf32, #tpu.memory_space<hbm>> -> memref<10000x64xf32, #tpu.memory_space<hbm>>
    tpu.enqueue_indirect_dma source(%dma_start3A_16 : memref<10000x64xf32, #tpu.memory_space<hbm>>) target(%dma_start3A_8 : memref<80x64xf32, #tpu.memory_space<vmem>>) offsets(%dma_start3A_11 : memref<80xi32, #tpu.memory_space<vmem>>) semaphore(%arg10 : memref<!tpu.dma_semaphore, #tpu.memory_space<semaphore_mem>>)
    %dma_start3A_17 = arith.constant 1 : i32
    %dma_start3A_18 = arith.constant 1 : i32
    %dma_start3A_19 = arith.constant 0 : i32
    %dma_start3A_20 = arith.constant 0 : i32
    %dma_start3A_21 = tpu.memref_slice %arg8[%dma_start3A_18, %dma_start3A_19, %dma_start3A_20] : memref<5x80x64xf32, #tpu.memory_space<vmem>> -> memref<1x80x64xf32, #tpu.memory_space<vmem>>
    %dma_start3A_22 = tpu.memref_squeeze %dma_start3A_21 : memref<1x80x64xf32, #tpu.memory_space<vmem>> -> memref<80x64xf32, #tpu.memory_space<vmem>>
    %dma_start3A_23 = arith.constant 0 : i32
    %dma_start3A_24 = tpu.memref_slice %arg6[%dma_start3A_17, %dma_start3A_23] : memref<250x80xi32, #tpu.memory_space<vmem>> -> memref<1x80xi32, #tpu.memory_space<vmem>>
    %dma_start3A_25 = tpu.memref_squeeze %dma_start3A_24 : memref<1x80xi32, #tpu.memory_space<vmem>> -> memref<80xi32, #tpu.memory_space<vmem>>
    %dma_start3A_26 = arith.constant 0 : i32
    %dma_start3A_27 = tpu.memref_slice %arg3[%mul3A_3, %dma_start3A_26] : memref<20000x64xf32, #tpu.memory_space<hbm>> -> memref<10000x64xf32, #tpu.memory_space<hbm>>
    %dma_start3A_28 = arith.constant 0 : i32
    %dma_start3A_29 = arith.constant 0 : i32
    %dma_start3A_30 = tpu.memref_slice %dma_start3A_27[%dma_start3A_28, %dma_start3A_29] : memref<10000x64xf32, #tpu.memory_space<hbm>> -> memref<10000x64xf32, #tpu.memory_space<hbm>>
    tpu.enqueue_indirect_dma source(%dma_start3A_30 : memref<10000x64xf32, #tpu.memory_space<hbm>>) target(%dma_start3A_22 : memref<80x64xf32, #tpu.memory_space<vmem>>) offsets(%dma_start3A_25 : memref<80xi32, #tpu.memory_space<vmem>>) semaphore(%arg11 : memref<!tpu.dma_semaphore, #tpu.memory_space<semaphore_mem>>)
    %dma_start3A_31 = arith.constant 2 : i32
    %dma_start3A_32 = arith.constant 2 : i32
    %dma_start3A_33 = arith.constant 0 : i32
    %dma_start3A_34 = arith.constant 0 : i32
    %dma_start3A_35 = tpu.memref_slice %arg8[%dma_start3A_32, %dma_start3A_33, %dma_start3A_34] : memref<5x80x64xf32, #tpu.memory_space<vmem>> -> memref<1x80x64xf32, #tpu.memory_space<vmem>>
    %dma_start3A_36 = tpu.memref_squeeze %dma_start3A_35 : memref<1x80x64xf32, #tpu.memory_space<vmem>> -> memref<80x64xf32, #tpu.memory_space<vmem>>
    %dma_start3A_37 = arith.constant 0 : i32
    %dma_start3A_38 = tpu.memref_slice %arg6[%dma_start3A_31, %dma_start3A_37] : memref<250x80xi32, #tpu.memory_space<vmem>> -> memref<1x80xi32, #tpu.memory_space<vmem>>
    %dma_start3A_39 = tpu.memref_squeeze %dma_start3A_38 : memref<1x80xi32, #tpu.memory_space<vmem>> -> memref<80xi32, #tpu.memory_space<vmem>>
    %dma_start3A_40 = arith.constant 0 : i32
    %dma_start3A_41 = tpu.memref_slice %arg3[%mul3A_3, %dma_start3A_40] : memref<20000x64xf32, #tpu.memory_space<hbm>> -> memref<10000x64xf32, #tpu.memory_space<hbm>>
    %dma_start3A_42 = arith.constant 0 : i32
    %dma_start3A_43 = arith.constant 0 : i32
    %dma_start3A_44 = tpu.memref_slice %dma_start3A_41[%dma_start3A_42, %dma_start3A_43] : memref<10000x64xf32, #tpu.memory_space<hbm>> -> memref<10000x64xf32, #tpu.memory_space<hbm>>
    tpu.enqueue_indirect_dma source(%dma_start3A_44 : memref<10000x64xf32, #tpu.memory_space<hbm>>) target(%dma_start3A_36 : memref<80x64xf32, #tpu.memory_space<vmem>>) offsets(%dma_start3A_39 : memref<80xi32, #tpu.memory_space<vmem>>) semaphore(%arg12 : memref<!tpu.dma_semaphore, #tpu.memory_space<semaphore_mem>>)
    %scan3A = arith.constant 0 : i32
    %scan3A_45 = arith.constant 0 : i32
    %scan3A_46 = arith.constant 50 : i32
    %scan3A_47 = arith.addi %scan3A_45, %scan3A_46 : i32
    %scan3A_48 = arith.constant 1 : i32
    scf.for %scan3A_78 = %scan3A_45 to %scan3A_47 step %scan3A_48  : i32 {
      %mul3A_79 = arith.constant 5 : i32
      %mul3A_80 = arith.muli %scan3A_78, %mul3A_79 : i32
      %add3A = arith.constant 0 : i32
      %add3A_81 = arith.addi %mul3A_80, %add3A : i32
      %ge3A = arith.constant 2 : i32
      %ge3A_82 = arith.cmpi sge, %add3A_81, %ge3A : i32
      %convert_element_type3A = arith.extui %ge3A_82 : i1 to i32
      %cond3A = arith.constant 0 : i32
      %cond3A_83 = arith.cmpi ne, %convert_element_type3A, %cond3A : i32
      scf.if %cond3A_83 {
        %sub3A_283 = arith.constant 2 : i32
        %sub3A_284 = arith.subi %add3A_81, %sub3A_283 : i32
        %dma_wait3A_285 = arith.constant 3 : i32
        %dma_wait3A_286 = arith.constant 0 : i32
        %dma_wait3A_287 = arith.constant 0 : i32
        %dma_wait3A_288 = tpu.memref_slice %arg8[%dma_wait3A_285, %dma_wait3A_286, %dma_wait3A_287] : memref<5x80x64xf32, #tpu.memory_space<vmem>> -> memref<1x80x64xf32, #tpu.memory_space<vmem>>
        %dma_wait3A_289 = tpu.memref_squeeze %dma_wait3A_288 : memref<1x80x64xf32, #tpu.memory_space<vmem>> -> memref<80x64xf32, #tpu.memory_space<vmem>>
        %dma_wait3A_290 = arith.constant 0 : i32
        %dma_wait3A_291 = tpu.memref_slice %arg7[%sub3A_284, %dma_wait3A_290] : memref<250x80xi32, #tpu.memory_space<vmem>> -> memref<1x80xi32, #tpu.memory_space<vmem>>
        %dma_wait3A_292 = tpu.memref_squeeze %dma_wait3A_291 : memref<1x80xi32, #tpu.memory_space<vmem>> -> memref<80xi32, #tpu.memory_space<vmem>>
        %dma_wait3A_293 = arith.constant 0 : i32
        %dma_wait3A_294 = arith.constant 0 : i32
        %dma_wait3A_295 = tpu.memref_slice %arg9[%dma_wait3A_293, %dma_wait3A_294] : memref<10000x64xf32, #tpu.memory_space<vmem_shared>> -> memref<10000x64xf32, #tpu.memory_space<vmem_shared>>
        tpu.wait_indirect_dma semaphore(%arg18 : memref<!tpu.dma_semaphore, #tpu.memory_space<semaphore_mem>>) src(%dma_wait3A_289 : memref<80x64xf32, #tpu.memory_space<vmem>>) dst(%dma_wait3A_295 : memref<10000x64xf32, #tpu.memory_space<vmem_shared>>)
      } else {
      }
      %add3A_84 = arith.constant 5 : i32
      %add3A_85 = arith.addi %add3A_81, %add3A_84 : i32
      %sub3A = arith.constant 2 : i32
      %sub3A_86 = arith.subi %add3A_85, %sub3A : i32
      %lt3A = arith.constant 250 : i32
      %lt3A_87 = arith.cmpi slt, %sub3A_86, %lt3A : i32
      %convert_element_type3A_88 = arith.extui %lt3A_87 : i1 to i32
      %cond3A_89 = arith.constant 0 : i32
      %cond3A_90 = arith.cmpi ne, %convert_element_type3A_88, %cond3A_89 : i32
      scf.if %cond3A_90 {
        %add3A_283 = arith.constant 5 : i32
        %add3A_284 = arith.addi %add3A_81, %add3A_283 : i32
        %sub3A_285 = arith.constant 2 : i32
        %sub3A_286 = arith.subi %add3A_284, %sub3A_285 : i32
        %dma_start3A_287 = arith.constant 3 : i32
        %dma_start3A_288 = arith.constant 0 : i32
        %dma_start3A_289 = arith.constant 0 : i32
        %dma_start3A_290 = tpu.memref_slice %arg8[%dma_start3A_287, %dma_start3A_288, %dma_start3A_289] : memref<5x80x64xf32, #tpu.memory_space<vmem>> -> memref<1x80x64xf32, #tpu.memory_space<vmem>>
        %dma_start3A_291 = tpu.memref_squeeze %dma_start3A_290 : memref<1x80x64xf32, #tpu.memory_space<vmem>> -> memref<80x64xf32, #tpu.memory_space<vmem>>
        %dma_start3A_292 = arith.constant 0 : i32
        %dma_start3A_293 = tpu.memref_slice %arg6[%sub3A_286, %dma_start3A_292] : memref<250x80xi32, #tpu.memory_space<vmem>> -> memref<1x80xi32, #tpu.memory_space<vmem>>
        %dma_start3A_294 = tpu.memref_squeeze %dma_start3A_293 : memref<1x80xi32, #tpu.memory_space<vmem>> -> memref<80xi32, #tpu.memory_space<vmem>>
        %dma_start3A_295 = arith.constant 0 : i32
        %dma_start3A_296 = tpu.memref_slice %arg3[%mul3A_3, %dma_start3A_295] : memref<20000x64xf32, #tpu.memory_space<hbm>> -> memref<10000x64xf32, #tpu.memory_space<hbm>>
        %dma_start3A_297 = arith.constant 0 : i32
        %dma_start3A_298 = arith.constant 0 : i32
        %dma_start3A_299 = tpu.memref_slice %dma_start3A_296[%dma_start3A_297, %dma_start3A_298] : memref<10000x64xf32, #tpu.memory_space<hbm>> -> memref<10000x64xf32, #tpu.memory_space<hbm>>
        tpu.enqueue_indirect_dma source(%dma_start3A_299 : memref<10000x64xf32, #tpu.memory_space<hbm>>) target(%dma_start3A_291 : memref<80x64xf32, #tpu.memory_space<vmem>>) offsets(%dma_start3A_294 : memref<80xi32, #tpu.memory_space<vmem>>) semaphore(%arg13 : memref<!tpu.dma_semaphore, #tpu.memory_space<semaphore_mem>>)
      } else {
      }
      %dma_wait3A_91 = arith.constant 0 : i32
      %dma_wait3A_92 = arith.constant 0 : i32
      %dma_wait3A_93 = arith.constant 0 : i32
      %dma_wait3A_94 = tpu.memref_slice %arg8[%dma_wait3A_91, %dma_wait3A_92, %dma_wait3A_93] : memref<5x80x64xf32, #tpu.memory_space<vmem>> -> memref<1x80x64xf32, #tpu.memory_space<vmem>>
      %dma_wait3A_95 = tpu.memref_squeeze %dma_wait3A_94 : memref<1x80x64xf32, #tpu.memory_space<vmem>> -> memref<80x64xf32, #tpu.memory_space<vmem>>
      %dma_wait3A_96 = arith.constant 0 : i32
      %dma_wait3A_97 = tpu.memref_slice %arg6[%add3A_81, %dma_wait3A_96] : memref<250x80xi32, #tpu.memory_space<vmem>> -> memref<1x80xi32, #tpu.memory_space<vmem>>
      %dma_wait3A_98 = tpu.memref_squeeze %dma_wait3A_97 : memref<1x80xi32, #tpu.memory_space<vmem>> -> memref<80xi32, #tpu.memory_space<vmem>>
      %dma_wait3A_99 = arith.constant 0 : i32
      %dma_wait3A_100 = tpu.memref_slice %arg3[%mul3A_3, %dma_wait3A_99] : memref<20000x64xf32, #tpu.memory_space<hbm>> -> memref<10000x64xf32, #tpu.memory_space<hbm>>
      %dma_wait3A_101 = arith.constant 0 : i32
      %dma_wait3A_102 = arith.constant 0 : i32
      %dma_wait3A_103 = tpu.memref_slice %dma_wait3A_100[%dma_wait3A_101, %dma_wait3A_102] : memref<10000x64xf32, #tpu.memory_space<hbm>> -> memref<10000x64xf32, #tpu.memory_space<hbm>>
      tpu.wait_indirect_dma semaphore(%arg10 : memref<!tpu.dma_semaphore, #tpu.memory_space<semaphore_mem>>) src(%dma_wait3A_103 : memref<10000x64xf32, #tpu.memory_space<hbm>>) dst(%dma_wait3A_95 : memref<80x64xf32, #tpu.memory_space<vmem>>)
      %dma_start3A_104 = arith.constant 0 : i32
      %dma_start3A_105 = arith.constant 0 : i32
      %dma_start3A_106 = arith.constant 0 : i32
      %dma_start3A_107 = tpu.memref_slice %arg8[%dma_start3A_104, %dma_start3A_105, %dma_start3A_106] : memref<5x80x64xf32, #tpu.memory_space<vmem>> -> memref<1x80x64xf32, #tpu.memory_space<vmem>>
      %dma_start3A_108 = tpu.memref_squeeze %dma_start3A_107 : memref<1x80x64xf32, #tpu.memory_space<vmem>> -> memref<80x64xf32, #tpu.memory_space<vmem>>
      %dma_start3A_109 = arith.constant 0 : i32
      %dma_start3A_110 = tpu.memref_slice %arg7[%add3A_81, %dma_start3A_109] : memref<250x80xi32, #tpu.memory_space<vmem>> -> memref<1x80xi32, #tpu.memory_space<vmem>>
      %dma_start3A_111 = tpu.memref_squeeze %dma_start3A_110 : memref<1x80xi32, #tpu.memory_space<vmem>> -> memref<80xi32, #tpu.memory_space<vmem>>
      %dma_start3A_112 = arith.constant 0 : i32
      %dma_start3A_113 = arith.constant 0 : i32
      %dma_start3A_114 = tpu.memref_slice %arg9[%dma_start3A_112, %dma_start3A_113] : memref<10000x64xf32, #tpu.memory_space<vmem_shared>> -> memref<10000x64xf32, #tpu.memory_space<vmem_shared>>
      tpu.enqueue_indirect_dma source(%dma_start3A_108 : memref<80x64xf32, #tpu.memory_space<vmem>>) target(%dma_start3A_114 : memref<10000x64xf32, #tpu.memory_space<vmem_shared>>) offsets(%dma_start3A_111 : memref<80xi32, #tpu.memory_space<vmem>>) semaphore(%arg15 : memref<!tpu.dma_semaphore, #tpu.memory_space<semaphore_mem>>) {add = true}
      %mul3A_115 = arith.constant 5 : i32
      %mul3A_116 = arith.muli %scan3A_78, %mul3A_115 : i32
      %add3A_117 = arith.constant 1 : i32
      %add3A_118 = arith.addi %mul3A_116, %add3A_117 : i32
      %ge3A_119 = arith.constant 2 : i32
      %ge3A_120 = arith.cmpi sge, %add3A_118, %ge3A_119 : i32
      %convert_element_type3A_121 = arith.extui %ge3A_120 : i1 to i32
      %cond3A_122 = arith.constant 0 : i32
      %cond3A_123 = arith.cmpi ne, %convert_element_type3A_121, %cond3A_122 : i32
      scf.if %cond3A_123 {
        %sub3A_283 = arith.constant 2 : i32
        %sub3A_284 = arith.subi %add3A_118, %sub3A_283 : i32
        %dma_wait3A_285 = arith.constant 4 : i32
        %dma_wait3A_286 = arith.constant 0 : i32
        %dma_wait3A_287 = arith.constant 0 : i32
        %dma_wait3A_288 = tpu.memref_slice %arg8[%dma_wait3A_285, %dma_wait3A_286, %dma_wait3A_287] : memref<5x80x64xf32, #tpu.memory_space<vmem>> -> memref<1x80x64xf32, #tpu.memory_space<vmem>>
        %dma_wait3A_289 = tpu.memref_squeeze %dma_wait3A_288 : memref<1x80x64xf32, #tpu.memory_space<vmem>> -> memref<80x64xf32, #tpu.memory_space<vmem>>
        %dma_wait3A_290 = arith.constant 0 : i32
        %dma_wait3A_291 = tpu.memref_slice %arg7[%sub3A_284, %dma_wait3A_290] : memref<250x80xi32, #tpu.memory_space<vmem>> -> memref<1x80xi32, #tpu.memory_space<vmem>>
        %dma_wait3A_292 = tpu.memref_squeeze %dma_wait3A_291 : memref<1x80xi32, #tpu.memory_space<vmem>> -> memref<80xi32, #tpu.memory_space<vmem>>
        %dma_wait3A_293 = arith.constant 0 : i32
        %dma_wait3A_294 = arith.constant 0 : i32
        %dma_wait3A_295 = tpu.memref_slice %arg9[%dma_wait3A_293, %dma_wait3A_294] : memref<10000x64xf32, #tpu.memory_space<vmem_shared>> -> memref<10000x64xf32, #tpu.memory_space<vmem_shared>>
        tpu.wait_indirect_dma semaphore(%arg19 : memref<!tpu.dma_semaphore, #tpu.memory_space<semaphore_mem>>) src(%dma_wait3A_289 : memref<80x64xf32, #tpu.memory_space<vmem>>) dst(%dma_wait3A_295 : memref<10000x64xf32, #tpu.memory_space<vmem_shared>>)
      } else {
      }
      %add3A_124 = arith.constant 5 : i32
      %add3A_125 = arith.addi %add3A_118, %add3A_124 : i32
      %sub3A_126 = arith.constant 2 : i32
      %sub3A_127 = arith.subi %add3A_125, %sub3A_126 : i32
      %lt3A_128 = arith.constant 250 : i32
      %lt3A_129 = arith.cmpi slt, %sub3A_127, %lt3A_128 : i32
      %convert_element_type3A_130 = arith.extui %lt3A_129 : i1 to i32
      %cond3A_131 = arith.constant 0 : i32
      %cond3A_132 = arith.cmpi ne, %convert_element_type3A_130, %cond3A_131 : i32
      scf.if %cond3A_132 {
        %add3A_283 = arith.constant 5 : i32
        %add3A_284 = arith.addi %add3A_118, %add3A_283 : i32
        %sub3A_285 = arith.constant 2 : i32
        %sub3A_286 = arith.subi %add3A_284, %sub3A_285 : i32
        %dma_start3A_287 = arith.constant 4 : i32
        %dma_start3A_288 = arith.constant 0 : i32
        %dma_start3A_289 = arith.constant 0 : i32
        %dma_start3A_290 = tpu.memref_slice %arg8[%dma_start3A_287, %dma_start3A_288, %dma_start3A_289] : memref<5x80x64xf32, #tpu.memory_space<vmem>> -> memref<1x80x64xf32, #tpu.memory_space<vmem>>
        %dma_start3A_291 = tpu.memref_squeeze %dma_start3A_290 : memref<1x80x64xf32, #tpu.memory_space<vmem>> -> memref<80x64xf32, #tpu.memory_space<vmem>>
        %dma_start3A_292 = arith.constant 0 : i32
        %dma_start3A_293 = tpu.memref_slice %arg6[%sub3A_286, %dma_start3A_292] : memref<250x80xi32, #tpu.memory_space<vmem>> -> memref<1x80xi32, #tpu.memory_space<vmem>>
        %dma_start3A_294 = tpu.memref_squeeze %dma_start3A_293 : memref<1x80xi32, #tpu.memory_space<vmem>> -> memref<80xi32, #tpu.memory_space<vmem>>
        %dma_start3A_295 = arith.constant 0 : i32
        %dma_start3A_296 = tpu.memref_slice %arg3[%mul3A_3, %dma_start3A_295] : memref<20000x64xf32, #tpu.memory_space<hbm>> -> memref<10000x64xf32, #tpu.memory_space<hbm>>
        %dma_start3A_297 = arith.constant 0 : i32
        %dma_start3A_298 = arith.constant 0 : i32
        %dma_start3A_299 = tpu.memref_slice %dma_start3A_296[%dma_start3A_297, %dma_start3A_298] : memref<10000x64xf32, #tpu.memory_space<hbm>> -> memref<10000x64xf32, #tpu.memory_space<hbm>>
        tpu.enqueue_indirect_dma source(%dma_start3A_299 : memref<10000x64xf32, #tpu.memory_space<hbm>>) target(%dma_start3A_291 : memref<80x64xf32, #tpu.memory_space<vmem>>) offsets(%dma_start3A_294 : memref<80xi32, #tpu.memory_space<vmem>>) semaphore(%arg14 : memref<!tpu.dma_semaphore, #tpu.memory_space<semaphore_mem>>)
      } else {
      }
      %dma_wait3A_133 = arith.constant 1 : i32
      %dma_wait3A_134 = arith.constant 0 : i32
      %dma_wait3A_135 = arith.constant 0 : i32
      %dma_wait3A_136 = tpu.memref_slice %arg8[%dma_wait3A_133, %dma_wait3A_134, %dma_wait3A_135] : memref<5x80x64xf32, #tpu.memory_space<vmem>> -> memref<1x80x64xf32, #tpu.memory_space<vmem>>
      %dma_wait3A_137 = tpu.memref_squeeze %dma_wait3A_136 : memref<1x80x64xf32, #tpu.memory_space<vmem>> -> memref<80x64xf32, #tpu.memory_space<vmem>>
      %dma_wait3A_138 = arith.constant 0 : i32
      %dma_wait3A_139 = tpu.memref_slice %arg6[%add3A_118, %dma_wait3A_138] : memref<250x80xi32, #tpu.memory_space<vmem>> -> memref<1x80xi32, #tpu.memory_space<vmem>>
      %dma_wait3A_140 = tpu.memref_squeeze %dma_wait3A_139 : memref<1x80xi32, #tpu.memory_space<vmem>> -> memref<80xi32, #tpu.memory_space<vmem>>
      %dma_wait3A_141 = arith.constant 0 : i32
      %dma_wait3A_142 = tpu.memref_slice %arg3[%mul3A_3, %dma_wait3A_141] : memref<20000x64xf32, #tpu.memory_space<hbm>> -> memref<10000x64xf32, #tpu.memory_space<hbm>>
      %dma_wait3A_143 = arith.constant 0 : i32
      %dma_wait3A_144 = arith.constant 0 : i32
      %dma_wait3A_145 = tpu.memref_slice %dma_wait3A_142[%dma_wait3A_143, %dma_wait3A_144] : memref<10000x64xf32, #tpu.memory_space<hbm>> -> memref<10000x64xf32, #tpu.memory_space<hbm>>
      tpu.wait_indirect_dma semaphore(%arg11 : memref<!tpu.dma_semaphore, #tpu.memory_space<semaphore_mem>>) src(%dma_wait3A_145 : memref<10000x64xf32, #tpu.memory_space<hbm>>) dst(%dma_wait3A_137 : memref<80x64xf32, #tpu.memory_space<vmem>>)
      %dma_start3A_146 = arith.constant 1 : i32
      %dma_start3A_147 = arith.constant 0 : i32
      %dma_start3A_148 = arith.constant 0 : i32
      %dma_start3A_149 = tpu.memref_slice %arg8[%dma_start3A_146, %dma_start3A_147, %dma_start3A_148] : memref<5x80x64xf32, #tpu.memory_space<vmem>> -> memref<1x80x64xf32, #tpu.memory_space<vmem>>
      %dma_start3A_150 = tpu.memref_squeeze %dma_start3A_149 : memref<1x80x64xf32, #tpu.memory_space<vmem>> -> memref<80x64xf32, #tpu.memory_space<vmem>>
      %dma_start3A_151 = arith.constant 0 : i32
      %dma_start3A_152 = tpu.memref_slice %arg7[%add3A_118, %dma_start3A_151] : memref<250x80xi32, #tpu.memory_space<vmem>> -> memref<1x80xi32, #tpu.memory_space<vmem>>
      %dma_start3A_153 = tpu.memref_squeeze %dma_start3A_152 : memref<1x80xi32, #tpu.memory_space<vmem>> -> memref<80xi32, #tpu.memory_space<vmem>>
      %dma_start3A_154 = arith.constant 0 : i32
      %dma_start3A_155 = arith.constant 0 : i32
      %dma_start3A_156 = tpu.memref_slice %arg9[%dma_start3A_154, %dma_start3A_155] : memref<10000x64xf32, #tpu.memory_space<vmem_shared>> -> memref<10000x64xf32, #tpu.memory_space<vmem_shared>>
      tpu.enqueue_indirect_dma source(%dma_start3A_150 : memref<80x64xf32, #tpu.memory_space<vmem>>) target(%dma_start3A_156 : memref<10000x64xf32, #tpu.memory_space<vmem_shared>>) offsets(%dma_start3A_153 : memref<80xi32, #tpu.memory_space<vmem>>) semaphore(%arg16 : memref<!tpu.dma_semaphore, #tpu.memory_space<semaphore_mem>>) {add = true}
      %mul3A_157 = arith.constant 5 : i32
      %mul3A_158 = arith.muli %scan3A_78, %mul3A_157 : i32
      %add3A_159 = arith.constant 2 : i32
      %add3A_160 = arith.addi %mul3A_158, %add3A_159 : i32
      %ge3A_161 = arith.constant 2 : i32
      %ge3A_162 = arith.cmpi sge, %add3A_160, %ge3A_161 : i32
      %convert_element_type3A_163 = arith.extui %ge3A_162 : i1 to i32
      %cond3A_164 = arith.constant 0 : i32
      %cond3A_165 = arith.cmpi ne, %convert_element_type3A_163, %cond3A_164 : i32
      scf.if %cond3A_165 {
        %sub3A_283 = arith.constant 2 : i32
        %sub3A_284 = arith.subi %add3A_160, %sub3A_283 : i32
        %dma_wait3A_285 = arith.constant 0 : i32
        %dma_wait3A_286 = arith.constant 0 : i32
        %dma_wait3A_287 = arith.constant 0 : i32
        %dma_wait3A_288 = tpu.memref_slice %arg8[%dma_wait3A_285, %dma_wait3A_286, %dma_wait3A_287] : memref<5x80x64xf32, #tpu.memory_space<vmem>> -> memref<1x80x64xf32, #tpu.memory_space<vmem>>
        %dma_wait3A_289 = tpu.memref_squeeze %dma_wait3A_288 : memref<1x80x64xf32, #tpu.memory_space<vmem>> -> memref<80x64xf32, #tpu.memory_space<vmem>>
        %dma_wait3A_290 = arith.constant 0 : i32
        %dma_wait3A_291 = tpu.memref_slice %arg7[%sub3A_284, %dma_wait3A_290] : memref<250x80xi32, #tpu.memory_space<vmem>> -> memref<1x80xi32, #tpu.memory_space<vmem>>
        %dma_wait3A_292 = tpu.memref_squeeze %dma_wait3A_291 : memref<1x80xi32, #tpu.memory_space<vmem>> -> memref<80xi32, #tpu.memory_space<vmem>>
        %dma_wait3A_293 = arith.constant 0 : i32
        %dma_wait3A_294 = arith.constant 0 : i32
        %dma_wait3A_295 = tpu.memref_slice %arg9[%dma_wait3A_293, %dma_wait3A_294] : memref<10000x64xf32, #tpu.memory_space<vmem_shared>> -> memref<10000x64xf32, #tpu.memory_space<vmem_shared>>
        tpu.wait_indirect_dma semaphore(%arg15 : memref<!tpu.dma_semaphore, #tpu.memory_space<semaphore_mem>>) src(%dma_wait3A_289 : memref<80x64xf32, #tpu.memory_space<vmem>>) dst(%dma_wait3A_295 : memref<10000x64xf32, #tpu.memory_space<vmem_shared>>)
      } else {
      }
      %add3A_166 = arith.constant 5 : i32
      %add3A_167 = arith.addi %add3A_160, %add3A_166 : i32
      %sub3A_168 = arith.constant 2 : i32
      %sub3A_169 = arith.subi %add3A_167, %sub3A_168 : i32
      %lt3A_170 = arith.constant 250 : i32
      %lt3A_171 = arith.cmpi slt, %sub3A_169, %lt3A_170 : i32
      %convert_element_type3A_172 = arith.extui %lt3A_171 : i1 to i32
      %cond3A_173 = arith.constant 0 : i32
      %cond3A_174 = arith.cmpi ne, %convert_element_type3A_172, %cond3A_173 : i32
      scf.if %cond3A_174 {
        %add3A_283 = arith.constant 5 : i32
        %add3A_284 = arith.addi %add3A_160, %add3A_283 : i32
        %sub3A_285 = arith.constant 2 : i32
        %sub3A_286 = arith.subi %add3A_284, %sub3A_285 : i32
        %dma_start3A_287 = arith.constant 0 : i32
        %dma_start3A_288 = arith.constant 0 : i32
        %dma_start3A_289 = arith.constant 0 : i32
        %dma_start3A_290 = tpu.memref_slice %arg8[%dma_start3A_287, %dma_start3A_288, %dma_start3A_289] : memref<5x80x64xf32, #tpu.memory_space<vmem>> -> memref<1x80x64xf32, #tpu.memory_space<vmem>>
        %dma_start3A_291 = tpu.memref_squeeze %dma_start3A_290 : memref<1x80x64xf32, #tpu.memory_space<vmem>> -> memref<80x64xf32, #tpu.memory_space<vmem>>
        %dma_start3A_292 = arith.constant 0 : i32
        %dma_start3A_293 = tpu.memref_slice %arg6[%sub3A_286, %dma_start3A_292] : memref<250x80xi32, #tpu.memory_space<vmem>> -> memref<1x80xi32, #tpu.memory_space<vmem>>
        %dma_start3A_294 = tpu.memref_squeeze %dma_start3A_293 : memref<1x80xi32, #tpu.memory_space<vmem>> -> memref<80xi32, #tpu.memory_space<vmem>>
        %dma_start3A_295 = arith.constant 0 : i32
        %dma_start3A_296 = tpu.memref_slice %arg3[%mul3A_3, %dma_start3A_295] : memref<20000x64xf32, #tpu.memory_space<hbm>> -> memref<10000x64xf32, #tpu.memory_space<hbm>>
        %dma_start3A_297 = arith.constant 0 : i32
        %dma_start3A_298 = arith.constant 0 : i32
        %dma_start3A_299 = tpu.memref_slice %dma_start3A_296[%dma_start3A_297, %dma_start3A_298] : memref<10000x64xf32, #tpu.memory_space<hbm>> -> memref<10000x64xf32, #tpu.memory_space<hbm>>
        tpu.enqueue_indirect_dma source(%dma_start3A_299 : memref<10000x64xf32, #tpu.memory_space<hbm>>) target(%dma_start3A_291 : memref<80x64xf32, #tpu.memory_space<vmem>>) offsets(%dma_start3A_294 : memref<80xi32, #tpu.memory_space<vmem>>) semaphore(%arg10 : memref<!tpu.dma_semaphore, #tpu.memory_space<semaphore_mem>>)
      } else {
      }
      %dma_wait3A_175 = arith.constant 2 : i32
      %dma_wait3A_176 = arith.constant 0 : i32
      %dma_wait3A_177 = arith.constant 0 : i32
      %dma_wait3A_178 = tpu.memref_slice %arg8[%dma_wait3A_175, %dma_wait3A_176, %dma_wait3A_177] : memref<5x80x64xf32, #tpu.memory_space<vmem>> -> memref<1x80x64xf32, #tpu.memory_space<vmem>>
      %dma_wait3A_179 = tpu.memref_squeeze %dma_wait3A_178 : memref<1x80x64xf32, #tpu.memory_space<vmem>> -> memref<80x64xf32, #tpu.memory_space<vmem>>
      %dma_wait3A_180 = arith.constant 0 : i32
      %dma_wait3A_181 = tpu.memref_slice %arg6[%add3A_160, %dma_wait3A_180] : memref<250x80xi32, #tpu.memory_space<vmem>> -> memref<1x80xi32, #tpu.memory_space<vmem>>
      %dma_wait3A_182 = tpu.memref_squeeze %dma_wait3A_181 : memref<1x80xi32, #tpu.memory_space<vmem>> -> memref<80xi32, #tpu.memory_space<vmem>>
      %dma_wait3A_183 = arith.constant 0 : i32
      %dma_wait3A_184 = tpu.memref_slice %arg3[%mul3A_3, %dma_wait3A_183] : memref<20000x64xf32, #tpu.memory_space<hbm>> -> memref<10000x64xf32, #tpu.memory_space<hbm>>
      %dma_wait3A_185 = arith.constant 0 : i32
      %dma_wait3A_186 = arith.constant 0 : i32
      %dma_wait3A_187 = tpu.memref_slice %dma_wait3A_184[%dma_wait3A_185, %dma_wait3A_186] : memref<10000x64xf32, #tpu.memory_space<hbm>> -> memref<10000x64xf32, #tpu.memory_space<hbm>>
      tpu.wait_indirect_dma semaphore(%arg12 : memref<!tpu.dma_semaphore, #tpu.memory_space<semaphore_mem>>) src(%dma_wait3A_187 : memref<10000x64xf32, #tpu.memory_space<hbm>>) dst(%dma_wait3A_179 : memref<80x64xf32, #tpu.memory_space<vmem>>)
      %dma_start3A_188 = arith.constant 2 : i32
      %dma_start3A_189 = arith.constant 0 : i32
      %dma_start3A_190 = arith.constant 0 : i32
      %dma_start3A_191 = tpu.memref_slice %arg8[%dma_start3A_188, %dma_start3A_189, %dma_start3A_190] : memref<5x80x64xf32, #tpu.memory_space<vmem>> -> memref<1x80x64xf32, #tpu.memory_space<vmem>>
      %dma_start3A_192 = tpu.memref_squeeze %dma_start3A_191 : memref<1x80x64xf32, #tpu.memory_space<vmem>> -> memref<80x64xf32, #tpu.memory_space<vmem>>
      %dma_start3A_193 = arith.constant 0 : i32
      %dma_start3A_194 = tpu.memref_slice %arg7[%add3A_160, %dma_start3A_193] : memref<250x80xi32, #tpu.memory_space<vmem>> -> memref<1x80xi32, #tpu.memory_space<vmem>>
      %dma_start3A_195 = tpu.memref_squeeze %dma_start3A_194 : memref<1x80xi32, #tpu.memory_space<vmem>> -> memref<80xi32, #tpu.memory_space<vmem>>
      %dma_start3A_196 = arith.constant 0 : i32
      %dma_start3A_197 = arith.constant 0 : i32
      %dma_start3A_198 = tpu.memref_slice %arg9[%dma_start3A_196, %dma_start3A_197] : memref<10000x64xf32, #tpu.memory_space<vmem_shared>> -> memref<10000x64xf32, #tpu.memory_space<vmem_shared>>
      tpu.enqueue_indirect_dma source(%dma_start3A_192 : memref<80x64xf32, #tpu.memory_space<vmem>>) target(%dma_start3A_198 : memref<10000x64xf32, #tpu.memory_space<vmem_shared>>) offsets(%dma_start3A_195 : memref<80xi32, #tpu.memory_space<vmem>>) semaphore(%arg17 : memref<!tpu.dma_semaphore, #tpu.memory_space<semaphore_mem>>) {add = true}
      %mul3A_199 = arith.constant 5 : i32
      %mul3A_200 = arith.muli %scan3A_78, %mul3A_199 : i32
      %add3A_201 = arith.constant 3 : i32
      %add3A_202 = arith.addi %mul3A_200, %add3A_201 : i32
      %ge3A_203 = arith.constant 2 : i32
      %ge3A_204 = arith.cmpi sge, %add3A_202, %ge3A_203 : i32
      %convert_element_type3A_205 = arith.extui %ge3A_204 : i1 to i32
      %cond3A_206 = arith.constant 0 : i32
      %cond3A_207 = arith.cmpi ne, %convert_element_type3A_205, %cond3A_206 : i32
      scf.if %cond3A_207 {
        %sub3A_283 = arith.constant 2 : i32
        %sub3A_284 = arith.subi %add3A_202, %sub3A_283 : i32
        %dma_wait3A_285 = arith.constant 1 : i32
        %dma_wait3A_286 = arith.constant 0 : i32
        %dma_wait3A_287 = arith.constant 0 : i32
        %dma_wait3A_288 = tpu.memref_slice %arg8[%dma_wait3A_285, %dma_wait3A_286, %dma_wait3A_287] : memref<5x80x64xf32, #tpu.memory_space<vmem>> -> memref<1x80x64xf32, #tpu.memory_space<vmem>>
        %dma_wait3A_289 = tpu.memref_squeeze %dma_wait3A_288 : memref<1x80x64xf32, #tpu.memory_space<vmem>> -> memref<80x64xf32, #tpu.memory_space<vmem>>
        %dma_wait3A_290 = arith.constant 0 : i32
        %dma_wait3A_291 = tpu.memref_slice %arg7[%sub3A_284, %dma_wait3A_290] : memref<250x80xi32, #tpu.memory_space<vmem>> -> memref<1x80xi32, #tpu.memory_space<vmem>>
        %dma_wait3A_292 = tpu.memref_squeeze %dma_wait3A_291 : memref<1x80xi32, #tpu.memory_space<vmem>> -> memref<80xi32, #tpu.memory_space<vmem>>
        %dma_wait3A_293 = arith.constant 0 : i32
        %dma_wait3A_294 = arith.constant 0 : i32
        %dma_wait3A_295 = tpu.memref_slice %arg9[%dma_wait3A_293, %dma_wait3A_294] : memref<10000x64xf32, #tpu.memory_space<vmem_shared>> -> memref<10000x64xf32, #tpu.memory_space<vmem_shared>>
        tpu.wait_indirect_dma semaphore(%arg16 : memref<!tpu.dma_semaphore, #tpu.memory_space<semaphore_mem>>) src(%dma_wait3A_289 : memref<80x64xf32, #tpu.memory_space<vmem>>) dst(%dma_wait3A_295 : memref<10000x64xf32, #tpu.memory_space<vmem_shared>>)
      } else {
      }
      %add3A_208 = arith.constant 5 : i32
      %add3A_209 = arith.addi %add3A_202, %add3A_208 : i32
      %sub3A_210 = arith.constant 2 : i32
      %sub3A_211 = arith.subi %add3A_209, %sub3A_210 : i32
      %lt3A_212 = arith.constant 250 : i32
      %lt3A_213 = arith.cmpi slt, %sub3A_211, %lt3A_212 : i32
      %convert_element_type3A_214 = arith.extui %lt3A_213 : i1 to i32
      %cond3A_215 = arith.constant 0 : i32
      %cond3A_216 = arith.cmpi ne, %convert_element_type3A_214, %cond3A_215 : i32
      scf.if %cond3A_216 {
        %add3A_283 = arith.constant 5 : i32
        %add3A_284 = arith.addi %add3A_202, %add3A_283 : i32
        %sub3A_285 = arith.constant 2 : i32
        %sub3A_286 = arith.subi %add3A_284, %sub3A_285 : i32
        %dma_start3A_287 = arith.constant 1 : i32
        %dma_start3A_288 = arith.constant 0 : i32
        %dma_start3A_289 = arith.constant 0 : i32
        %dma_start3A_290 = tpu.memref_slice %arg8[%dma_start3A_287, %dma_start3A_288, %dma_start3A_289] : memref<5x80x64xf32, #tpu.memory_space<vmem>> -> memref<1x80x64xf32, #tpu.memory_space<vmem>>
        %dma_start3A_291 = tpu.memref_squeeze %dma_start3A_290 : memref<1x80x64xf32, #tpu.memory_space<vmem>> -> memref<80x64xf32, #tpu.memory_space<vmem>>
        %dma_start3A_292 = arith.constant 0 : i32
        %dma_start3A_293 = tpu.memref_slice %arg6[%sub3A_286, %dma_start3A_292] : memref<250x80xi32, #tpu.memory_space<vmem>> -> memref<1x80xi32, #tpu.memory_space<vmem>>
        %dma_start3A_294 = tpu.memref_squeeze %dma_start3A_293 : memref<1x80xi32, #tpu.memory_space<vmem>> -> memref<80xi32, #tpu.memory_space<vmem>>
        %dma_start3A_295 = arith.constant 0 : i32
        %dma_start3A_296 = tpu.memref_slice %arg3[%mul3A_3, %dma_start3A_295] : memref<20000x64xf32, #tpu.memory_space<hbm>> -> memref<10000x64xf32, #tpu.memory_space<hbm>>
        %dma_start3A_297 = arith.constant 0 : i32
        %dma_start3A_298 = arith.constant 0 : i32
        %dma_start3A_299 = tpu.memref_slice %dma_start3A_296[%dma_start3A_297, %dma_start3A_298] : memref<10000x64xf32, #tpu.memory_space<hbm>> -> memref<10000x64xf32, #tpu.memory_space<hbm>>
        tpu.enqueue_indirect_dma source(%dma_start3A_299 : memref<10000x64xf32, #tpu.memory_space<hbm>>) target(%dma_start3A_291 : memref<80x64xf32, #tpu.memory_space<vmem>>) offsets(%dma_start3A_294 : memref<80xi32, #tpu.memory_space<vmem>>) semaphore(%arg11 : memref<!tpu.dma_semaphore, #tpu.memory_space<semaphore_mem>>)
      } else {
      }
      %dma_wait3A_217 = arith.constant 3 : i32
      %dma_wait3A_218 = arith.constant 0 : i32
      %dma_wait3A_219 = arith.constant 0 : i32
      %dma_wait3A_220 = tpu.memref_slice %arg8[%dma_wait3A_217, %dma_wait3A_218, %dma_wait3A_219] : memref<5x80x64xf32, #tpu.memory_space<vmem>> -> memref<1x80x64xf32, #tpu.memory_space<vmem>>
      %dma_wait3A_221 = tpu.memref_squeeze %dma_wait3A_220 : memref<1x80x64xf32, #tpu.memory_space<vmem>> -> memref<80x64xf32, #tpu.memory_space<vmem>>
      %dma_wait3A_222 = arith.constant 0 : i32
      %dma_wait3A_223 = tpu.memref_slice %arg6[%add3A_202, %dma_wait3A_222] : memref<250x80xi32, #tpu.memory_space<vmem>> -> memref<1x80xi32, #tpu.memory_space<vmem>>
      %dma_wait3A_224 = tpu.memref_squeeze %dma_wait3A_223 : memref<1x80xi32, #tpu.memory_space<vmem>> -> memref<80xi32, #tpu.memory_space<vmem>>
      %dma_wait3A_225 = arith.constant 0 : i32
      %dma_wait3A_226 = tpu.memref_slice %arg3[%mul3A_3, %dma_wait3A_225] : memref<20000x64xf32, #tpu.memory_space<hbm>> -> memref<10000x64xf32, #tpu.memory_space<hbm>>
      %dma_wait3A_227 = arith.constant 0 : i32
      %dma_wait3A_228 = arith.constant 0 : i32
      %dma_wait3A_229 = tpu.memref_slice %dma_wait3A_226[%dma_wait3A_227, %dma_wait3A_228] : memref<10000x64xf32, #tpu.memory_space<hbm>> -> memref<10000x64xf32, #tpu.memory_space<hbm>>
      tpu.wait_indirect_dma semaphore(%arg13 : memref<!tpu.dma_semaphore, #tpu.memory_space<semaphore_mem>>) src(%dma_wait3A_229 : memref<10000x64xf32, #tpu.memory_space<hbm>>) dst(%dma_wait3A_221 : memref<80x64xf32, #tpu.memory_space<vmem>>)
      %dma_start3A_230 = arith.constant 3 : i32
      %dma_start3A_231 = arith.constant 0 : i32
      %dma_start3A_232 = arith.constant 0 : i32
      %dma_start3A_233 = tpu.memref_slice %arg8[%dma_start3A_230, %dma_start3A_231, %dma_start3A_232] : memref<5x80x64xf32, #tpu.memory_space<vmem>> -> memref<1x80x64xf32, #tpu.memory_space<vmem>>
      %dma_start3A_234 = tpu.memref_squeeze %dma_start3A_233 : memref<1x80x64xf32, #tpu.memory_space<vmem>> -> memref<80x64xf32, #tpu.memory_space<vmem>>
      %dma_start3A_235 = arith.constant 0 : i32
      %dma_start3A_236 = tpu.memref_slice %arg7[%add3A_202, %dma_start3A_235] : memref<250x80xi32, #tpu.memory_space<vmem>> -> memref<1x80xi32, #tpu.memory_space<vmem>>
      %dma_start3A_237 = tpu.memref_squeeze %dma_start3A_236 : memref<1x80xi32, #tpu.memory_space<vmem>> -> memref<80xi32, #tpu.memory_space<vmem>>
      %dma_start3A_238 = arith.constant 0 : i32
      %dma_start3A_239 = arith.constant 0 : i32
      %dma_start3A_240 = tpu.memref_slice %arg9[%dma_start3A_238, %dma_start3A_239] : memref<10000x64xf32, #tpu.memory_space<vmem_shared>> -> memref<10000x64xf32, #tpu.memory_space<vmem_shared>>
      tpu.enqueue_indirect_dma source(%dma_start3A_234 : memref<80x64xf32, #tpu.memory_space<vmem>>) target(%dma_start3A_240 : memref<10000x64xf32, #tpu.memory_space<vmem_shared>>) offsets(%dma_start3A_237 : memref<80xi32, #tpu.memory_space<vmem>>) semaphore(%arg18 : memref<!tpu.dma_semaphore, #tpu.memory_space<semaphore_mem>>) {add = true}
      %mul3A_241 = arith.constant 5 : i32
      %mul3A_242 = arith.muli %scan3A_78, %mul3A_241 : i32
      %add3A_243 = arith.constant 4 : i32
      %add3A_244 = arith.addi %mul3A_242, %add3A_243 : i32
      %ge3A_245 = arith.constant 2 : i32
      %ge3A_246 = arith.cmpi sge, %add3A_244, %ge3A_245 : i32
      %convert_element_type3A_247 = arith.extui %ge3A_246 : i1 to i32
      %cond3A_248 = arith.constant 0 : i32
      %cond3A_249 = arith.cmpi ne, %convert_element_type3A_247, %cond3A_248 : i32
      scf.if %cond3A_249 {
        %sub3A_283 = arith.constant 2 : i32
        %sub3A_284 = arith.subi %add3A_244, %sub3A_283 : i32
        %dma_wait3A_285 = arith.constant 2 : i32
        %dma_wait3A_286 = arith.constant 0 : i32
        %dma_wait3A_287 = arith.constant 0 : i32
        %dma_wait3A_288 = tpu.memref_slice %arg8[%dma_wait3A_285, %dma_wait3A_286, %dma_wait3A_287] : memref<5x80x64xf32, #tpu.memory_space<vmem>> -> memref<1x80x64xf32, #tpu.memory_space<vmem>>
        %dma_wait3A_289 = tpu.memref_squeeze %dma_wait3A_288 : memref<1x80x64xf32, #tpu.memory_space<vmem>> -> memref<80x64xf32, #tpu.memory_space<vmem>>
        %dma_wait3A_290 = arith.constant 0 : i32
        %dma_wait3A_291 = tpu.memref_slice %arg7[%sub3A_284, %dma_wait3A_290] : memref<250x80xi32, #tpu.memory_space<vmem>> -> memref<1x80xi32, #tpu.memory_space<vmem>>
        %dma_wait3A_292 = tpu.memref_squeeze %dma_wait3A_291 : memref<1x80xi32, #tpu.memory_space<vmem>> -> memref<80xi32, #tpu.memory_space<vmem>>
        %dma_wait3A_293 = arith.constant 0 : i32
        %dma_wait3A_294 = arith.constant 0 : i32
        %dma_wait3A_295 = tpu.memref_slice %arg9[%dma_wait3A_293, %dma_wait3A_294] : memref<10000x64xf32, #tpu.memory_space<vmem_shared>> -> memref<10000x64xf32, #tpu.memory_space<vmem_shared>>
        tpu.wait_indirect_dma semaphore(%arg17 : memref<!tpu.dma_semaphore, #tpu.memory_space<semaphore_mem>>) src(%dma_wait3A_289 : memref<80x64xf32, #tpu.memory_space<vmem>>) dst(%dma_wait3A_295 : memref<10000x64xf32, #tpu.memory_space<vmem_shared>>)
      } else {
      }
      %add3A_250 = arith.constant 5 : i32
      %add3A_251 = arith.addi %add3A_244, %add3A_250 : i32
      %sub3A_252 = arith.constant 2 : i32
      %sub3A_253 = arith.subi %add3A_251, %sub3A_252 : i32
      %lt3A_254 = arith.constant 250 : i32
      %lt3A_255 = arith.cmpi slt, %sub3A_253, %lt3A_254 : i32
      %convert_element_type3A_256 = arith.extui %lt3A_255 : i1 to i32
      %cond3A_257 = arith.constant 0 : i32
      %cond3A_258 = arith.cmpi ne, %convert_element_type3A_256, %cond3A_257 : i32
      scf.if %cond3A_258 {
        %add3A_283 = arith.constant 5 : i32
        %add3A_284 = arith.addi %add3A_244, %add3A_283 : i32
        %sub3A_285 = arith.constant 2 : i32
        %sub3A_286 = arith.subi %add3A_284, %sub3A_285 : i32
        %dma_start3A_287 = arith.constant 2 : i32
        %dma_start3A_288 = arith.constant 0 : i32
        %dma_start3A_289 = arith.constant 0 : i32
        %dma_start3A_290 = tpu.memref_slice %arg8[%dma_start3A_287, %dma_start3A_288, %dma_start3A_289] : memref<5x80x64xf32, #tpu.memory_space<vmem>> -> memref<1x80x64xf32, #tpu.memory_space<vmem>>
        %dma_start3A_291 = tpu.memref_squeeze %dma_start3A_290 : memref<1x80x64xf32, #tpu.memory_space<vmem>> -> memref<80x64xf32, #tpu.memory_space<vmem>>
        %dma_start3A_292 = arith.constant 0 : i32
        %dma_start3A_293 = tpu.memref_slice %arg6[%sub3A_286, %dma_start3A_292] : memref<250x80xi32, #tpu.memory_space<vmem>> -> memref<1x80xi32, #tpu.memory_space<vmem>>
        %dma_start3A_294 = tpu.memref_squeeze %dma_start3A_293 : memref<1x80xi32, #tpu.memory_space<vmem>> -> memref<80xi32, #tpu.memory_space<vmem>>
        %dma_start3A_295 = arith.constant 0 : i32
        %dma_start3A_296 = tpu.memref_slice %arg3[%mul3A_3, %dma_start3A_295] : memref<20000x64xf32, #tpu.memory_space<hbm>> -> memref<10000x64xf32, #tpu.memory_space<hbm>>
        %dma_start3A_297 = arith.constant 0 : i32
        %dma_start3A_298 = arith.constant 0 : i32
        %dma_start3A_299 = tpu.memref_slice %dma_start3A_296[%dma_start3A_297, %dma_start3A_298] : memref<10000x64xf32, #tpu.memory_space<hbm>> -> memref<10000x64xf32, #tpu.memory_space<hbm>>
        tpu.enqueue_indirect_dma source(%dma_start3A_299 : memref<10000x64xf32, #tpu.memory_space<hbm>>) target(%dma_start3A_291 : memref<80x64xf32, #tpu.memory_space<vmem>>) offsets(%dma_start3A_294 : memref<80xi32, #tpu.memory_space<vmem>>) semaphore(%arg12 : memref<!tpu.dma_semaphore, #tpu.memory_space<semaphore_mem>>)
      } else {
      }
      %dma_wait3A_259 = arith.constant 4 : i32
      %dma_wait3A_260 = arith.constant 0 : i32
      %dma_wait3A_261 = arith.constant 0 : i32
      %dma_wait3A_262 = tpu.memref_slice %arg8[%dma_wait3A_259, %dma_wait3A_260, %dma_wait3A_261] : memref<5x80x64xf32, #tpu.memory_space<vmem>> -> memref<1x80x64xf32, #tpu.memory_space<vmem>>
      %dma_wait3A_263 = tpu.memref_squeeze %dma_wait3A_262 : memref<1x80x64xf32, #tpu.memory_space<vmem>> -> memref<80x64xf32, #tpu.memory_space<vmem>>
      %dma_wait3A_264 = arith.constant 0 : i32
      %dma_wait3A_265 = tpu.memref_slice %arg6[%add3A_244, %dma_wait3A_264] : memref<250x80xi32, #tpu.memory_space<vmem>> -> memref<1x80xi32, #tpu.memory_space<vmem>>
      %dma_wait3A_266 = tpu.memref_squeeze %dma_wait3A_265 : memref<1x80xi32, #tpu.memory_space<vmem>> -> memref<80xi32, #tpu.memory_space<vmem>>
      %dma_wait3A_267 = arith.constant 0 : i32
      %dma_wait3A_268 = tpu.memref_slice %arg3[%mul3A_3, %dma_wait3A_267] : memref<20000x64xf32, #tpu.memory_space<hbm>> -> memref<10000x64xf32, #tpu.memory_space<hbm>>
      %dma_wait3A_269 = arith.constant 0 : i32
      %dma_wait3A_270 = arith.constant 0 : i32
      %dma_wait3A_271 = tpu.memref_slice %dma_wait3A_268[%dma_wait3A_269, %dma_wait3A_270] : memref<10000x64xf32, #tpu.memory_space<hbm>> -> memref<10000x64xf32, #tpu.memory_space<hbm>>
      tpu.wait_indirect_dma semaphore(%arg14 : memref<!tpu.dma_semaphore, #tpu.memory_space<semaphore_mem>>) src(%dma_wait3A_271 : memref<10000x64xf32, #tpu.memory_space<hbm>>) dst(%dma_wait3A_263 : memref<80x64xf32, #tpu.memory_space<vmem>>)
      %dma_start3A_272 = arith.constant 4 : i32
      %dma_start3A_273 = arith.constant 0 : i32
      %dma_start3A_274 = arith.constant 0 : i32
      %dma_start3A_275 = tpu.memref_slice %arg8[%dma_start3A_272, %dma_start3A_273, %dma_start3A_274] : memref<5x80x64xf32, #tpu.memory_space<vmem>> -> memref<1x80x64xf32, #tpu.memory_space<vmem>>
      %dma_start3A_276 = tpu.memref_squeeze %dma_start3A_275 : memref<1x80x64xf32, #tpu.memory_space<vmem>> -> memref<80x64xf32, #tpu.memory_space<vmem>>
      %dma_start3A_277 = arith.constant 0 : i32
      %dma_start3A_278 = tpu.memref_slice %arg7[%add3A_244, %dma_start3A_277] : memref<250x80xi32, #tpu.memory_space<vmem>> -> memref<1x80xi32, #tpu.memory_space<vmem>>
      %dma_start3A_279 = tpu.memref_squeeze %dma_start3A_278 : memref<1x80xi32, #tpu.memory_space<vmem>> -> memref<80xi32, #tpu.memory_space<vmem>>
      %dma_start3A_280 = arith.constant 0 : i32
      %dma_start3A_281 = arith.constant 0 : i32
      %dma_start3A_282 = tpu.memref_slice %arg9[%dma_start3A_280, %dma_start3A_281] : memref<10000x64xf32, #tpu.memory_space<vmem_shared>> -> memref<10000x64xf32, #tpu.memory_space<vmem_shared>>
      tpu.enqueue_indirect_dma source(%dma_start3A_276 : memref<80x64xf32, #tpu.memory_space<vmem>>) target(%dma_start3A_282 : memref<10000x64xf32, #tpu.memory_space<vmem_shared>>) offsets(%dma_start3A_279 : memref<80xi32, #tpu.memory_space<vmem>>) semaphore(%arg19 : memref<!tpu.dma_semaphore, #tpu.memory_space<semaphore_mem>>) {add = true}
    }
    %scan3A_49 = arith.constant 50 : i32
    %dma_wait3A = arith.constant 3 : i32
    %dma_wait3A_50 = arith.constant 248 : i32
    %dma_wait3A_51 = arith.constant 0 : i32
    %dma_wait3A_52 = arith.constant 0 : i32
    %dma_wait3A_53 = tpu.memref_slice %arg8[%dma_wait3A, %dma_wait3A_51, %dma_wait3A_52] : memref<5x80x64xf32, #tpu.memory_space<vmem>> -> memref<1x80x64xf32, #tpu.memory_space<vmem>>
    %dma_wait3A_54 = tpu.memref_squeeze %dma_wait3A_53 : memref<1x80x64xf32, #tpu.memory_space<vmem>> -> memref<80x64xf32, #tpu.memory_space<vmem>>
    %dma_wait3A_55 = arith.constant 0 : i32
    %dma_wait3A_56 = tpu.memref_slice %arg7[%dma_wait3A_50, %dma_wait3A_55] : memref<250x80xi32, #tpu.memory_space<vmem>> -> memref<1x80xi32, #tpu.memory_space<vmem>>
    %dma_wait3A_57 = tpu.memref_squeeze %dma_wait3A_56 : memref<1x80xi32, #tpu.memory_space<vmem>> -> memref<80xi32, #tpu.memory_space<vmem>>
    %dma_wait3A_58 = arith.constant 0 : i32
    %dma_wait3A_59 = arith.constant 0 : i32
    %dma_wait3A_60 = tpu.memref_slice %arg9[%dma_wait3A_58, %dma_wait3A_59] : memref<10000x64xf32, #tpu.memory_space<vmem_shared>> -> memref<10000x64xf32, #tpu.memory_space<vmem_shared>>
    tpu.wait_indirect_dma semaphore(%arg18 : memref<!tpu.dma_semaphore, #tpu.memory_space<semaphore_mem>>) src(%dma_wait3A_54 : memref<80x64xf32, #tpu.memory_space<vmem>>) dst(%dma_wait3A_60 : memref<10000x64xf32, #tpu.memory_space<vmem_shared>>)
    %dma_wait3A_61 = arith.constant 4 : i32
    %dma_wait3A_62 = arith.constant 249 : i32
    %dma_wait3A_63 = arith.constant 0 : i32
    %dma_wait3A_64 = arith.constant 0 : i32
    %dma_wait3A_65 = tpu.memref_slice %arg8[%dma_wait3A_61, %dma_wait3A_63, %dma_wait3A_64] : memref<5x80x64xf32, #tpu.memory_space<vmem>> -> memref<1x80x64xf32, #tpu.memory_space<vmem>>
    %dma_wait3A_66 = tpu.memref_squeeze %dma_wait3A_65 : memref<1x80x64xf32, #tpu.memory_space<vmem>> -> memref<80x64xf32, #tpu.memory_space<vmem>>
    %dma_wait3A_67 = arith.constant 0 : i32
    %dma_wait3A_68 = tpu.memref_slice %arg7[%dma_wait3A_62, %dma_wait3A_67] : memref<250x80xi32, #tpu.memory_space<vmem>> -> memref<1x80xi32, #tpu.memory_space<vmem>>
    %dma_wait3A_69 = tpu.memref_squeeze %dma_wait3A_68 : memref<1x80xi32, #tpu.memory_space<vmem>> -> memref<80xi32, #tpu.memory_space<vmem>>
    %dma_wait3A_70 = arith.constant 0 : i32
    %dma_wait3A_71 = arith.constant 0 : i32
    %dma_wait3A_72 = tpu.memref_slice %arg9[%dma_wait3A_70, %dma_wait3A_71] : memref<10000x64xf32, #tpu.memory_space<vmem_shared>> -> memref<10000x64xf32, #tpu.memory_space<vmem_shared>>
    tpu.wait_indirect_dma semaphore(%arg19 : memref<!tpu.dma_semaphore, #tpu.memory_space<semaphore_mem>>) src(%dma_wait3A_66 : memref<80x64xf32, #tpu.memory_space<vmem>>) dst(%dma_wait3A_72 : memref<10000x64xf32, #tpu.memory_space<vmem_shared>>)
    %barrier3A_73 = arith.constant 0 : index
    tpu.barrier barrier_id(%barrier3A_73)
    %mul3A_74 = arith.constant 625 : i32
    %mul3A_75 = arith.muli %arg1, %mul3A_74 : i32
    %mul3A_76 = arith.constant 625 : i32
    %mul3A_77 = arith.muli %arg1, %mul3A_76 : i32
    "tpu.region"() ({
      %run_scoped3A_78 = tpu.sem_alloc : memref<!tpu.dma_semaphore, #tpu.memory_space<semaphore_mem>>
      %dma_start3A_79 = arith.constant 0 : i32
      %dma_start3A_80 = tpu.memref_slice %arg5[%arg0, %mul3A_77, %dma_start3A_79] : memref<2x10000x64xf32, #tpu.memory_space<hbm>> -> memref<1x625x64xf32, #tpu.memory_space<hbm>>
      %dma_start3A_81 = tpu.memref_squeeze %dma_start3A_80 : memref<1x625x64xf32, #tpu.memory_space<hbm>> -> memref<625x64xf32, #tpu.memory_space<hbm>>
      %dma_start3A_82 = arith.constant 0 : i32
      %dma_start3A_83 = tpu.memref_slice %arg9[%mul3A_75, %dma_start3A_82] : memref<10000x64xf32, #tpu.memory_space<vmem_shared>> -> memref<625x64xf32, #tpu.memory_space<vmem_shared>>
      tpu.enqueue_dma source(%dma_start3A_83 : memref<625x64xf32, #tpu.memory_space<vmem_shared>>) target(%dma_start3A_81 : memref<625x64xf32, #tpu.memory_space<hbm>>) target_semaphore(%run_scoped3A_78 : memref<!tpu.dma_semaphore, #tpu.memory_space<semaphore_mem>>)
      %dma_wait3A_84 = arith.constant 0 : i32
      %dma_wait3A_85 = tpu.memref_slice %arg5[%arg0, %mul3A_77, %dma_wait3A_84] : memref<2x10000x64xf32, #tpu.memory_space<hbm>> -> memref<1x625x64xf32, #tpu.memory_space<hbm>>
      %dma_wait3A_86 = tpu.memref_squeeze %dma_wait3A_85 : memref<1x625x64xf32, #tpu.memory_space<hbm>> -> memref<625x64xf32, #tpu.memory_space<hbm>>
      %dma_wait3A_87 = arith.constant 0 : i32
      %dma_wait3A_88 = tpu.memref_slice %arg9[%mul3A_75, %dma_wait3A_87] : memref<10000x64xf32, #tpu.memory_space<vmem_shared>> -> memref<625x64xf32, #tpu.memory_space<vmem_shared>>
      tpu.wait_dma2 semaphore(%run_scoped3A_78 : memref<!tpu.dma_semaphore, #tpu.memory_space<semaphore_mem>>) src(%dma_wait3A_88 : memref<625x64xf32, #tpu.memory_space<vmem_shared>>) dst(%dma_wait3A_86 : memref<625x64xf32, #tpu.memory_space<hbm>>)
      tpu.yield
    }) : () -> ()
    return
  }
}

module attributes {stable_mosaic.version = 14 : i64} {
  func.func @_y1_tc(%arg0: i32, %arg1: memref<1000x256xf32, #tpu.memory_space<vmem>>, %arg2: memref<2x256x128xf32, #tpu.memory_space<vmem>>, %arg3: memref<1000x128xf32, #tpu.memory_space<vmem>>, %arg4: memref<2x1000x128xf32, #tpu.memory_space<vmem>>) attributes {dimension_semantics = [#tpu.dimension_semantics<arbitrary>], iteration_bounds = array<i64: 5>, scalar_prefetch = 0 : i64, scratch_operands = 0 : i64, tpu.core_type = #tpu.core_type<tc>, window_params = [{transform_indices = @transform_0, window_bounds = array<i64: 1000, 256>}, {pipeline_mode = #tpu.pipeline_mode<synchronous>, transform_indices = @transform_1, window_bounds = array<i64: 2, 256, 128>}, {transform_indices = @transform_2, window_bounds = array<i64: 1000, 128>}, {transform_indices = @transform_3, window_bounds = array<i64: 2, 1000, 128>}]} {
    %get3A = arith.constant 0 : index
    %get3A_0 = arith.constant 0 : index
    %get3A_1 = vector.load %arg3[%get3A, %get3A_0] : memref<1000x128xf32, #tpu.memory_space<vmem>>, vector<1000x128xf32>
    %get3A_2 = arith.constant 0 : index
    %get3A_3 = arith.constant 0 : index
    %get3A_4 = vector.load %arg1[%get3A_2, %get3A_3] : memref<1000x256xf32, #tpu.memory_space<vmem>>, vector<1000x256xf32>
    %get3A_5 = arith.constant 0 : index
    %get3A_6 = arith.constant 0 : index
    %get3A_7 = arith.constant 0 : index
    %get3A_8 = vector.load %arg2[%get3A_5, %get3A_6, %get3A_7] : memref<2x256x128xf32, #tpu.memory_space<vmem>>, vector<1x256x128xf32>
    %get3A_9 = vector.shape_cast %get3A_8 : vector<1x256x128xf32> to vector<256x128xf32>
    %dot_general3A = arith.constant dense<0.000000e+00> : vector<1000x128xf32>
    %dot_general3A_10 = tpu.matmul %get3A_4, %get3A_9, %dot_general3A {dimension_numbers = #tpu.dot_dimension_numbers<[1], [0], [0], [1], [0, 0, 1, 1], [], []>, transpose_lhs_hint = false} : vector<1000x256xf32>, vector<256x128xf32>, vector<1000x128xf32> -> vector<1000x128xf32>
    %mul3A = arith.mulf %get3A_1, %dot_general3A_10 : vector<1000x128xf32>
    %swap3A = arith.constant 0 : index
    %swap3A_11 = arith.constant 0 : index
    %swap3A_12 = arith.constant 0 : index
    %swap3A_13 = vector.load %arg4[%swap3A, %swap3A_11, %swap3A_12] : memref<2x1000x128xf32, #tpu.memory_space<vmem>>, vector<1x1000x128xf32>
    %swap3A_14 = vector.shape_cast %swap3A_13 : vector<1x1000x128xf32> to vector<1000x128xf32>
    %swap3A_15 = vector.shape_cast %mul3A : vector<1000x128xf32> to vector<1x1000x128xf32>
    tpu.vector_store %arg4[%swap3A, %swap3A_11, %swap3A_12], %swap3A_15 {strides = array<i32>} : memref<2x1000x128xf32, #tpu.memory_space<vmem>>, vector<1x1000x128xf32>,
    %get3A_16 = arith.constant 1 : index
    %get3A_17 = arith.constant 0 : index
    %get3A_18 = arith.constant 0 : index
    %get3A_19 = vector.load %arg2[%get3A_16, %get3A_17, %get3A_18] : memref<2x256x128xf32, #tpu.memory_space<vmem>>, vector<1x256x128xf32>
    %get3A_20 = vector.shape_cast %get3A_19 : vector<1x256x128xf32> to vector<256x128xf32>
    %dot_general3A_21 = arith.constant dense<0.000000e+00> : vector<1000x128xf32>
    %dot_general3A_22 = tpu.matmul %get3A_4, %get3A_20, %dot_general3A_21 {dimension_numbers = #tpu.dot_dimension_numbers<[1], [0], [0], [1], [0, 0, 1, 1], [], []>, transpose_lhs_hint = false} : vector<1000x256xf32>, vector<256x128xf32>, vector<1000x128xf32> -> vector<1000x128xf32>
    %mul3A_23 = arith.mulf %get3A_1, %dot_general3A_22 : vector<1000x128xf32>
    %swap3A_24 = arith.constant 1 : index
    %swap3A_25 = arith.constant 0 : index
    %swap3A_26 = arith.constant 0 : index
    %swap3A_27 = vector.load %arg4[%swap3A_24, %swap3A_25, %swap3A_26] : memref<2x1000x128xf32, #tpu.memory_space<vmem>>, vector<1x1000x128xf32>
    %swap3A_28 = vector.shape_cast %swap3A_27 : vector<1x1000x128xf32> to vector<1000x128xf32>
    %swap3A_29 = vector.shape_cast %mul3A_23 : vector<1000x128xf32> to vector<1x1000x128xf32>
    tpu.vector_store %arg4[%swap3A_24, %swap3A_25, %swap3A_26], %swap3A_29 {strides = array<i32>} : memref<2x1000x128xf32, #tpu.memory_space<vmem>>, vector<1x1000x128xf32>,
    return
  }
  func.func @transform_0(%arg0: i32) -> (i32, i32) {
    %c0_i32 = arith.constant 0 : i32
    %c0_i32_0 = arith.constant 0 : i32
    return %arg0, %c0_i32 : i32, i32
  }
  func.func @transform_1(%arg0: i32) -> (i32, i32, i32) {
    %c0_i32 = arith.constant 0 : i32
    %c0_i32_0 = arith.constant 0 : i32
    %c0_i32_1 = arith.constant 0 : i32
    %c0_i32_2 = arith.constant 0 : i32
    return %c0_i32, %c0_i32_0, %c0_i32_1 : i32, i32, i32
  }
  func.func @transform_2(%arg0: i32) -> (i32, i32) {
    %c0_i32 = arith.constant 0 : i32
    %c0_i32_0 = arith.constant 0 : i32
    return %arg0, %c0_i32 : i32, i32
  }
  func.func @transform_3(%arg0: i32) -> (i32, i32, i32) {
    %c0_i32 = arith.constant 0 : i32
    %c0_i32_0 = arith.constant 0 : i32
    %c0_i32_1 = arith.constant 0 : i32
    return %c0_i32, %arg0, %c0_i32_0 : i32, i32, i32
  }
}

module attributes {stable_mosaic.version = 14 : i64} {
  func.func @_mid_tc(%arg0: i32, %arg1: memref<2x1000x128xf32, #tpu.memory_space<vmem>>, %arg2: memref<2x1000x128xf32, #tpu.memory_space<vmem>>, %arg3: memref<2x1x128xf32, #tpu.memory_space<vmem>>, %arg4: memref<2x128x256xf32, #tpu.memory_space<vmem>>, %arg5: memref<1000x128xf32, #tpu.memory_space<vmem>>, %arg6: memref<2x1000x128xf32, #tpu.memory_space<vmem>>) attributes {dimension_semantics = [#tpu.dimension_semantics<arbitrary>], iteration_bounds = array<i64: 5>, scalar_prefetch = 0 : i64, scratch_operands = 0 : i64, tpu.core_type = #tpu.core_type<tc>, window_params = [{transform_indices = @transform_0, window_bounds = array<i64: 2, 1000, 128>}, {transform_indices = @transform_1, window_bounds = array<i64: 2, 1000, 128>}, {pipeline_mode = #tpu.pipeline_mode<synchronous>, transform_indices = @transform_2, window_bounds = array<i64: 2, 1, 128>}, {pipeline_mode = #tpu.pipeline_mode<synchronous>, transform_indices = @transform_3, window_bounds = array<i64: 2, 128, 256>}, {transform_indices = @transform_4, window_bounds = array<i64: 1000, 128>}, {transform_indices = @transform_5, window_bounds = array<i64: 2, 1000, 128>}]} {
    %get3A = arith.constant 0 : index
    %get3A_0 = arith.constant 0 : index
    %get3A_1 = vector.load %arg5[%get3A, %get3A_0] : memref<1000x128xf32, #tpu.memory_space<vmem>>, vector<1000x128xf32>
    %get3A_2 = arith.constant 0 : index
    %get3A_3 = arith.constant 0 : index
    %get3A_4 = arith.constant 0 : index
    %get3A_5 = vector.load %arg1[%get3A_2, %get3A_3, %get3A_4] : memref<2x1000x128xf32, #tpu.memory_space<vmem>>, vector<1x1000x128xf32>
    %get3A_6 = vector.shape_cast %get3A_5 : vector<1x1000x128xf32> to vector<1000x128xf32>
    %get3A_7 = arith.constant 0 : index
    %get3A_8 = arith.constant 0 : index
    %get3A_9 = arith.constant 0 : index
    %get3A_10 = vector.load %arg2[%get3A_7, %get3A_8, %get3A_9] : memref<2x1000x128xf32, #tpu.memory_space<vmem>>, vector<1x1000x128xf32>
    %get3A_11 = vector.shape_cast %get3A_10 : vector<1x1000x128xf32> to vector<1000x128xf32>
    %add3A = arith.addf %get3A_6, %get3A_11 : vector<1000x128xf32>
    %mul3A = arith.mulf %get3A_1, %add3A : vector<1000x128xf32>
    %get3A_12 = arith.constant 0 : index
    %get3A_13 = arith.constant 0 : index
    %get3A_14 = arith.constant 0 : index
    %get3A_15 = vector.load %arg3[%get3A_12, %get3A_13, %get3A_14] : memref<2x1x128xf32, #tpu.memory_space<vmem>>, vector<1x1x128xf32>
    %get3A_16 = vector.shape_cast %get3A_15 : vector<1x1x128xf32> to vector<1x128xf32>
    %add3A_17 = vector.broadcast %get3A_16 : vector<1x128xf32> to vector<1000x128xf32>
    %add3A_18 = arith.addf %mul3A, %add3A_17 : vector<1000x128xf32>
    %max3A = arith.constant 0.000000e+00 : f32
    %max3A_19 = vector.broadcast %max3A : f32 to vector<1000x128xf32>
    %max3A_20 = arith.maximumf %add3A_18, %max3A_19 : vector<1000x128xf32>
    %get3A_21 = arith.constant 1 : index
    %get3A_22 = arith.constant 0 : index
    %get3A_23 = arith.constant 0 : index
    %get3A_24 = vector.load %arg1[%get3A_21, %get3A_22, %get3A_23] : memref<2x1000x128xf32, #tpu.memory_space<vmem>>, vector<1x1000x128xf32>
    %get3A_25 = vector.shape_cast %get3A_24 : vector<1x1000x128xf32> to vector<1000x128xf32>
    %get3A_26 = arith.constant 1 : index
    %get3A_27 = arith.constant 0 : index
    %get3A_28 = arith.constant 0 : index
    %get3A_29 = vector.load %arg2[%get3A_26, %get3A_27, %get3A_28] : memref<2x1000x128xf32, #tpu.memory_space<vmem>>, vector<1x1000x128xf32>
    %get3A_30 = vector.shape_cast %get3A_29 : vector<1x1000x128xf32> to vector<1000x128xf32>
    %add3A_31 = arith.addf %get3A_25, %get3A_30 : vector<1000x128xf32>
    %mul3A_32 = arith.mulf %get3A_1, %add3A_31 : vector<1000x128xf32>
    %get3A_33 = arith.constant 1 : index
    %get3A_34 = arith.constant 0 : index
    %get3A_35 = arith.constant 0 : index
    %get3A_36 = vector.load %arg3[%get3A_33, %get3A_34, %get3A_35] : memref<2x1x128xf32, #tpu.memory_space<vmem>>, vector<1x1x128xf32>
    %get3A_37 = vector.shape_cast %get3A_36 : vector<1x1x128xf32> to vector<1x128xf32>
    %add3A_38 = vector.broadcast %get3A_37 : vector<1x128xf32> to vector<1000x128xf32>
    %add3A_39 = arith.addf %mul3A_32, %add3A_38 : vector<1000x128xf32>
    %max3A_40 = arith.constant 0.000000e+00 : f32
    %max3A_41 = vector.broadcast %max3A_40 : f32 to vector<1000x128xf32>
    %max3A_42 = arith.maximumf %add3A_39, %max3A_41 : vector<1000x128xf32>
    %get3A_43 = arith.constant 0 : index
    %get3A_44 = arith.constant 0 : index
    %get3A_45 = arith.constant 0 : index
    %get3A_46 = vector.load %arg4[%get3A_43, %get3A_44, %get3A_45] : memref<2x128x256xf32, #tpu.memory_space<vmem>>, vector<1x128x256xf32>
    %get3A_47 = vector.shape_cast %get3A_46 : vector<1x128x256xf32> to vector<128x256xf32>
    %dot_general3A = arith.constant dense<0.000000e+00> : vector<1000x256xf32>
    %dot_general3A_48 = tpu.matmul %max3A_20, %get3A_47, %dot_general3A {dimension_numbers = #tpu.dot_dimension_numbers<[1], [0], [0], [1], [0, 0, 1, 1], [], []>, transpose_lhs_hint = false} : vector<1000x128xf32>, vector<128x256xf32>, vector<1000x256xf32> -> vector<1000x256xf32>
    %get3A_49 = arith.constant 1 : index
    %get3A_50 = arith.constant 0 : index
    %get3A_51 = arith.constant 0 : index
    %get3A_52 = vector.load %arg4[%get3A_49, %get3A_50, %get3A_51] : memref<2x128x256xf32, #tpu.memory_space<vmem>>, vector<1x128x256xf32>
    %get3A_53 = vector.shape_cast %get3A_52 : vector<1x128x256xf32> to vector<128x256xf32>
    %dot_general3A_54 = arith.constant dense<0.000000e+00> : vector<1000x256xf32>
    %dot_general3A_55 = tpu.matmul %max3A_42, %get3A_53, %dot_general3A_54 {dimension_numbers = #tpu.dot_dimension_numbers<[1], [0], [0], [1], [0, 0, 1, 1], [], []>, transpose_lhs_hint = false} : vector<1000x128xf32>, vector<128x256xf32>, vector<1000x256xf32> -> vector<1000x256xf32>
    %add3A_56 = arith.addf %dot_general3A_48, %dot_general3A_55 : vector<1000x256xf32>
    %slice3A = vector.extract_strided_slice %add3A_56 {offsets = [0, 0], sizes = [1000, 64], strides = [1, 1]} : vector<1000x256xf32> to vector<1000x64xf32>
    %slice3A_57 = vector.extract_strided_slice %add3A_56 {offsets = [0, 128], sizes = [1000, 64], strides = [1, 1]} : vector<1000x256xf32> to vector<1000x64xf32>
    %concatenate3A = tpu.concatenate %slice3A, %slice3A_57 in 1 : vector<1000x64xf32>, vector<1000x64xf32> -> vector<1000x128xf32>
    %mul3A_58 = arith.mulf %get3A_1, %concatenate3A : vector<1000x128xf32>
    %swap3A = arith.constant 0 : index
    %swap3A_59 = arith.constant 0 : index
    %swap3A_60 = arith.constant 0 : index
    %swap3A_61 = vector.load %arg6[%swap3A, %swap3A_59, %swap3A_60] : memref<2x1000x128xf32, #tpu.memory_space<vmem>>, vector<1x1000x128xf32>
    %swap3A_62 = vector.shape_cast %swap3A_61 : vector<1x1000x128xf32> to vector<1000x128xf32>
    %swap3A_63 = vector.shape_cast %mul3A_58 : vector<1000x128xf32> to vector<1x1000x128xf32>
    tpu.vector_store %arg6[%swap3A, %swap3A_59, %swap3A_60], %swap3A_63 {strides = array<i32>} : memref<2x1000x128xf32, #tpu.memory_space<vmem>>, vector<1x1000x128xf32>,
    %slice3A_64 = vector.extract_strided_slice %add3A_56 {offsets = [0, 64], sizes = [1000, 64], strides = [1, 1]} : vector<1000x256xf32> to vector<1000x64xf32>
    %slice3A_65 = vector.extract_strided_slice %add3A_56 {offsets = [0, 192], sizes = [1000, 64], strides = [1, 1]} : vector<1000x256xf32> to vector<1000x64xf32>
    %concatenate3A_66 = tpu.concatenate %slice3A_64, %slice3A_65 in 1 : vector<1000x64xf32>, vector<1000x64xf32> -> vector<1000x128xf32>
    %mul3A_67 = arith.mulf %get3A_1, %concatenate3A_66 : vector<1000x128xf32>
    %swap3A_68 = arith.constant 1 : index
    %swap3A_69 = arith.constant 0 : index
    %swap3A_70 = arith.constant 0 : index
    %swap3A_71 = vector.load %arg6[%swap3A_68, %swap3A_69, %swap3A_70] : memref<2x1000x128xf32, #tpu.memory_space<vmem>>, vector<1x1000x128xf32>
    %swap3A_72 = vector.shape_cast %swap3A_71 : vector<1x1000x128xf32> to vector<1000x128xf32>
    %swap3A_73 = vector.shape_cast %mul3A_67 : vector<1000x128xf32> to vector<1x1000x128xf32>
    tpu.vector_store %arg6[%swap3A_68, %swap3A_69, %swap3A_70], %swap3A_73 {strides = array<i32>} : memref<2x1000x128xf32, #tpu.memory_space<vmem>>, vector<1x1000x128xf32>,
    return
  }
  func.func @transform_0(%arg0: i32) -> (i32, i32, i32) {
    %c0_i32 = arith.constant 0 : i32
    %c0_i32_0 = arith.constant 0 : i32
    %c0_i32_1 = arith.constant 0 : i32
    return %c0_i32, %arg0, %c0_i32_0 : i32, i32, i32
  }
  func.func @transform_1(%arg0: i32) -> (i32, i32, i32) {
    %c0_i32 = arith.constant 0 : i32
    %c0_i32_0 = arith.constant 0 : i32
    %c0_i32_1 = arith.constant 0 : i32
    return %c0_i32, %arg0, %c0_i32_0 : i32, i32, i32
  }
  func.func @transform_2(%arg0: i32) -> (i32, i32, i32) {
    %c0_i32 = arith.constant 0 : i32
    %c0_i32_0 = arith.constant 0 : i32
    %c0_i32_1 = arith.constant 0 : i32
    %c0_i32_2 = arith.constant 0 : i32
    return %c0_i32, %c0_i32_0, %c0_i32_1 : i32, i32, i32
  }
  func.func @transform_3(%arg0: i32) -> (i32, i32, i32) {
    %c0_i32 = arith.constant 0 : i32
    %c0_i32_0 = arith.constant 0 : i32
    %c0_i32_1 = arith.constant 0 : i32
    %c0_i32_2 = arith.constant 0 : i32
    return %c0_i32, %c0_i32_0, %c0_i32_1 : i32, i32, i32
  }
  func.func @transform_4(%arg0: i32) -> (i32, i32) {
    %c0_i32 = arith.constant 0 : i32
    %c0_i32_0 = arith.constant 0 : i32
    return %arg0, %c0_i32 : i32, i32
  }
  func.func @transform_5(%arg0: i32) -> (i32, i32, i32) {
    %c0_i32 = arith.constant 0 : i32
    %c0_i32_0 = arith.constant 0 : i32
    %c0_i32_1 = arith.constant 0 : i32
    return %c0_i32, %arg0, %c0_i32_0 : i32, i32, i32
  }
}

module attributes {stable_mosaic.version = 14 : i64} {
  func.func @_out_tc(%arg0: i32, %arg1: memref<2x1000x128xf32, #tpu.memory_space<vmem>>, %arg2: memref<2x1000x128xf32, #tpu.memory_space<vmem>>, %arg3: memref<2x1x128xf32, #tpu.memory_space<vmem>>, %arg4: memref<1000x128xf32, #tpu.memory_space<vmem>>, %arg5: memref<1000x256xf32, #tpu.memory_space<vmem>>) attributes {dimension_semantics = [#tpu.dimension_semantics<arbitrary>], iteration_bounds = array<i64: 5>, scalar_prefetch = 0 : i64, scratch_operands = 0 : i64, tpu.core_type = #tpu.core_type<tc>, window_params = [{transform_indices = @transform_0, window_bounds = array<i64: 2, 1000, 128>}, {transform_indices = @transform_1, window_bounds = array<i64: 2, 1000, 128>}, {pipeline_mode = #tpu.pipeline_mode<synchronous>, transform_indices = @transform_2, window_bounds = array<i64: 2, 1, 128>}, {transform_indices = @transform_3, window_bounds = array<i64: 1000, 128>}, {transform_indices = @transform_4, window_bounds = array<i64: 1000, 256>}]} {
    %get3A = arith.constant 0 : index
    %get3A_0 = arith.constant 0 : index
    %get3A_1 = vector.load %arg4[%get3A, %get3A_0] : memref<1000x128xf32, #tpu.memory_space<vmem>>, vector<1000x128xf32>
    %get3A_2 = arith.constant 0 : index
    %get3A_3 = arith.constant 0 : index
    %get3A_4 = arith.constant 0 : index
    %get3A_5 = vector.load %arg1[%get3A_2, %get3A_3, %get3A_4] : memref<2x1000x128xf32, #tpu.memory_space<vmem>>, vector<1x1000x128xf32>
    %get3A_6 = vector.shape_cast %get3A_5 : vector<1x1000x128xf32> to vector<1000x128xf32>
    %get3A_7 = arith.constant 0 : index
    %get3A_8 = arith.constant 0 : index
    %get3A_9 = arith.constant 0 : index
    %get3A_10 = vector.load %arg2[%get3A_7, %get3A_8, %get3A_9] : memref<2x1000x128xf32, #tpu.memory_space<vmem>>, vector<1x1000x128xf32>
    %get3A_11 = vector.shape_cast %get3A_10 : vector<1x1000x128xf32> to vector<1000x128xf32>
    %add3A = arith.addf %get3A_6, %get3A_11 : vector<1000x128xf32>
    %mul3A = arith.mulf %get3A_1, %add3A : vector<1000x128xf32>
    %get3A_12 = arith.constant 0 : index
    %get3A_13 = arith.constant 0 : index
    %get3A_14 = arith.constant 0 : index
    %get3A_15 = vector.load %arg3[%get3A_12, %get3A_13, %get3A_14] : memref<2x1x128xf32, #tpu.memory_space<vmem>>, vector<1x1x128xf32>
    %get3A_16 = vector.shape_cast %get3A_15 : vector<1x1x128xf32> to vector<1x128xf32>
    %add3A_17 = vector.broadcast %get3A_16 : vector<1x128xf32> to vector<1000x128xf32>
    %add3A_18 = arith.addf %mul3A, %add3A_17 : vector<1000x128xf32>
    %max3A = arith.constant 0.000000e+00 : f32
    %max3A_19 = vector.broadcast %max3A : f32 to vector<1000x128xf32>
    %max3A_20 = arith.maximumf %add3A_18, %max3A_19 : vector<1000x128xf32>
    %get3A_21 = arith.constant 1 : index
    %get3A_22 = arith.constant 0 : index
    %get3A_23 = arith.constant 0 : index
    %get3A_24 = vector.load %arg1[%get3A_21, %get3A_22, %get3A_23] : memref<2x1000x128xf32, #tpu.memory_space<vmem>>, vector<1x1000x128xf32>
    %get3A_25 = vector.shape_cast %get3A_24 : vector<1x1000x128xf32> to vector<1000x128xf32>
    %get3A_26 = arith.constant 1 : index
    %get3A_27 = arith.constant 0 : index
    %get3A_28 = arith.constant 0 : index
    %get3A_29 = vector.load %arg2[%get3A_26, %get3A_27, %get3A_28] : memref<2x1000x128xf32, #tpu.memory_space<vmem>>, vector<1x1000x128xf32>
    %get3A_30 = vector.shape_cast %get3A_29 : vector<1x1000x128xf32> to vector<1000x128xf32>
    %add3A_31 = arith.addf %get3A_25, %get3A_30 : vector<1000x128xf32>
    %mul3A_32 = arith.mulf %get3A_1, %add3A_31 : vector<1000x128xf32>
    %get3A_33 = arith.constant 1 : index
    %get3A_34 = arith.constant 0 : index
    %get3A_35 = arith.constant 0 : index
    %get3A_36 = vector.load %arg3[%get3A_33, %get3A_34, %get3A_35] : memref<2x1x128xf32, #tpu.memory_space<vmem>>, vector<1x1x128xf32>
    %get3A_37 = vector.shape_cast %get3A_36 : vector<1x1x128xf32> to vector<1x128xf32>
    %add3A_38 = vector.broadcast %get3A_37 : vector<1x128xf32> to vector<1000x128xf32>
    %add3A_39 = arith.addf %mul3A_32, %add3A_38 : vector<1000x128xf32>
    %max3A_40 = arith.constant 0.000000e+00 : f32
    %max3A_41 = vector.broadcast %max3A_40 : f32 to vector<1000x128xf32>
    %max3A_42 = arith.maximumf %add3A_39, %max3A_41 : vector<1000x128xf32>
    %slice3A = vector.extract_strided_slice %max3A_20 {offsets = [0, 0], sizes = [1000, 64], strides = [1, 1]} : vector<1000x128xf32> to vector<1000x64xf32>
    %slice3A_43 = vector.extract_strided_slice %max3A_42 {offsets = [0, 0], sizes = [1000, 64], strides = [1, 1]} : vector<1000x128xf32> to vector<1000x64xf32>
    %slice3A_44 = vector.extract_strided_slice %max3A_20 {offsets = [0, 64], sizes = [1000, 64], strides = [1, 1]} : vector<1000x128xf32> to vector<1000x64xf32>
    %slice3A_45 = vector.extract_strided_slice %max3A_42 {offsets = [0, 64], sizes = [1000, 64], strides = [1, 1]} : vector<1000x128xf32> to vector<1000x64xf32>
    %concatenate3A = tpu.concatenate %slice3A, %slice3A_43, %slice3A_44, %slice3A_45 in 1 : vector<1000x64xf32>, vector<1000x64xf32>, vector<1000x64xf32>, vector<1000x64xf32> -> vector<1000x256xf32>
    %swap3A = arith.constant 0 : index
    %swap3A_46 = arith.constant 0 : index
    %swap3A_47 = vector.load %arg5[%swap3A, %swap3A_46] : memref<1000x256xf32, #tpu.memory_space<vmem>>, vector<1000x256xf32>
    tpu.vector_store %arg5[%swap3A, %swap3A_46], %concatenate3A {strides = array<i32>} : memref<1000x256xf32, #tpu.memory_space<vmem>>, vector<1000x256xf32>,
    return
  }
  func.func @transform_0(%arg0: i32) -> (i32, i32, i32) {
    %c0_i32 = arith.constant 0 : i32
    %c0_i32_0 = arith.constant 0 : i32
    %c0_i32_1 = arith.constant 0 : i32
    return %c0_i32, %arg0, %c0_i32_0 : i32, i32, i32
  }
  func.func @transform_1(%arg0: i32) -> (i32, i32, i32) {
    %c0_i32 = arith.constant 0 : i32
    %c0_i32_0 = arith.constant 0 : i32
    %c0_i32_1 = arith.constant 0 : i32
    return %c0_i32, %arg0, %c0_i32_0 : i32, i32, i32
  }
  func.func @transform_2(%arg0: i32) -> (i32, i32, i32) {
    %c0_i32 = arith.constant 0 : i32
    %c0_i32_0 = arith.constant 0 : i32
    %c0_i32_1 = arith.constant 0 : i32
    %c0_i32_2 = arith.constant 0 : i32
    return %c0_i32, %c0_i32_0, %c0_i32_1 : i32, i32, i32
  }
  func.func @transform_3(%arg0: i32) -> (i32, i32) {
    %c0_i32 = arith.constant 0 : i32
    %c0_i32_0 = arith.constant 0 : i32
    return %arg0, %c0_i32 : i32, i32
  }
  func.func @transform_4(%arg0: i32) -> (i32, i32) {
    %c0_i32 = arith.constant 0 : i32
    %c0_i32_0 = arith.constant 0 : i32
    return %arg0, %c0_i32 : i32, i32
  }
}

</mosaic_0001>

<sc_bundles>
// kernel: kernel.11.cloned.1.call-start
scs
__scs_entry_jumppad:
0x0: {  	(pc) =	sbr.rel $0x88, $3  }
0x1: {  	(tag) =	ssettag $0x0;
	lr =	simm.s32 $0x1  }
0x2: {  	[smem:$0x3F9B] =	sst lr;
	_ =	strace $0xD0000000  }
0x3: {  	_ = 	snop  }
0x4: {  	_ = 	snop  }
0x5: {  	_ = 	snop  }
0x6: {  	_ = 	snop  }
0x7: {  	_ = 	snop  }
__scs_overlays_trampoline_lowered:
0x8: {  	[smem:$0x3FAA] =	sst s0  }
0x9: {  	[smem:$0x3FAB] =	sst s1  }
0xa: {  	[smem:$0x3FAC] =	sst s2  }
0xb: {  	[smem:$0x3FAD] =	sst s3  }
0xc: {  	[smem:$0x3FAE] =	sst s4  }
0xd: {  	[smem:$0x3FAF] =	sst s5  }
0xe: {  	[smem:$0x3FB0] =	sst s6  }
0xf: {  	[smem:$0x3FB1] =	sst s7  }
0x10: {  	[smem:$0x3FB2] =	sst s8  }
0x11: {  	[smem:$0x3FB3] =	sst s9;
	s0 =	simm.s32 @!p0 $0x0  }
0x12: {  	s1 =	sld [smem:$0x3F99];
	s0 =	simm.s32 @p0 $0x1  }
0x13: {  	[smem:$0x3FB4] =	sst s0;
	s0 =	simm.s32 @!p1 $0x0  }
0x14: {  	s2 =	sld [smem:$0x3F98];
	s0 =	simm.s32 @p1 $0x1  }
0x15: {  	[smem:$0x3FB5] =	sst s0;
	s0 =	simm.s32 @!p2 $0x0  }
0x16: {  	s3 =	sld [smem:$0x3FDB];
	s0 =	simm.s32 @p2 $0x1  }
0x17: {  	s4 =	simm.s32 $0x1BF5;
	[smem:$0x3FB7] =	sst s0  }
0x18: {  	s0 =	sld [smem:$0x3F9A];
	_ =	swait.ge [sflag:s4], $0x0  }
0x19: {  	s7 =	sld [smem:$0x3F9B]  }
0x1a: {  	s8 =	sadd.s32 $0xFFFFE003, lr  }
0x1b: {  	s9 =	sadd.s32 $0xFFFFFEF7, lr;
	s5 =	simm.s32 $0xFFFFFFFF;
	p2 =	slt.u32 s8, $0xFFFFF086  }
0x1c: {  	p1 =	slt.u32 s9, $0xF7A;
	s5 =	simm.s32 @!p2 $0x0  }
0x1d: {  	s5 =	simm.s32 @p1 $0x1;
	p0 =	seq.s32 s7, s2  }
0x1e: {  	s7 =	smul.u32 @!p0 $0xF7A, s2;
	p2 =	seq.s32 @!p0 s5, $0x0  }
0x1f: {  	s9 =	smul.u32 $0xF7A, s1;
	s8 =	simm.s32 @!p0 $0x1BF5;
	p2 =	por !p2, p0  }
0x20: {  	[sflag:s8] =	ssyncset.s32 @!p0 $0xFFFFF086;
	s6 =	sadd.s32 @!p0 s3, s7;
	s7 =	simm.s32 @!p0 $0x108  }
0x21: {  	s3 =	sadd.s32 s3, s9;
	s6 =	sadd.s32 @!p0 $0x88, s6;
	s7 =	simm.s32 @p2 $0x1082  }
0x22: {  	[simem:s7], [sflag:s8] =	dma.local @!p0 [hbm:s6], $0xF7A  }
0x23: {  	s9 =	sor.u32 $0xD0000000, s2;
	s6 =	simm.s32 $0x108;
	_ =	swait.ge @!p0 [sflag:s8], $0x0  }
0x24: {  	s3 =	sadd.s32 $0x88, s3;
	s6 =	simm.s32 @!p1 $0x1082;
	[sflag:s4] =	ssyncset.s32 $0xFFFFF086  }
0x25: {  	[simem:s6], [sflag:s4] =	dma.local [hbm:s3], $0xF7A  }
0x26: {  	[smem:$0x3F9B] =	sst s1;
	(tag) =	ssettag s2;
	_ =	strace s9  }
0x27: {  	s1 =	sld [smem:$0x3FAB]  }
0x28: {  	s2 =	sld [smem:$0x3FAC]  }
0x29: {  	s4 =	sld [smem:$0x3FAE]  }
0x2a: {  	p0 =	seq.s32 s5, $0x0;
	s5 =	sld [smem:$0x3FAF]  }
0x2b: {  	s6 =	sld [smem:$0x3FB0]  }
0x2c: {  	s7 =	sld [smem:$0x3FB1]  }
0x2d: {  	s3 =	simm.s32 $0x108;
	s8 =	sld [smem:$0x3FB2]  }
0x2e: {  	s3 =	simm.s32 @!p0 $0x1082;
	s9 =	sld [smem:$0x3FB3]  }
0x2f: {  	lr =	sadd.s32 s0, s3;
	s0 =	sld [smem:$0x3FAA]  }
0x30: {  	s3 =	sld [smem:$0x3FAD]  }
0x31: {  	[smem:$0x3FB6] =	sst s10  }
0x32: {  	s10 =	sld [smem:$0x3FB4];
	_ =	sdelay $0x3  }
0x33: {  	p0 =	seq.s32 s10, $0x1;
	s10 =	sld [smem:$0x3FB6];
	_ =	sdelay $0x3  }
0x34: {  	[smem:$0x3FB6] =	sst s10  }
0x35: {  	s10 =	sld [smem:$0x3FB5];
	_ =	sdelay $0x3  }
0x36: {  	p1 =	seq.s32 s10, $0x1;
	s10 =	sld [smem:$0x3FB6];
	_ =	sdelay $0x3  }
0x37: {  	[smem:$0x3FB6] =	sst s10  }
0x38: {  	s10 =	sld [smem:$0x3FB7]  }
0x39: {  	_ = 	snop;
	(pc) =	sbr.ind lr, $3  }
0x3a: {  	_ = 	snop  }
0x3b: {  	_ = 	snop  }
0x3c: {  	p2 =	seq.s32 s10, $0x1;
	s10 =	sld [smem:$0x3FB6]  }
0x3d: {  	_ =	shalt  }
0x3e: {  	_ =	shalt  }
0x3f: {  	_ =	shalt  }
0x40: {  	_ =	shalt  }
0x41: {  	_ =	shalt  }
0x42: {  	_ =	shalt  }
0x43: {  	_ =	shalt  }
0x44: {  	_ =	shalt  }
0x45: {  	_ =	shalt  }
0x46: {  	_ =	shalt  }
0x47: {  	_ =	shalt  }
0x48: {  	_ =	shalt  }
0x49: {  	_ =	shalt  }
0x4a: {  	_ =	shalt  }
0x4b: {  	_ =	shalt  }
0x4c: {  	_ =	shalt  }
0x4d: {  	_ =	shalt  }
0x4e: {  	_ =	shalt  }
0x4f: {  	_ =	shalt  }
0x50: {  	_ =	shalt  }
0x51: {  	_ =	shalt  }
0x52: {  	_ =	shalt  }
0x53: {  	_ =	shalt  }
0x54: {  	_ =	shalt  }
0x55: {  	_ =	shalt  }
0x56: {  	_ =	shalt  }
0x57: {  	_ =	shalt  }
0x58: {  	_ =	shalt  }
0x59: {  	_ =	shalt  }
0x5a: {  	_ =	shalt  }
0x5b: {  	_ =	shalt  }
0x5c: {  	_ =	shalt  }
0x5d: {  	_ =	shalt  }
0x5e: {  	_ =	shalt  }
0x5f: {  	_ =	shalt  }
0x60: {  	_ =	shalt  }
0x61: {  	_ =	shalt  }
0x62: {  	_ =	shalt  }
0x63: {  	_ =	shalt  }
0x64: {  	_ =	shalt  }
0x65: {  	_ =	shalt  }
0x66: {  	_ =	shalt  }
0x67: {  	_ =	shalt  }
0x68: {  	_ =	shalt  }
0x69: {  	_ =	shalt  }
0x6a: {  	_ =	shalt  }
0x6b: {  	_ =	shalt  }
0x6c: {  	_ =	shalt  }
0x6d: {  	_ =	shalt  }
0x6e: {  	_ =	shalt  }
0x6f: {  	_ =	shalt  }
0x70: {  	_ =	shalt  }
0x71: {  	_ =	shalt  }
0x72: {  	_ =	shalt  }
0x73: {  	_ =	shalt  }
0x74: {  	_ =	shalt  }
0x75: {  	_ =	shalt  }
0x76: {  	_ =	shalt  }
0x77: {  	_ =	shalt  }
0x78: {  	_ =	shalt  }
0x79: {  	_ =	shalt  }
0x7a: {  	_ =	shalt  }
0x7b: {  	_ =	shalt  }
0x7c: {  	_ =	shalt  }
0x7d: {  	_ =	shalt  }
0x7e: {  	_ =	shalt  }
0x7f: {  	_ =	shalt  }
0x80: {  	_ =	shalt  }
0x81: {  	_ =	shalt  }
0x82: {  	_ =	shalt  }
0x83: {  	_ =	shalt  }
0x84: {  	_ =	shalt  }
0x85: {  	_ =	shalt  }
0x86: {  	_ =	shalt  }
0x87: {  	_ =	shalt  }
.Lfunc_end0:
.L_simem_size_0:
called_computation.1_lowered:
.L_overlay_start_0:
0x88: {  	s2 =	sld [smem:$0x3FD9]  }
0x89: {  	s3 =	sld [smem:$0x3FFE];
	_ =	sdelay $0x1  }
0x8a: {  	s1 =	srdreg.scid  }
0x8b: {  	s0 =	sand.u32 $0x1, s1  }
0x8c: {  	s17 =	sshll.u32 s0, $0xA;
	s2 =	sadd.s32 s3, s2  }
0x8d: {  	s2 =	sadd.s32 s2, s17  }
0x8e: {  	[smem:$0x3FC2] =	sst s2  }
0x8f: {  	_ = 	snop  }
0x90: {  	s2 =	sld [smem:$0x3FD0];
	(tm) =	ssettm $0x1  }
0x91: {  	s18 =	sld [smem:$0x3FFB];
	_ =	sdelay $0x3  }
0x92: {  	_ =	strace s18  }
0x93: {  	s3 =	sld [smem:$0x3FFC];
	_ =	sdelay $0x3  }
0x94: {  	_ =	strace s3  }
0x95: {  	s3 =	sld [smem:$0x3FFD];
	_ =	sdelay $0x3  }
0x96: {  	_ =	strace s3  }
0x97: {  	_ =	strace $0x8FFFFFFF  }
0x98: {  	s19 =	sld [smem:$0x3FDB];
	_ =	sdelay $0x1  }
0x99: {  	s4 =	simm.s32 $_scs_section_size  }
0x9a: {  	s5 =	simm.s32 $_size__tile_overlayer_lowered;
	s6 =	simm.s32 $_tile_overlayer_lowered  }
0x9b: {  	s22 =	simm.s32 $0x1BFF;
	s21 =	sshll.u32 s6, $0x1;
	s3 =	sadd.s32 s4, s19  }
0x9c: {  	s7 =	simm.s32 $0x0;
	s20 =	sshll.u32 s5, $0x1;
	s5 =	sadd.s32 s21, s3  }
0x9d: {  	[timem:s7], [sflag:s22] =	dma.local [hbm:s5], s20  }
0x9e: {  	_ =	swait.ge [sflag:s22], s20  }
0x9f: {  	s4 =	ssub.s32 $0x0, s20;
	[sflag:s22] =	ssyncset.done $0x0  }
0xa0: {  	[sflag:s22] =	ssyncadd.s32 s4;
	_ =	sdelay $0x1  }
0xa1: {  	s23 =	simm.s32 $0x1B8B  }
0xa2: {  	_ =	swait.ge [sflag:s23], $0x1  }
0xa3: {  	[sflag:s23] =	ssyncset.done $0x0  }
0xa4: {  	s25 =	simm.s32 $0x1B8E;
	s24 =	sld [smem:$0x3FFE];
	[sflag:s23] =	ssyncadd.s32 $0xFFFFFFFF  }
0xa5: {  	s26 =	simm.s32 $execute0_lowered;
	[smem:$0x3FD2] =	sst s25  }
0xa6: {  	s5 =	sshll.u32 s26, $0x1;
	_ =	strace $0x80000049;
	[dreg:$0x1] =	wrdreg $0xFFFFFFFF  }
0xa7: {  	s28 =	simm.s32 $_size_execute0_lowered;
	s3 =	sadd.s32 s3, s5;
	[dreg:$0x0] =	wrdreg $0x0  }
0xa8: {  	s5 =	sshll.u32 s28, $0x1;
	[dreg:$0x2] =	wrdreg s3  }
0xa9: {  	[dreg:$0x3] =	wrdreg s5  }
0xaa: {  	[dreg:$0x4] =	wrdreg $0xC0  }
0xab: {  	_ =	task [dreg:s7], $0x5FFFF  }
0xac: {  	[dreg:$0x1] =	wrdreg $0xFFFFFFFF  }
0xad: {  	[dreg:$0x0] =	wrdreg $0x60  }
0xae: {  	[dreg:$0x2] =	wrdreg s24  }
0xaf: {  	[dreg:$0x3] =	wrdreg s2  }
0xb0: {  	[dreg:$0x4] =	wrdreg $0x100400  }
0xb1: {  	[dreg:$0x5] =	wrdreg $0x9  }
0xb2: {  	_ =	task.clear_ibuf [dreg:s7], $0x6FFFF;
	_ =	strace $0x90000049  }
0xb3: {  	s29 =	simm.s32 $0x9;
	_ =	strace $0x8000004B  }
0xb4: {  	_ =	swait.ge [sflag:s29], $0x1  }
0xb5: {  	[sflag:s29] =	ssyncadd.s32 $0xFFFFFFFF  }
0xb6: {  	_ =	strace $0x9000004B  }
0xb7: {  	_ =	sfence  }
0xb8: {  	s30 =	sld [smem:$0x0];
	_ =	sdelay $0x2  }
0xb9: {  	s31 =	sshll.u32 s1, $0xD;
	s1 =	sshrl.u32 s1, $0x2  }
0xba: {  	s3 =	sand.u32 $0x4000, s31;
	s1 =	sadd.s32 s1, s30  }
0xbb: {  	s0 =	sor.u32 s3, s0;
	s1 =	sshll.u32 s1, $0x11  }
0xbc: {  	s0 =	sor.u32 s1, s0  }
0xbd: {  	s0 =	sadd.s32 $0x8F2B, s0  }
0xbe: {  	[sflag:s0] =	ssyncadd.remote.s32 $0x1  }
0xbf: {  	_ =	sfence.sel $0xFFFF  }
0xc0: {  	[dreg:$0x0] =	wrdreg $0xFFFFFFFF;
	(pc) =	sbr.abs _section_cstart, $3  }
0xc1: {  	[dreg:$0x1] =	wrdreg $0xFFFFFFFF  }
0xc2: {  	_ =	task.clear_ibuf [dreg:s7], $0x2FFFF;
	_ =	strace $0x9FFFFFFF  }
0xc3: {  	(tm) =	ssettm $0x7FFFFFFF  }
tec
execute0_lowered:
.L_overlay_start_1:
0x0: {  	(tag) =	ssettag $0x1  }
0x1: {  	s0 =	rddreg [dreg:$0x0]  }
0x2: {  	s1 =	rddreg [dreg:$0x1];
	s11 =	stileid.u32  }
0x3: {  	s3 =	srdreg.scid;
	s2 =	rddreg [dreg:$0x2];
	s12 =	simm.s32 $0xB  }
0x4: {  	s13 =	simm.s32 $0x4E20;
	s14 =	simm.s32 $0x50;
	s15 =	simm.s32 $0x9C40  }
0x5: {  	s16 =	simm.s32 $0xB040;
	s18 =	simm.s32 $0xC440;
	s20 =	simm.s32 $0xD840  }
0x6: {  	s21 =	simm.s32 $0x1;
	s29 =	simm.s32 $0x3;
	s31 =	simm.s32 $0x7  }
0x7: {  	s19 =	simm.s32 $0x8;
	s30 =	simm.s32 $0x9;
	s4 =	smul.u32 $0x4E20, s11  }
0x8: {  	s28 =	simm.s32 $0x0;
	s5 =	sand.u32 $0x1, s3;
	s6 =	smul.u32 $0x9C40, s11  }
0x9: {  	s3 =	simm.s32 $0x0;
	s22 =	sadd.s32 $0x17000, s0;
	s24 =	sshll.u32 s11, $0x6  }
0xa: {  	s7 =	smul.u32 $0x9C400, s5;
	[smem:$0x7FF] =	sst s3;
	s9 =	ssub.s32 $0x2, s5  }
0xb: {  	s25 =	smul.u32 $0x13880, s5;
	s5 =	sor.u32 $0x1C0B, s24;
	s24 =	simm.s32 $0x2  }
0xc: {  	_ =	strace $0x8000004A;
	s4 =	sshrl.u32 s4, $0x3;
	[dreg:$0x4] =	wrdreg s22  }
0xd: {  	s23 =	sshrl.u32 s9, $0x1;
	s26 =	sadd.s32 s6, s2;
	s7 =	sadd.s32 s6, s7  }
0xe: {  	s8 =	sadd.s32 s4, s0;
	s10 =	ssub.s32 s9, s23;
	s11 =	sshrl.u32 s26, $0x3  }
0xf: {  	s23 =	simm.s32 $0xEC40;
	s26 =	simm.s32 $0x6;
	s7 =	sshrl.u32 s7, $0x3  }
0x10: {  	s6 =	sadd.s32 $0x3600, s8;
	s10 =	smax.u32 s10, $0x1;
	s0 =	sadd.s32 s7, s0  }
0x11: {  	s7 =	sadd.s32 $0xD240, s8;
	s8 =	sadd.s32 s1, s25;
	s25 =	simm.s32 $0x5  }
0x12: {  	s1 =	simm.s32 $0xA;
	s9 =	sadd.s32 $0x18400, s0;
	s0 =	simm.s32 $0x4  }
.LBB2_1:
0x13: {  	s4 =	rddreg [dreg:$0x4]  }
0x14: {  	[spmem:s11], [sflag:s5] =	dma.local [hbm:s4], $0x1388  }
0x15: {  	_ =	swait.ge [sflag:s12], $0x1388  }
0x16: {  	[sflag:s12] =	ssyncset.done $0x0  }
0x17: {  	[sflag:s12] =	ssyncadd.s32 $0xFFFFEC78  }
0x18: {  	[tilespmem:s3], [sflag:$0xB] =	stream.linear.gather [hbm4b:s6+s3], $0x4E20, $0x38;
	[tilespmem:$0x19C80] =	vst v63  }
0x19: {  	_ =	swait.ge [sflag:s12], $0x4E20  }
0x1a: {  	[sflag:s12] =	ssyncset.done $0x0  }
0x1b: {  	[sflag:s12] =	ssyncadd.s32 $0xFFFFB1E0  }
0x1c: {  	[tilespmem:s13], [sflag:$0xB] =	stream.linear.gather [hbm4b:s7+s3], $0x4E20, $0x38;
	[tilespmem:$0x19C80] =	vst v63  }
0x1d: {  	_ =	swait.ge [sflag:s12], $0x4E20  }
0x1e: {  	[sflag:s12] =	ssyncset.done $0x0  }
0x1f: {  	[sflag:s12] =	ssyncadd.s32 $0xFFFFB1E0  }
0x20: {  	[bflag:$0x0] =	sbarrier.arrive $0xFFFF  }
0x21: {  	[tilespmem:s15], [sflag:$0x1] =	stream.indirect.gather [hbm4b:s8+s14], $0x40, s3, s14, $0xb8;
	[tilespmem:$0x19C80] =	vst v63  }
0x22: {  	_ = 	snop  }
0x23: {  	[tilespmem:s16], [sflag:$0x2] =	stream.indirect.gather [hbm4b:s8+s14], $0x40, s14, s14, $0xb8;
	[tilespmem:$0x19C80] =	vst v63  }
0x24: {  	s17 =	simm.s32 $0xA0  }
0x25: {  	[tilespmem:s18], [sflag:$0x3] =	stream.indirect.gather [hbm4b:s8+s14], $0x40, s17, s14, $0xb8;
	[tilespmem:$0x19C80] =	vst v63  }
0x26: {  	s22 =	simm.s32 $0xF0  }
0x27: {  	[tilespmem:s20], [sflag:$0x4] =	stream.indirect.gather [hbm4b:s8+s14], $0x40, s22, s14, $0xb8;
	[tilespmem:$0x19C80] =	vst v63  }
0x28: {  	_ =	swait.ge [sflag:s21], $0x1400  }
0x29: {  	[sflag:s21] =	ssyncset.done $0x0  }
0x2a: {  	[sflag:s21] =	ssyncadd.s32 $0xFFFFEC00  }
0x2b: {  	[spmem:s2] =	stream.indirect.scatter.add.f32 [tilespmem:s15], [sflag:$0x6], $0x40, s13, s14, $0xb8;
	[tilespmem:$0x19C80] =	vst v63  }
0x2c: {  	s17 =	simm.s32 $0x140  }
0x2d: {  	[tilespmem:s23], [sflag:$0x5] =	stream.indirect.gather [hbm4b:s8+s14], $0x40, s17, s14, $0xb8;
	[tilespmem:$0x19C80] =	vst v63  }
0x2e: {  	_ =	swait.ge [sflag:s24], $0x1400  }
0x2f: {  	[sflag:s24] =	ssyncset.done $0x0  }
0x30: {  	s22 =	simm.s32 $0x4E70;
	[sflag:s24] =	ssyncadd.s32 $0xFFFFEC00  }
0x31: {  	[spmem:s2] =	stream.indirect.scatter.add.f32 [tilespmem:s16], [sflag:$0x7], $0x40, s22, s14, $0xb8;
	[tilespmem:$0x19C80] =	vst v63  }
0x32: {  	_ =	swait.ge [sflag:s26], $0x1400  }
0x33: {  	[sflag:s26] =	ssyncset.done $0x0  }
0x34: {  	s17 =	simm.s32 $0x190;
	[sflag:s26] =	ssyncadd.s32 $0xFFFFEC00  }
0x35: {  	[tilespmem:s15], [sflag:$0x1] =	stream.indirect.gather [hbm4b:s8+s14], $0x40, s17, s14, $0xb8;
	[tilespmem:$0x19C80] =	vst v63  }
0x36: {  	_ =	swait.ge [sflag:s29], $0x1400  }
0x37: {  	[sflag:s29] =	ssyncset.done $0x0  }
0x38: {  	s22 =	simm.s32 $0x4EC0;
	[sflag:s29] =	ssyncadd.s32 $0xFFFFEC00  }
0x39: {  	[spmem:s2] =	stream.indirect.scatter.add.f32 [tilespmem:s18], [sflag:$0x8], $0x40, s22, s14, $0xb8;
	[tilespmem:$0x19C80] =	vst v63  }
0x3a: {  	_ =	swait.ge [sflag:s31], $0x1400  }
0x3b: {  	[sflag:s31] =	ssyncset.done $0x0  }
0x3c: {  	s17 =	simm.s32 $0x1E0;
	[sflag:s31] =	ssyncadd.s32 $0xFFFFEC00  }
0x3d: {  	[tilespmem:s16], [sflag:$0x2] =	stream.indirect.gather [hbm4b:s8+s14], $0x40, s17, s14, $0xb8;
	[tilespmem:$0x19C80] =	vst v63  }
0x3e: {  	_ =	swait.ge [sflag:s0], $0x1400  }
0x3f: {  	[sflag:s0] =	ssyncset.done $0x0  }
0x40: {  	s22 =	simm.s32 $0x4F10;
	[sflag:s0] =	ssyncadd.s32 $0xFFFFEC00  }
0x41: {  	[spmem:s2] =	stream.indirect.scatter.add.f32 [tilespmem:s20], [sflag:$0x9], $0x40, s22, s14, $0xb8;
	[tilespmem:$0x19C80] =	vst v63  }
0x42: {  	_ =	swait.ge [sflag:s19], $0x1400  }
0x43: {  	[sflag:s19] =	ssyncset.done $0x0  }
0x44: {  	s17 =	simm.s32 $0x230;
	[sflag:s19] =	ssyncadd.s32 $0xFFFFEC00  }
0x45: {  	[tilespmem:s18], [sflag:$0x3] =	stream.indirect.gather [hbm4b:s8+s14], $0x40, s17, s14, $0xb8;
	[tilespmem:$0x19C80] =	vst v63  }
0x46: {  	_ =	swait.ge [sflag:s25], $0x1400  }
0x47: {  	[sflag:s25] =	ssyncset.done $0x0  }
0x48: {  	s22 =	simm.s32 $0x4F60;
	[sflag:s25] =	ssyncadd.s32 $0xFFFFEC00  }
0x49: {  	[spmem:s2] =	stream.indirect.scatter.add.f32 [tilespmem:s23], [sflag:$0xA], $0x40, s22, s14, $0xb8;
	[tilespmem:$0x19C80] =	vst v63  }
0x4a: {  	_ =	swait.ge [sflag:s30], $0x1400  }
0x4b: {  	[sflag:s30] =	ssyncset.done $0x0  }
0x4c: {  	s17 =	simm.s32 $0x280;
	[sflag:s30] =	ssyncadd.s32 $0xFFFFEC00  }
0x4d: {  	[tilespmem:s20], [sflag:$0x4] =	stream.indirect.gather [hbm4b:s8+s14], $0x40, s17, s14, $0xb8;
	[tilespmem:$0x19C80] =	vst v63  }
0x4e: {  	_ =	swait.ge [sflag:s21], $0x1400  }
0x4f: {  	[sflag:s21] =	ssyncset.done $0x0  }
0x50: {  	s4 =	simm.s32 $0x4FB0;
	[sflag:s21] =	ssyncadd.s32 $0xFFFFEC00  }
0x51: {  	[spmem:s2] =	stream.indirect.scatter.add.f32 [tilespmem:s15], [sflag:$0x6], $0x40, s4, s14, $0xb8;
	[tilespmem:$0x19C80] =	vst v63  }
0x52: {  	_ =	swait.ge [sflag:s1], $0x1400  }
0x53: {  	[sflag:s1] =	ssyncset.done $0x0  }
0x54: {  	s22 =	simm.s32 $0x2D0;
	[sflag:s1] =	ssyncadd.s32 $0xFFFFEC00  }
0x55: {  	[tilespmem:s23], [sflag:$0x5] =	stream.indirect.gather [hbm4b:s8+s14], $0x40, s22, s14, $0xb8;
	[tilespmem:$0x19C80] =	vst v63  }
0x56: {  	_ =	swait.ge [sflag:s24], $0x1400  }
0x57: {  	[sflag:s24] =	ssyncset.done $0x0  }
0x58: {  	s4 =	simm.s32 $0x5000;
	[sflag:s24] =	ssyncadd.s32 $0xFFFFEC00  }
0x59: {  	[spmem:s2] =	stream.indirect.scatter.add.f32 [tilespmem:s16], [sflag:$0x7], $0x40, s4, s14, $0xb8;
	[tilespmem:$0x19C80] =	vst v63  }
0x5a: {  	_ =	swait.ge [sflag:s26], $0x1400  }
0x5b: {  	[sflag:s26] =	ssyncset.done $0x0  }
0x5c: {  	s22 =	simm.s32 $0x320;
	[sflag:s26] =	ssyncadd.s32 $0xFFFFEC00  }
0x5d: {  	[tilespmem:s15], [sflag:$0x1] =	stream.indirect.gather [hbm4b:s8+s14], $0x40, s22, s14, $0xb8;
	[tilespmem:$0x19C80] =	vst v63  }
0x5e: {  	_ =	swait.ge [sflag:s29], $0x1400  }
0x5f: {  	[sflag:s29] =	ssyncset.done $0x0  }
0x60: {  	s4 =	simm.s32 $0x5050;
	[sflag:s29] =	ssyncadd.s32 $0xFFFFEC00  }
0x61: {  	[spmem:s2] =	stream.indirect.scatter.add.f32 [tilespmem:s18], [sflag:$0x8], $0x40, s4, s14, $0xb8;
	[tilespmem:$0x19C80] =	vst v63  }
0x62: {  	_ =	swait.ge [sflag:s31], $0x1400  }
0x63: {  	[sflag:s31] =	ssyncset.done $0x0  }
0x64: {  	s22 =	simm.s32 $0x370;
	[sflag:s31] =	ssyncadd.s32 $0xFFFFEC00  }
0x65: {  	[tilespmem:s16], [sflag:$0x2] =	stream.indirect.gather [hbm4b:s8+s14], $0x40, s22, s14, $0xb8;
	[tilespmem:$0x19C80] =	vst v63  }
0x66: {  	_ =	swait.ge [sflag:s0], $0x1400  }
0x67: {  	[sflag:s0] =	ssyncset.done $0x0  }
0x68: {  	s4 =	simm.s32 $0x50A0;
	[sflag:s0] =	ssyncadd.s32 $0xFFFFEC00  }
0x69: {  	[spmem:s2] =	stream.indirect.scatter.add.f32 [tilespmem:s20], [sflag:$0x9], $0x40, s4, s14, $0xb8;
	[tilespmem:$0x19C80] =	vst v63  }
0x6a: {  	_ =	swait.ge [sflag:s19], $0x1400  }
0x6b: {  	[sflag:s19] =	ssyncset.done $0x0  }
0x6c: {  	s22 =	simm.s32 $0x3C0;
	[sflag:s19] =	ssyncadd.s32 $0xFFFFEC00  }
0x6d: {  	[tilespmem:s18], [sflag:$0x3] =	stream.indirect.gather [hbm4b:s8+s14], $0x40, s22, s14, $0xb8;
	[tilespmem:$0x19C80] =	vst v63  }
0x6e: {  	_ =	swait.ge [sflag:s25], $0x1400  }
0x6f: {  	[sflag:s25] =	ssyncset.done $0x0  }
0x70: {  	s17 =	simm.s32 $0x640;
	s22 =	simm.s32 $0x50F0;
	[sflag:s25] =	ssyncadd.s32 $0xFFFFEC00  }
.LBB2_2:
0x71: {  	[spmem:s2] =	stream.indirect.scatter.add.f32 [tilespmem:s23], [sflag:$0xA], $0x40, s22, s14, $0xb8;
	[tilespmem:$0x19C80] =	vst v63  }
0x72: {  	s22 =	smov.u32 s17;
	s17 =	sadd.s32 $0x640, s17;
	_ =	swait.ge [sflag:s30], $0x1400  }
0x73: {  	s22 =	sshra.s32 s22, $0x2;
	p0 =	sne.s32 s17, $0x12C00;
	[sflag:s30] =	ssyncset.done $0x0  }
0x74: {  	s4 =	sadd.s32 $0x280, s22;
	[sflag:s30] =	ssyncadd.s32 $0xFFFFEC00  }
0x75: {  	[tilespmem:s20], [sflag:$0x4] =	stream.indirect.gather [hbm4b:s8+s14], $0x40, s4, s14, $0xb8;
	[tilespmem:$0x19C80] =	vst v63  }
0x76: {  	_ =	swait.ge [sflag:s21], $0x1400  }
0x77: {  	[sflag:s21] =	ssyncset.done $0x0  }
0x78: {  	s4 =	sadd.s32 $0x4FB0, s22;
	[sflag:s21] =	ssyncadd.s32 $0xFFFFEC00  }
0x79: {  	[spmem:s2] =	stream.indirect.scatter.add.f32 [tilespmem:s15], [sflag:$0x6], $0x40, s4, s14, $0xb8;
	[tilespmem:$0x19C80] =	vst v63  }
0x7a: {  	_ =	swait.ge [sflag:s1], $0x1400  }
0x7b: {  	[sflag:s1] =	ssyncset.done $0x0  }
0x7c: {  	s4 =	sadd.s32 $0x2D0, s22;
	[sflag:s1] =	ssyncadd.s32 $0xFFFFEC00  }
0x7d: {  	[tilespmem:s23], [sflag:$0x5] =	stream.indirect.gather [hbm4b:s8+s14], $0x40, s4, s14, $0xb8;
	[tilespmem:$0x19C80] =	vst v63  }
0x7e: {  	_ =	swait.ge [sflag:s24], $0x1400  }
0x7f: {  	[sflag:s24] =	ssyncset.done $0x0  }
0x80: {  	s4 =	sadd.s32 $0x5000, s22;
	[sflag:s24] =	ssyncadd.s32 $0xFFFFEC00  }
0x81: {  	[spmem:s2] =	stream.indirect.scatter.add.f32 [tilespmem:s16], [sflag:$0x7], $0x40, s4, s14, $0xb8;
	[tilespmem:$0x19C80] =	vst v63  }
0x82: {  	_ =	swait.ge [sflag:s26], $0x1400  }
0x83: {  	[sflag:s26] =	ssyncset.done $0x0  }
0x84: {  	s4 =	sadd.s32 $0x320, s22;
	[sflag:s26] =	ssyncadd.s32 $0xFFFFEC00  }
0x85: {  	[tilespmem:s15], [sflag:$0x1] =	stream.indirect.gather [hbm4b:s8+s14], $0x40, s4, s14, $0xb8;
	[tilespmem:$0x19C80] =	vst v63  }
0x86: {  	_ =	swait.ge [sflag:s29], $0x1400  }
0x87: {  	[sflag:s29] =	ssyncset.done $0x0  }
0x88: {  	s4 =	sadd.s32 $0x5050, s22;
	[sflag:s29] =	ssyncadd.s32 $0xFFFFEC00  }
0x89: {  	[spmem:s2] =	stream.indirect.scatter.add.f32 [tilespmem:s18], [sflag:$0x8], $0x40, s4, s14, $0xb8;
	[tilespmem:$0x19C80] =	vst v63  }
0x8a: {  	_ =	swait.ge [sflag:s31], $0x1400  }
0x8b: {  	[sflag:s31] =	ssyncset.done $0x0  }
0x8c: {  	s4 =	sadd.s32 $0x370, s22;
	[sflag:s31] =	ssyncadd.s32 $0xFFFFEC00  }
0x8d: {  	[tilespmem:s16], [sflag:$0x2] =	stream.indirect.gather [hbm4b:s8+s14], $0x40, s4, s14, $0xb8;
	[tilespmem:$0x19C80] =	vst v63  }
0x8e: {  	_ =	swait.ge [sflag:s0], $0x1400  }
0x8f: {  	[sflag:s0] =	ssyncset.done $0x0  }
0x90: {  	s4 =	sadd.s32 $0x50A0, s22;
	[sflag:s0] =	ssyncadd.s32 $0xFFFFEC00  }
0x91: {  	[spmem:s2] =	stream.indirect.scatter.add.f32 [tilespmem:s20], [sflag:$0x9], $0x40, s4, s14, $0xb8;
	[tilespmem:$0x19C80] =	vst v63  }
0x92: {  	_ =	swait.ge [sflag:s19], $0x1400  }
0x93: {  	[sflag:s19] =	ssyncset.done $0x0  }
.Ltmp0:
0x94: {  	s4 =	sadd.s32 $0x3C0, s22;
	[sflag:s19] =	ssyncadd.s32 $0xFFFFEC00;
	(pc) =	sbr.rel @p0 .LBB2_2-.Ltmp0, $4  }
0x95: {  	[tilespmem:s18], [sflag:$0x3] =	stream.indirect.gather [hbm4b:s8+s14], $0x40, s4, s14, $0xb8;
	[tilespmem:$0x19C80] =	vst v63  }
0x96: {  	_ =	swait.ge [sflag:s25], $0x1400  }
0x97: {  	[sflag:s25] =	ssyncset.done $0x0  }
0x98: {  	s22 =	sadd.s32 $0x50F0, s22;
	[sflag:s25] =	ssyncadd.s32 $0xFFFFEC00  }
0x99: {  	[spmem:s2] =	stream.indirect.scatter.add.f32 [tilespmem:s23], [sflag:$0xA], $0x40, s22, s14, $0xb8;
	[tilespmem:$0x19C80] =	vst v63  }
0x9a: {  	_ =	swait.ge [sflag:s30], $0x1400  }
0x9b: {  	s4 =	sshra.s32 s17, $0x2;
	[sflag:s30] =	ssyncset.done $0x0  }
0x9c: {  	s17 =	sadd.s32 $0x280, s4;
	[sflag:s30] =	ssyncadd.s32 $0xFFFFEC00  }
0x9d: {  	[tilespmem:s20], [sflag:$0x4] =	stream.indirect.gather [hbm4b:s8+s14], $0x40, s17, s14, $0xb8;
	[tilespmem:$0x19C80] =	vst v63  }
0x9e: {  	_ =	swait.ge [sflag:s21], $0x1400  }
0x9f: {  	[sflag:s21] =	ssyncset.done $0x0  }
0xa0: {  	s22 =	sadd.s32 $0x4FB0, s4;
	[sflag:s21] =	ssyncadd.s32 $0xFFFFEC00  }
0xa1: {  	[spmem:s2] =	stream.indirect.scatter.add.f32 [tilespmem:s15], [sflag:$0x6], $0x40, s22, s14, $0xb8;
	[tilespmem:$0x19C80] =	vst v63  }
0xa2: {  	_ =	swait.ge [sflag:s1], $0x1400  }
0xa3: {  	[sflag:s1] =	ssyncset.done $0x0  }
0xa4: {  	s22 =	simm.s32 $0x4DD0;
	[sflag:s1] =	ssyncadd.s32 $0xFFFFEC00  }
0xa5: {  	[tilespmem:s23], [sflag:$0x5] =	stream.indirect.gather [hbm4b:s8+s14], $0x40, s22, s14, $0xb8;
	[tilespmem:$0x19C80] =	vst v63  }
0xa6: {  	_ =	swait.ge [sflag:s24], $0x1400  }
0xa7: {  	[sflag:s24] =	ssyncset.done $0x0  }
0xa8: {  	s22 =	sadd.s32 $0x5000, s4;
	[sflag:s24] =	ssyncadd.s32 $0xFFFFEC00  }
0xa9: {  	[spmem:s2] =	stream.indirect.scatter.add.f32 [tilespmem:s16], [sflag:$0x7], $0x40, s22, s14, $0xb8;
	[tilespmem:$0x19C80] =	vst v63  }
0xaa: {  	_ =	swait.ge [sflag:s26], $0x1400  }
0xab: {  	[sflag:s26] =	ssyncset.done $0x0  }
0xac: {  	[sflag:s26] =	ssyncadd.s32 $0xFFFFEC00  }
0xad: {  	_ =	swait.ge [sflag:s29], $0x1400  }
0xae: {  	[sflag:s29] =	ssyncset.done $0x0  }
0xaf: {  	s22 =	sadd.s32 $0x5050, s4;
	[sflag:s29] =	ssyncadd.s32 $0xFFFFEC00  }
0xb0: {  	[spmem:s2] =	stream.indirect.scatter.add.f32 [tilespmem:s18], [sflag:$0x8], $0x40, s22, s14, $0xb8;
	[tilespmem:$0x19C80] =	vst v63  }
0xb1: {  	_ =	swait.ge [sflag:s31], $0x1400  }
0xb2: {  	[sflag:s31] =	ssyncset.done $0x0  }
0xb3: {  	[sflag:s31] =	ssyncadd.s32 $0xFFFFEC00  }
0xb4: {  	_ =	swait.ge [sflag:s0], $0x1400  }
0xb5: {  	[sflag:s0] =	ssyncset.done $0x0  }
0xb6: {  	s4 =	sadd.s32 $0x50A0, s4;
	[sflag:s0] =	ssyncadd.s32 $0xFFFFEC00  }
0xb7: {  	[spmem:s2] =	stream.indirect.scatter.add.f32 [tilespmem:s20], [sflag:$0x9], $0x40, s4, s14, $0xb8;
	[tilespmem:$0x19C80] =	vst v63  }
0xb8: {  	_ =	swait.ge [sflag:s19], $0x1400  }
0xb9: {  	[sflag:s19] =	ssyncset.done $0x0  }
0xba: {  	[sflag:s19] =	ssyncadd.s32 $0xFFFFEC00  }
0xbb: {  	_ =	swait.ge [sflag:s25], $0x1400  }
0xbc: {  	[sflag:s25] =	ssyncset.done $0x0  }
0xbd: {  	s22 =	simm.s32 $0x9BF0;
	[sflag:s25] =	ssyncadd.s32 $0xFFFFEC00  }
0xbe: {  	[spmem:s2] =	stream.indirect.scatter.add.f32 [tilespmem:s23], [sflag:$0xA], $0x40, s22, s14, $0xb8;
	[tilespmem:$0x19C80] =	vst v63  }
0xbf: {  	_ =	swait.ge [sflag:s30], $0x1400  }
0xc0: {  	[sflag:s30] =	ssyncset.done $0x0  }
0xc1: {  	[sflag:s30] =	ssyncadd.s32 $0xFFFFEC00  }
0xc2: {  	_ =	swait.ge [sflag:s1], $0x1400  }
0xc3: {  	s28 =	sadd.s32 $0x1, s28;
	[sflag:s1] =	ssyncset.done $0x0  }
0xc4: {  	p0 =	sne.s32 s28, s10;
	[sflag:s1] =	ssyncadd.s32 $0xFFFFEC00  }
.Ltmp1:
0xc5: {  	[bflag:$0x0] =	sbarrier.arrive $0xFFFF;
	(pc) =	sbr.rel @p0 .LBB2_1-.Ltmp1, $4  }
0xc6: {  	[hbm:s9], [sflag:s5] =	dma.local [spmem:s11], $0x1388  }
0xc7: {  	_ =	swait.ge [sflag:s12], $0x1388  }
0xc8: {  	[sflag:s12] =	ssyncset.done $0x0  }
0xc9: {  	[sflag:s12] =	ssyncadd.s32 $0xFFFFEC78  }
0xca: {  	_ =	sfence.sel $0x180000  }
0xcb: {  	[bflag:$0x0] =	sbarrier.arrive $0xFFFF  }
0xcc: {  	_ =	strace $0x9000004A  }
0xcd: {  	s0 =	stileid.u32;
	[bflag:$0x2] =	sbarrier.arrive $0xFFFF  }
0xce: {  	p0 =	sne.s32 s0, $0x0;
	s0 =	rddreg [dreg:$0x3]  }
0xcf: {  	s0 =	sadd.s32 @!p0 $0x100000, s0  }
0xd0: {  	[sflag:s0] =	ssyncadd.tile.s32 @!p0 $0x1;
	_ =	shalt  }
.Lfunc_end2:
_tile_overlayer_lowered:
.L_overlay_start_2:
0xd1: {  	(tag) =	ssettag $0x2  }
0xd2: {  	s0 =	rddreg [dreg:$0x0];
	s2 =	stileid.u32  }
0xd3: {  	s1 =	rddreg [dreg:$0x1];
	p0 =	sne.s32 s2, $0x0  }
0xd4: {  	s3 =	rddreg [dreg:$0x2];
	[bflag:$0x3] =	sbarrier.arrive $0xFFFF;
	s2 =	simm.s32 @!p0 $0x1C0B  }
0xd5: {  	[timem:s3], [sflag:s2] =	dma.local @!p0 [hbm:s0], s1  }
0xd6: {  	s0 =	simm.s32 @!p0 $0xB  }
0xd7: {  	_ =	swait.ge @!p0 [sflag:s0], s1  }
0xd8: {  	s1 =	ssub.s32 @!p0 $0x0, s1;
	[sflag:s0] =	ssyncset.done @!p0 $0x0  }
0xd9: {  	[sflag:s0] =	ssyncadd.s32 @!p0 s1  }
0xda: {  	[bflag:$0x3] =	sbarrier.arrive $0xFFFF  }
0xdb: {  	_ =	shalt  }

// kernel: kernel.14.cloned.1.call-start
scs
__scs_entry_jumppad:
0x0: {  	(pc) =	sbr.rel $0x88, $3  }
0x1: {  	(tag) =	ssettag $0x0;
	lr =	simm.s32 $0x1  }
0x2: {  	[smem:$0x3F9B] =	sst lr;
	_ =	strace $0xD0000000  }
0x3: {  	_ = 	snop  }
0x4: {  	_ = 	snop  }
0x5: {  	_ = 	snop  }
0x6: {  	_ = 	snop  }
0x7: {  	_ = 	snop  }
__scs_overlays_trampoline_lowered:
0x8: {  	[smem:$0x3FAA] =	sst s0  }
0x9: {  	[smem:$0x3FAB] =	sst s1  }
0xa: {  	[smem:$0x3FAC] =	sst s2  }
0xb: {  	[smem:$0x3FAD] =	sst s3  }
0xc: {  	[smem:$0x3FAE] =	sst s4  }
0xd: {  	[smem:$0x3FAF] =	sst s5  }
0xe: {  	[smem:$0x3FB0] =	sst s6  }
0xf: {  	[smem:$0x3FB1] =	sst s7  }
0x10: {  	[smem:$0x3FB2] =	sst s8  }
0x11: {  	[smem:$0x3FB3] =	sst s9;
	s0 =	simm.s32 @!p0 $0x0  }
0x12: {  	s1 =	sld [smem:$0x3F99];
	s0 =	simm.s32 @p0 $0x1  }
0x13: {  	[smem:$0x3FB4] =	sst s0;
	s0 =	simm.s32 @!p1 $0x0  }
0x14: {  	s2 =	sld [smem:$0x3F98];
	s0 =	simm.s32 @p1 $0x1  }
0x15: {  	[smem:$0x3FB5] =	sst s0;
	s0 =	simm.s32 @!p2 $0x0  }
0x16: {  	s3 =	sld [smem:$0x3FDB];
	s0 =	simm.s32 @p2 $0x1  }
0x17: {  	s4 =	simm.s32 $0x1BF5;
	[smem:$0x3FB7] =	sst s0  }
0x18: {  	s0 =	sld [smem:$0x3F9A];
	_ =	swait.ge [sflag:s4], $0x0  }
0x19: {  	s7 =	sld [smem:$0x3F9B]  }
0x1a: {  	s8 =	sadd.s32 $0xFFFFE003, lr  }
0x1b: {  	s9 =	sadd.s32 $0xFFFFFEF7, lr;
	s5 =	simm.s32 $0xFFFFFFFF;
	p2 =	slt.u32 s8, $0xFFFFF086  }
0x1c: {  	p1 =	slt.u32 s9, $0xF7A;
	s5 =	simm.s32 @!p2 $0x0  }
0x1d: {  	s5 =	simm.s32 @p1 $0x1;
	p0 =	seq.s32 s7, s2  }
0x1e: {  	s7 =	smul.u32 @!p0 $0xF7A, s2;
	p2 =	seq.s32 @!p0 s5, $0x0  }
0x1f: {  	s9 =	smul.u32 $0xF7A, s1;
	s8 =	simm.s32 @!p0 $0x1BF5;
	p2 =	por !p2, p0  }
0x20: {  	[sflag:s8] =	ssyncset.s32 @!p0 $0xFFFFF086;
	s6 =	sadd.s32 @!p0 s3, s7;
	s7 =	simm.s32 @!p0 $0x108  }
0x21: {  	s3 =	sadd.s32 s3, s9;
	s6 =	sadd.s32 @!p0 $0x88, s6;
	s7 =	simm.s32 @p2 $0x1082  }
0x22: {  	[simem:s7], [sflag:s8] =	dma.local @!p0 [hbm:s6], $0xF7A  }
0x23: {  	s9 =	sor.u32 $0xD0000000, s2;
	s6 =	simm.s32 $0x108;
	_ =	swait.ge @!p0 [sflag:s8], $0x0  }
0x24: {  	s3 =	sadd.s32 $0x88, s3;
	s6 =	simm.s32 @!p1 $0x1082;
	[sflag:s4] =	ssyncset.s32 $0xFFFFF086  }
0x25: {  	[simem:s6], [sflag:s4] =	dma.local [hbm:s3], $0xF7A  }
0x26: {  	[smem:$0x3F9B] =	sst s1;
	(tag) =	ssettag s2;
	_ =	strace s9  }
0x27: {  	s1 =	sld [smem:$0x3FAB]  }
0x28: {  	s2 =	sld [smem:$0x3FAC]  }
0x29: {  	s4 =	sld [smem:$0x3FAE]  }
0x2a: {  	p0 =	seq.s32 s5, $0x0;
	s5 =	sld [smem:$0x3FAF]  }
0x2b: {  	s6 =	sld [smem:$0x3FB0]  }
0x2c: {  	s7 =	sld [smem:$0x3FB1]  }
0x2d: {  	s3 =	simm.s32 $0x108;
	s8 =	sld [smem:$0x3FB2]  }
0x2e: {  	s3 =	simm.s32 @!p0 $0x1082;
	s9 =	sld [smem:$0x3FB3]  }
0x2f: {  	lr =	sadd.s32 s0, s3;
	s0 =	sld [smem:$0x3FAA]  }
0x30: {  	s3 =	sld [smem:$0x3FAD]  }
0x31: {  	[smem:$0x3FB6] =	sst s10  }
0x32: {  	s10 =	sld [smem:$0x3FB4];
	_ =	sdelay $0x3  }
0x33: {  	p0 =	seq.s32 s10, $0x1;
	s10 =	sld [smem:$0x3FB6];
	_ =	sdelay $0x3  }
0x34: {  	[smem:$0x3FB6] =	sst s10  }
0x35: {  	s10 =	sld [smem:$0x3FB5];
	_ =	sdelay $0x3  }
0x36: {  	p1 =	seq.s32 s10, $0x1;
	s10 =	sld [smem:$0x3FB6];
	_ =	sdelay $0x3  }
0x37: {  	[smem:$0x3FB6] =	sst s10  }
0x38: {  	s10 =	sld [smem:$0x3FB7]  }
0x39: {  	_ = 	snop;
	(pc) =	sbr.ind lr, $3  }
0x3a: {  	_ = 	snop  }
0x3b: {  	_ = 	snop  }
0x3c: {  	p2 =	seq.s32 s10, $0x1;
	s10 =	sld [smem:$0x3FB6]  }
0x3d: {  	_ =	shalt  }
0x3e: {  	_ =	shalt  }
0x3f: {  	_ =	shalt  }
0x40: {  	_ =	shalt  }
0x41: {  	_ =	shalt  }
0x42: {  	_ =	shalt  }
0x43: {  	_ =	shalt  }
0x44: {  	_ =	shalt  }
0x45: {  	_ =	shalt  }
0x46: {  	_ =	shalt  }
0x47: {  	_ =	shalt  }
0x48: {  	_ =	shalt  }
0x49: {  	_ =	shalt  }
0x4a: {  	_ =	shalt  }
0x4b: {  	_ =	shalt  }
0x4c: {  	_ =	shalt  }
0x4d: {  	_ =	shalt  }
0x4e: {  	_ =	shalt  }
0x4f: {  	_ =	shalt  }
0x50: {  	_ =	shalt  }
0x51: {  	_ =	shalt  }
0x52: {  	_ =	shalt  }
0x53: {  	_ =	shalt  }
0x54: {  	_ =	shalt  }
0x55: {  	_ =	shalt  }
0x56: {  	_ =	shalt  }
0x57: {  	_ =	shalt  }
0x58: {  	_ =	shalt  }
0x59: {  	_ =	shalt  }
0x5a: {  	_ =	shalt  }
0x5b: {  	_ =	shalt  }
0x5c: {  	_ =	shalt  }
0x5d: {  	_ =	shalt  }
0x5e: {  	_ =	shalt  }
0x5f: {  	_ =	shalt  }
0x60: {  	_ =	shalt  }
0x61: {  	_ =	shalt  }
0x62: {  	_ =	shalt  }
0x63: {  	_ =	shalt  }
0x64: {  	_ =	shalt  }
0x65: {  	_ =	shalt  }
0x66: {  	_ =	shalt  }
0x67: {  	_ =	shalt  }
0x68: {  	_ =	shalt  }
0x69: {  	_ =	shalt  }
0x6a: {  	_ =	shalt  }
0x6b: {  	_ =	shalt  }
0x6c: {  	_ =	shalt  }
0x6d: {  	_ =	shalt  }
0x6e: {  	_ =	shalt  }
0x6f: {  	_ =	shalt  }
0x70: {  	_ =	shalt  }
0x71: {  	_ =	shalt  }
0x72: {  	_ =	shalt  }
0x73: {  	_ =	shalt  }
0x74: {  	_ =	shalt  }
0x75: {  	_ =	shalt  }
0x76: {  	_ =	shalt  }
0x77: {  	_ =	shalt  }
0x78: {  	_ =	shalt  }
0x79: {  	_ =	shalt  }
0x7a: {  	_ =	shalt  }
0x7b: {  	_ =	shalt  }
0x7c: {  	_ =	shalt  }
0x7d: {  	_ =	shalt  }
0x7e: {  	_ =	shalt  }
0x7f: {  	_ =	shalt  }
0x80: {  	_ =	shalt  }
0x81: {  	_ =	shalt  }
0x82: {  	_ =	shalt  }
0x83: {  	_ =	shalt  }
0x84: {  	_ =	shalt  }
0x85: {  	_ =	shalt  }
0x86: {  	_ =	shalt  }
0x87: {  	_ =	shalt  }
.Lfunc_end0:
.L_simem_size_0:
called_computation.2_lowered:
.L_overlay_start_0:
0x88: {  	s2 =	sld [smem:$0x3FD9]  }
0x89: {  	s3 =	sld [smem:$0x3FFE];
	_ =	sdelay $0x1  }
0x8a: {  	s1 =	srdreg.scid  }
0x8b: {  	s0 =	sand.u32 $0x1, s1  }
0x8c: {  	s17 =	sshll.u32 s0, $0xA;
	s2 =	sadd.s32 s3, s2  }
0x8d: {  	s2 =	sadd.s32 s2, s17  }
0x8e: {  	[smem:$0x3FC2] =	sst s2  }
0x8f: {  	_ = 	snop  }
0x90: {  	s2 =	sld [smem:$0x3FD0];
	(tm) =	ssettm $0x1  }
0x91: {  	s18 =	sld [smem:$0x3FFB];
	_ =	sdelay $0x3  }
0x92: {  	_ =	strace s18  }
0x93: {  	s3 =	sld [smem:$0x3FFC];
	_ =	sdelay $0x3  }
0x94: {  	_ =	strace s3  }
0x95: {  	s3 =	sld [smem:$0x3FFD];
	_ =	sdelay $0x3  }
0x96: {  	_ =	strace s3  }
0x97: {  	_ =	strace $0x8FFFFFFF  }
0x98: {  	s19 =	sld [smem:$0x3FDB];
	_ =	sdelay $0x1  }
0x99: {  	s4 =	simm.s32 $_scs_section_size  }
0x9a: {  	s5 =	simm.s32 $_size__tile_overlayer_lowered;
	s6 =	simm.s32 $_tile_overlayer_lowered  }
0x9b: {  	s22 =	simm.s32 $0x1BFF;
	s21 =	sshll.u32 s6, $0x1;
	s3 =	sadd.s32 s4, s19  }
0x9c: {  	s7 =	simm.s32 $0x0;
	s20 =	sshll.u32 s5, $0x1;
	s5 =	sadd.s32 s21, s3  }
0x9d: {  	[timem:s7], [sflag:s22] =	dma.local [hbm:s5], s20  }
0x9e: {  	_ =	swait.ge [sflag:s22], s20  }
0x9f: {  	s4 =	ssub.s32 $0x0, s20;
	[sflag:s22] =	ssyncset.done $0x0  }
0xa0: {  	[sflag:s22] =	ssyncadd.s32 s4;
	_ =	sdelay $0x1  }
0xa1: {  	s23 =	simm.s32 $0x1B8B  }
0xa2: {  	_ =	swait.ge [sflag:s23], $0x1  }
0xa3: {  	[sflag:s23] =	ssyncset.done $0x0  }
0xa4: {  	s25 =	simm.s32 $0x1B8E;
	s24 =	sld [smem:$0x3FFE];
	[sflag:s23] =	ssyncadd.s32 $0xFFFFFFFF  }
0xa5: {  	s26 =	simm.s32 $execute0_lowered;
	[smem:$0x3FD2] =	sst s25  }
0xa6: {  	s5 =	sshll.u32 s26, $0x1;
	_ =	strace $0x8000004C;
	[dreg:$0x1] =	wrdreg $0xFFFFFFFF  }
0xa7: {  	s28 =	simm.s32 $_size_execute0_lowered;
	s3 =	sadd.s32 s3, s5;
	[dreg:$0x0] =	wrdreg $0x0  }
0xa8: {  	s5 =	sshll.u32 s28, $0x1;
	[dreg:$0x2] =	wrdreg s3  }
0xa9: {  	[dreg:$0x3] =	wrdreg s5  }
0xaa: {  	[dreg:$0x4] =	wrdreg $0xC0  }
0xab: {  	_ =	task [dreg:s7], $0x5FFFF  }
0xac: {  	[dreg:$0x1] =	wrdreg $0xFFFFFFFF  }
0xad: {  	[dreg:$0x0] =	wrdreg $0x60  }
0xae: {  	[dreg:$0x2] =	wrdreg s24  }
0xaf: {  	[dreg:$0x3] =	wrdreg s2  }
0xb0: {  	[dreg:$0x4] =	wrdreg $0x100400  }
0xb1: {  	[dreg:$0x5] =	wrdreg $0x9  }
0xb2: {  	_ =	task.clear_ibuf [dreg:s7], $0x6FFFF;
	_ =	strace $0x9000004C  }
0xb3: {  	s29 =	simm.s32 $0x9;
	_ =	strace $0x8000004E  }
0xb4: {  	_ =	swait.ge [sflag:s29], $0x1  }
0xb5: {  	[sflag:s29] =	ssyncadd.s32 $0xFFFFFFFF  }
0xb6: {  	_ =	strace $0x9000004E  }
0xb7: {  	_ =	sfence  }
0xb8: {  	s30 =	sld [smem:$0x0];
	_ =	sdelay $0x2  }
0xb9: {  	s31 =	sshll.u32 s1, $0xD;
	s1 =	sshrl.u32 s1, $0x2  }
0xba: {  	s3 =	sand.u32 $0x4000, s31;
	s1 =	sadd.s32 s1, s30  }
0xbb: {  	s0 =	sor.u32 s3, s0;
	s1 =	sshll.u32 s1, $0x11  }
0xbc: {  	s0 =	sor.u32 s1, s0  }
0xbd: {  	s0 =	sadd.s32 $0x8F2B, s0  }
0xbe: {  	[sflag:s0] =	ssyncadd.remote.s32 $0x1  }
0xbf: {  	_ =	sfence.sel $0xFFFF  }
0xc0: {  	[dreg:$0x0] =	wrdreg $0xFFFFFFFF;
	(pc) =	sbr.abs _section_cstart, $3  }
0xc1: {  	[dreg:$0x1] =	wrdreg $0xFFFFFFFF  }
0xc2: {  	_ =	task.clear_ibuf [dreg:s7], $0x2FFFF;
	_ =	strace $0x9FFFFFFF  }
0xc3: {  	(tm) =	ssettm $0x7FFFFFFF  }
tec
execute0_lowered:
.L_overlay_start_1:
0x0: {  	(tag) =	ssettag $0x1  }
0x1: {  	s0 =	rddreg [dreg:$0x0]  }
0x2: {  	s1 =	rddreg [dreg:$0x1];
	s11 =	stileid.u32  }
0x3: {  	s3 =	srdreg.scid;
	s2 =	rddreg [dreg:$0x2];
	s12 =	simm.s32 $0xB  }
0x4: {  	s13 =	simm.s32 $0x4E20;
	s14 =	simm.s32 $0x50;
	s15 =	simm.s32 $0x9C40  }
0x5: {  	s16 =	simm.s32 $0xB040;
	s18 =	simm.s32 $0xC440;
	s20 =	simm.s32 $0xD840  }
0x6: {  	s21 =	simm.s32 $0x1;
	s29 =	simm.s32 $0x3;
	s31 =	simm.s32 $0x7  }
0x7: {  	s19 =	simm.s32 $0x8;
	s30 =	simm.s32 $0x9;
	s4 =	smul.u32 $0x4E20, s11  }
0x8: {  	s28 =	simm.s32 $0x0;
	s5 =	sand.u32 $0x1, s3;
	s6 =	smul.u32 $0x9C40, s11  }
0x9: {  	s3 =	simm.s32 $0x0;
	s22 =	sadd.s32 $0x17000, s0;
	s24 =	sshll.u32 s11, $0x6  }
0xa: {  	s7 =	smul.u32 $0x9C400, s5;
	[smem:$0x7FF] =	sst s3;
	s9 =	ssub.s32 $0x2, s5  }
0xb: {  	s25 =	smul.u32 $0x13880, s5;
	s5 =	sor.u32 $0x1C0B, s24;
	s24 =	simm.s32 $0x2  }
0xc: {  	_ =	strace $0x8000004D;
	s4 =	sshrl.u32 s4, $0x3;
	[dreg:$0x4] =	wrdreg s22  }
0xd: {  	s23 =	sshrl.u32 s9, $0x1;
	s26 =	sadd.s32 s6, s2;
	s7 =	sadd.s32 s6, s7  }
0xe: {  	s8 =	sadd.s32 s4, s0;
	s10 =	ssub.s32 s9, s23;
	s11 =	sshrl.u32 s26, $0x3  }
0xf: {  	s23 =	simm.s32 $0xEC40;
	s26 =	simm.s32 $0x6;
	s7 =	sshrl.u32 s7, $0x3  }
0x10: {  	s6 =	sadd.s32 $0x3600, s8;
	s10 =	smax.u32 s10, $0x1;
	s0 =	sadd.s32 s7, s0  }
0x11: {  	s7 =	sadd.s32 $0xD240, s8;
	s8 =	sadd.s32 s1, s25;
	s25 =	simm.s32 $0x5  }
0x12: {  	s1 =	simm.s32 $0xA;
	s9 =	sadd.s32 $0x18400, s0;
	s0 =	simm.s32 $0x4  }
.LBB2_1:
0x13: {  	s4 =	rddreg [dreg:$0x4]  }
0x14: {  	[spmem:s11], [sflag:s5] =	dma.local [hbm:s4], $0x1388  }
0x15: {  	_ =	swait.ge [sflag:s12], $0x1388  }
0x16: {  	[sflag:s12] =	ssyncset.done $0x0  }
0x17: {  	[sflag:s12] =	ssyncadd.s32 $0xFFFFEC78  }
0x18: {  	[tilespmem:s3], [sflag:$0xB] =	stream.linear.gather [hbm4b:s6+s3], $0x4E20, $0x38;
	[tilespmem:$0x19C80] =	vst v63  }
0x19: {  	_ =	swait.ge [sflag:s12], $0x4E20  }
0x1a: {  	[sflag:s12] =	ssyncset.done $0x0  }
0x1b: {  	[sflag:s12] =	ssyncadd.s32 $0xFFFFB1E0  }
0x1c: {  	[tilespmem:s13], [sflag:$0xB] =	stream.linear.gather [hbm4b:s7+s3], $0x4E20, $0x38;
	[tilespmem:$0x19C80] =	vst v63  }
0x1d: {  	_ =	swait.ge [sflag:s12], $0x4E20  }
0x1e: {  	[sflag:s12] =	ssyncset.done $0x0  }
0x1f: {  	[sflag:s12] =	ssyncadd.s32 $0xFFFFB1E0  }
0x20: {  	[bflag:$0x0] =	sbarrier.arrive $0xFFFF  }
0x21: {  	[tilespmem:s15], [sflag:$0x1] =	stream.indirect.gather [hbm4b:s8+s14], $0x40, s3, s14, $0xb8;
	[tilespmem:$0x19C80] =	vst v63  }
0x22: {  	_ = 	snop  }
0x23: {  	[tilespmem:s16], [sflag:$0x2] =	stream.indirect.gather [hbm4b:s8+s14], $0x40, s14, s14, $0xb8;
	[tilespmem:$0x19C80] =	vst v63  }
0x24: {  	s17 =	simm.s32 $0xA0  }
0x25: {  	[tilespmem:s18], [sflag:$0x3] =	stream.indirect.gather [hbm4b:s8+s14], $0x40, s17, s14, $0xb8;
	[tilespmem:$0x19C80] =	vst v63  }
0x26: {  	s22 =	simm.s32 $0xF0  }
0x27: {  	[tilespmem:s20], [sflag:$0x4] =	stream.indirect.gather [hbm4b:s8+s14], $0x40, s22, s14, $0xb8;
	[tilespmem:$0x19C80] =	vst v63  }
0x28: {  	_ =	swait.ge [sflag:s21], $0x1400  }
0x29: {  	[sflag:s21] =	ssyncset.done $0x0  }
0x2a: {  	[sflag:s21] =	ssyncadd.s32 $0xFFFFEC00  }
0x2b: {  	[spmem:s2] =	stream.indirect.scatter.add.f32 [tilespmem:s15], [sflag:$0x6], $0x40, s13, s14, $0xb8;
	[tilespmem:$0x19C80] =	vst v63  }
0x2c: {  	s17 =	simm.s32 $0x140  }
0x2d: {  	[tilespmem:s23], [sflag:$0x5] =	stream.indirect.gather [hbm4b:s8+s14], $0x40, s17, s14, $0xb8;
	[tilespmem:$0x19C80] =	vst v63  }
0x2e: {  	_ =	swait.ge [sflag:s24], $0x1400  }
0x2f: {  	[sflag:s24] =	ssyncset.done $0x0  }
0x30: {  	s22 =	simm.s32 $0x4E70;
	[sflag:s24] =	ssyncadd.s32 $0xFFFFEC00  }
0x31: {  	[spmem:s2] =	stream.indirect.scatter.add.f32 [tilespmem:s16], [sflag:$0x7], $0x40, s22, s14, $0xb8;
	[tilespmem:$0x19C80] =	vst v63  }
0x32: {  	_ =	swait.ge [sflag:s26], $0x1400  }
0x33: {  	[sflag:s26] =	ssyncset.done $0x0  }
0x34: {  	s17 =	simm.s32 $0x190;
	[sflag:s26] =	ssyncadd.s32 $0xFFFFEC00  }
0x35: {  	[tilespmem:s15], [sflag:$0x1] =	stream.indirect.gather [hbm4b:s8+s14], $0x40, s17, s14, $0xb8;
	[tilespmem:$0x19C80] =	vst v63  }
0x36: {  	_ =	swait.ge [sflag:s29], $0x1400  }
0x37: {  	[sflag:s29] =	ssyncset.done $0x0  }
0x38: {  	s22 =	simm.s32 $0x4EC0;
	[sflag:s29] =	ssyncadd.s32 $0xFFFFEC00  }
0x39: {  	[spmem:s2] =	stream.indirect.scatter.add.f32 [tilespmem:s18], [sflag:$0x8], $0x40, s22, s14, $0xb8;
	[tilespmem:$0x19C80] =	vst v63  }
0x3a: {  	_ =	swait.ge [sflag:s31], $0x1400  }
0x3b: {  	[sflag:s31] =	ssyncset.done $0x0  }
0x3c: {  	s17 =	simm.s32 $0x1E0;
	[sflag:s31] =	ssyncadd.s32 $0xFFFFEC00  }
0x3d: {  	[tilespmem:s16], [sflag:$0x2] =	stream.indirect.gather [hbm4b:s8+s14], $0x40, s17, s14, $0xb8;
	[tilespmem:$0x19C80] =	vst v63  }
0x3e: {  	_ =	swait.ge [sflag:s0], $0x1400  }
0x3f: {  	[sflag:s0] =	ssyncset.done $0x0  }
0x40: {  	s22 =	simm.s32 $0x4F10;
	[sflag:s0] =	ssyncadd.s32 $0xFFFFEC00  }
0x41: {  	[spmem:s2] =	stream.indirect.scatter.add.f32 [tilespmem:s20], [sflag:$0x9], $0x40, s22, s14, $0xb8;
	[tilespmem:$0x19C80] =	vst v63  }
0x42: {  	_ =	swait.ge [sflag:s19], $0x1400  }
0x43: {  	[sflag:s19] =	ssyncset.done $0x0  }
0x44: {  	s17 =	simm.s32 $0x230;
	[sflag:s19] =	ssyncadd.s32 $0xFFFFEC00  }
0x45: {  	[tilespmem:s18], [sflag:$0x3] =	stream.indirect.gather [hbm4b:s8+s14], $0x40, s17, s14, $0xb8;
	[tilespmem:$0x19C80] =	vst v63  }
0x46: {  	_ =	swait.ge [sflag:s25], $0x1400  }
0x47: {  	[sflag:s25] =	ssyncset.done $0x0  }
0x48: {  	s22 =	simm.s32 $0x4F60;
	[sflag:s25] =	ssyncadd.s32 $0xFFFFEC00  }
0x49: {  	[spmem:s2] =	stream.indirect.scatter.add.f32 [tilespmem:s23], [sflag:$0xA], $0x40, s22, s14, $0xb8;
	[tilespmem:$0x19C80] =	vst v63  }
0x4a: {  	_ =	swait.ge [sflag:s30], $0x1400  }
0x4b: {  	[sflag:s30] =	ssyncset.done $0x0  }
0x4c: {  	s17 =	simm.s32 $0x280;
	[sflag:s30] =	ssyncadd.s32 $0xFFFFEC00  }
0x4d: {  	[tilespmem:s20], [sflag:$0x4] =	stream.indirect.gather [hbm4b:s8+s14], $0x40, s17, s14, $0xb8;
	[tilespmem:$0x19C80] =	vst v63  }
0x4e: {  	_ =	swait.ge [sflag:s21], $0x1400  }
0x4f: {  	[sflag:s21] =	ssyncset.done $0x0  }
0x50: {  	s4 =	simm.s32 $0x4FB0;
	[sflag:s21] =	ssyncadd.s32 $0xFFFFEC00  }
0x51: {  	[spmem:s2] =	stream.indirect.scatter.add.f32 [tilespmem:s15], [sflag:$0x6], $0x40, s4, s14, $0xb8;
	[tilespmem:$0x19C80] =	vst v63  }
0x52: {  	_ =	swait.ge [sflag:s1], $0x1400  }
0x53: {  	[sflag:s1] =	ssyncset.done $0x0  }
0x54: {  	s22 =	simm.s32 $0x2D0;
	[sflag:s1] =	ssyncadd.s32 $0xFFFFEC00  }
0x55: {  	[tilespmem:s23], [sflag:$0x5] =	stream.indirect.gather [hbm4b:s8+s14], $0x40, s22, s14, $0xb8;
	[tilespmem:$0x19C80] =	vst v63  }
0x56: {  	_ =	swait.ge [sflag:s24], $0x1400  }
0x57: {  	[sflag:s24] =	ssyncset.done $0x0  }
0x58: {  	s4 =	simm.s32 $0x5000;
	[sflag:s24] =	ssyncadd.s32 $0xFFFFEC00  }
0x59: {  	[spmem:s2] =	stream.indirect.scatter.add.f32 [tilespmem:s16], [sflag:$0x7], $0x40, s4, s14, $0xb8;
	[tilespmem:$0x19C80] =	vst v63  }
0x5a: {  	_ =	swait.ge [sflag:s26], $0x1400  }
0x5b: {  	[sflag:s26] =	ssyncset.done $0x0  }
0x5c: {  	s22 =	simm.s32 $0x320;
	[sflag:s26] =	ssyncadd.s32 $0xFFFFEC00  }
0x5d: {  	[tilespmem:s15], [sflag:$0x1] =	stream.indirect.gather [hbm4b:s8+s14], $0x40, s22, s14, $0xb8;
	[tilespmem:$0x19C80] =	vst v63  }
0x5e: {  	_ =	swait.ge [sflag:s29], $0x1400  }
0x5f: {  	[sflag:s29] =	ssyncset.done $0x0  }
0x60: {  	s4 =	simm.s32 $0x5050;
	[sflag:s29] =	ssyncadd.s32 $0xFFFFEC00  }
0x61: {  	[spmem:s2] =	stream.indirect.scatter.add.f32 [tilespmem:s18], [sflag:$0x8], $0x40, s4, s14, $0xb8;
	[tilespmem:$0x19C80] =	vst v63  }
0x62: {  	_ =	swait.ge [sflag:s31], $0x1400  }
0x63: {  	[sflag:s31] =	ssyncset.done $0x0  }
0x64: {  	s22 =	simm.s32 $0x370;
	[sflag:s31] =	ssyncadd.s32 $0xFFFFEC00  }
0x65: {  	[tilespmem:s16], [sflag:$0x2] =	stream.indirect.gather [hbm4b:s8+s14], $0x40, s22, s14, $0xb8;
	[tilespmem:$0x19C80] =	vst v63  }
0x66: {  	_ =	swait.ge [sflag:s0], $0x1400  }
0x67: {  	[sflag:s0] =	ssyncset.done $0x0  }
0x68: {  	s4 =	simm.s32 $0x50A0;
	[sflag:s0] =	ssyncadd.s32 $0xFFFFEC00  }
0x69: {  	[spmem:s2] =	stream.indirect.scatter.add.f32 [tilespmem:s20], [sflag:$0x9], $0x40, s4, s14, $0xb8;
	[tilespmem:$0x19C80] =	vst v63  }
0x6a: {  	_ =	swait.ge [sflag:s19], $0x1400  }
0x6b: {  	[sflag:s19] =	ssyncset.done $0x0  }
0x6c: {  	s22 =	simm.s32 $0x3C0;
	[sflag:s19] =	ssyncadd.s32 $0xFFFFEC00  }
0x6d: {  	[tilespmem:s18], [sflag:$0x3] =	stream.indirect.gather [hbm4b:s8+s14], $0x40, s22, s14, $0xb8;
	[tilespmem:$0x19C80] =	vst v63  }
0x6e: {  	_ =	swait.ge [sflag:s25], $0x1400  }
0x6f: {  	[sflag:s25] =	ssyncset.done $0x0  }
0x70: {  	s17 =	simm.s32 $0x640;
	s22 =	simm.s32 $0x50F0;
	[sflag:s25] =	ssyncadd.s32 $0xFFFFEC00  }
.LBB2_2:
0x71: {  	[spmem:s2] =	stream.indirect.scatter.add.f32 [tilespmem:s23], [sflag:$0xA], $0x40, s22, s14, $0xb8;
	[tilespmem:$0x19C80] =	vst v63  }
0x72: {  	s22 =	smov.u32 s17;
	s17 =	sadd.s32 $0x640, s17;
	_ =	swait.ge [sflag:s30], $0x1400  }
0x73: {  	s22 =	sshra.s32 s22, $0x2;
	p0 =	sne.s32 s17, $0x12C00;
	[sflag:s30] =	ssyncset.done $0x0  }
0x74: {  	s4 =	sadd.s32 $0x280, s22;
	[sflag:s30] =	ssyncadd.s32 $0xFFFFEC00  }
0x75: {  	[tilespmem:s20], [sflag:$0x4] =	stream.indirect.gather [hbm4b:s8+s14], $0x40, s4, s14, $0xb8;
	[tilespmem:$0x19C80] =	vst v63  }
0x76: {  	_ =	swait.ge [sflag:s21], $0x1400  }
0x77: {  	[sflag:s21] =	ssyncset.done $0x0  }
0x78: {  	s4 =	sadd.s32 $0x4FB0, s22;
	[sflag:s21] =	ssyncadd.s32 $0xFFFFEC00  }
0x79: {  	[spmem:s2] =	stream.indirect.scatter.add.f32 [tilespmem:s15], [sflag:$0x6], $0x40, s4, s14, $0xb8;
	[tilespmem:$0x19C80] =	vst v63  }
0x7a: {  	_ =	swait.ge [sflag:s1], $0x1400  }
0x7b: {  	[sflag:s1] =	ssyncset.done $0x0  }
0x7c: {  	s4 =	sadd.s32 $0x2D0, s22;
	[sflag:s1] =	ssyncadd.s32 $0xFFFFEC00  }
0x7d: {  	[tilespmem:s23], [sflag:$0x5] =	stream.indirect.gather [hbm4b:s8+s14], $0x40, s4, s14, $0xb8;
	[tilespmem:$0x19C80] =	vst v63  }
0x7e: {  	_ =	swait.ge [sflag:s24], $0x1400  }
0x7f: {  	[sflag:s24] =	ssyncset.done $0x0  }
0x80: {  	s4 =	sadd.s32 $0x5000, s22;
	[sflag:s24] =	ssyncadd.s32 $0xFFFFEC00  }
0x81: {  	[spmem:s2] =	stream.indirect.scatter.add.f32 [tilespmem:s16], [sflag:$0x7], $0x40, s4, s14, $0xb8;
	[tilespmem:$0x19C80] =	vst v63  }
0x82: {  	_ =	swait.ge [sflag:s26], $0x1400  }
0x83: {  	[sflag:s26] =	ssyncset.done $0x0  }
0x84: {  	s4 =	sadd.s32 $0x320, s22;
	[sflag:s26] =	ssyncadd.s32 $0xFFFFEC00  }
0x85: {  	[tilespmem:s15], [sflag:$0x1] =	stream.indirect.gather [hbm4b:s8+s14], $0x40, s4, s14, $0xb8;
	[tilespmem:$0x19C80] =	vst v63  }
0x86: {  	_ =	swait.ge [sflag:s29], $0x1400  }
0x87: {  	[sflag:s29] =	ssyncset.done $0x0  }
0x88: {  	s4 =	sadd.s32 $0x5050, s22;
	[sflag:s29] =	ssyncadd.s32 $0xFFFFEC00  }
0x89: {  	[spmem:s2] =	stream.indirect.scatter.add.f32 [tilespmem:s18], [sflag:$0x8], $0x40, s4, s14, $0xb8;
	[tilespmem:$0x19C80] =	vst v63  }
0x8a: {  	_ =	swait.ge [sflag:s31], $0x1400  }
0x8b: {  	[sflag:s31] =	ssyncset.done $0x0  }
0x8c: {  	s4 =	sadd.s32 $0x370, s22;
	[sflag:s31] =	ssyncadd.s32 $0xFFFFEC00  }
0x8d: {  	[tilespmem:s16], [sflag:$0x2] =	stream.indirect.gather [hbm4b:s8+s14], $0x40, s4, s14, $0xb8;
	[tilespmem:$0x19C80] =	vst v63  }
0x8e: {  	_ =	swait.ge [sflag:s0], $0x1400  }
0x8f: {  	[sflag:s0] =	ssyncset.done $0x0  }
0x90: {  	s4 =	sadd.s32 $0x50A0, s22;
	[sflag:s0] =	ssyncadd.s32 $0xFFFFEC00  }
0x91: {  	[spmem:s2] =	stream.indirect.scatter.add.f32 [tilespmem:s20], [sflag:$0x9], $0x40, s4, s14, $0xb8;
	[tilespmem:$0x19C80] =	vst v63  }
0x92: {  	_ =	swait.ge [sflag:s19], $0x1400  }
0x93: {  	[sflag:s19] =	ssyncset.done $0x0  }
.Ltmp0:
0x94: {  	s4 =	sadd.s32 $0x3C0, s22;
	[sflag:s19] =	ssyncadd.s32 $0xFFFFEC00;
	(pc) =	sbr.rel @p0 .LBB2_2-.Ltmp0, $4  }
0x95: {  	[tilespmem:s18], [sflag:$0x3] =	stream.indirect.gather [hbm4b:s8+s14], $0x40, s4, s14, $0xb8;
	[tilespmem:$0x19C80] =	vst v63  }
0x96: {  	_ =	swait.ge [sflag:s25], $0x1400  }
0x97: {  	[sflag:s25] =	ssyncset.done $0x0  }
0x98: {  	s22 =	sadd.s32 $0x50F0, s22;
	[sflag:s25] =	ssyncadd.s32 $0xFFFFEC00  }
0x99: {  	[spmem:s2] =	stream.indirect.scatter.add.f32 [tilespmem:s23], [sflag:$0xA], $0x40, s22, s14, $0xb8;
	[tilespmem:$0x19C80] =	vst v63  }
0x9a: {  	_ =	swait.ge [sflag:s30], $0x1400  }
0x9b: {  	s4 =	sshra.s32 s17, $0x2;
	[sflag:s30] =	ssyncset.done $0x0  }
0x9c: {  	s17 =	sadd.s32 $0x280, s4;
	[sflag:s30] =	ssyncadd.s32 $0xFFFFEC00  }
0x9d: {  	[tilespmem:s20], [sflag:$0x4] =	stream.indirect.gather [hbm4b:s8+s14], $0x40, s17, s14, $0xb8;
	[tilespmem:$0x19C80] =	vst v63  }
0x9e: {  	_ =	swait.ge [sflag:s21], $0x1400  }
0x9f: {  	[sflag:s21] =	ssyncset.done $0x0  }
0xa0: {  	s22 =	sadd.s32 $0x4FB0, s4;
	[sflag:s21] =	ssyncadd.s32 $0xFFFFEC00  }
0xa1: {  	[spmem:s2] =	stream.indirect.scatter.add.f32 [tilespmem:s15], [sflag:$0x6], $0x40, s22, s14, $0xb8;
	[tilespmem:$0x19C80] =	vst v63  }
0xa2: {  	_ =	swait.ge [sflag:s1], $0x1400  }
0xa3: {  	[sflag:s1] =	ssyncset.done $0x0  }
0xa4: {  	s22 =	simm.s32 $0x4DD0;
	[sflag:s1] =	ssyncadd.s32 $0xFFFFEC00  }
0xa5: {  	[tilespmem:s23], [sflag:$0x5] =	stream.indirect.gather [hbm4b:s8+s14], $0x40, s22, s14, $0xb8;
	[tilespmem:$0x19C80] =	vst v63  }
0xa6: {  	_ =	swait.ge [sflag:s24], $0x1400  }
0xa7: {  	[sflag:s24] =	ssyncset.done $0x0  }
0xa8: {  	s22 =	sadd.s32 $0x5000, s4;
	[sflag:s24] =	ssyncadd.s32 $0xFFFFEC00  }
0xa9: {  	[spmem:s2] =	stream.indirect.scatter.add.f32 [tilespmem:s16], [sflag:$0x7], $0x40, s22, s14, $0xb8;
	[tilespmem:$0x19C80] =	vst v63  }
0xaa: {  	_ =	swait.ge [sflag:s26], $0x1400  }
0xab: {  	[sflag:s26] =	ssyncset.done $0x0  }
0xac: {  	[sflag:s26] =	ssyncadd.s32 $0xFFFFEC00  }
0xad: {  	_ =	swait.ge [sflag:s29], $0x1400  }
0xae: {  	[sflag:s29] =	ssyncset.done $0x0  }
0xaf: {  	s22 =	sadd.s32 $0x5050, s4;
	[sflag:s29] =	ssyncadd.s32 $0xFFFFEC00  }
0xb0: {  	[spmem:s2] =	stream.indirect.scatter.add.f32 [tilespmem:s18], [sflag:$0x8], $0x40, s22, s14, $0xb8;
	[tilespmem:$0x19C80] =	vst v63  }
0xb1: {  	_ =	swait.ge [sflag:s31], $0x1400  }
0xb2: {  	[sflag:s31] =	ssyncset.done $0x0  }
0xb3: {  	[sflag:s31] =	ssyncadd.s32 $0xFFFFEC00  }
0xb4: {  	_ =	swait.ge [sflag:s0], $0x1400  }
0xb5: {  	[sflag:s0] =	ssyncset.done $0x0  }
0xb6: {  	s4 =	sadd.s32 $0x50A0, s4;
	[sflag:s0] =	ssyncadd.s32 $0xFFFFEC00  }
0xb7: {  	[spmem:s2] =	stream.indirect.scatter.add.f32 [tilespmem:s20], [sflag:$0x9], $0x40, s4, s14, $0xb8;
	[tilespmem:$0x19C80] =	vst v63  }
0xb8: {  	_ =	swait.ge [sflag:s19], $0x1400  }
0xb9: {  	[sflag:s19] =	ssyncset.done $0x0  }
0xba: {  	[sflag:s19] =	ssyncadd.s32 $0xFFFFEC00  }
0xbb: {  	_ =	swait.ge [sflag:s25], $0x1400  }
0xbc: {  	[sflag:s25] =	ssyncset.done $0x0  }
0xbd: {  	s22 =	simm.s32 $0x9BF0;
	[sflag:s25] =	ssyncadd.s32 $0xFFFFEC00  }
0xbe: {  	[spmem:s2] =	stream.indirect.scatter.add.f32 [tilespmem:s23], [sflag:$0xA], $0x40, s22, s14, $0xb8;
	[tilespmem:$0x19C80] =	vst v63  }
0xbf: {  	_ =	swait.ge [sflag:s30], $0x1400  }
0xc0: {  	[sflag:s30] =	ssyncset.done $0x0  }
0xc1: {  	[sflag:s30] =	ssyncadd.s32 $0xFFFFEC00  }
0xc2: {  	_ =	swait.ge [sflag:s1], $0x1400  }
0xc3: {  	s28 =	sadd.s32 $0x1, s28;
	[sflag:s1] =	ssyncset.done $0x0  }
0xc4: {  	p0 =	sne.s32 s28, s10;
	[sflag:s1] =	ssyncadd.s32 $0xFFFFEC00  }
.Ltmp1:
0xc5: {  	[bflag:$0x0] =	sbarrier.arrive $0xFFFF;
	(pc) =	sbr.rel @p0 .LBB2_1-.Ltmp1, $4  }
0xc6: {  	[hbm:s9], [sflag:s5] =	dma.local [spmem:s11], $0x1388  }
0xc7: {  	_ =	swait.ge [sflag:s12], $0x1388  }
0xc8: {  	[sflag:s12] =	ssyncset.done $0x0  }
0xc9: {  	[sflag:s12] =	ssyncadd.s32 $0xFFFFEC78  }
0xca: {  	_ =	sfence.sel $0x180000  }
0xcb: {  	[bflag:$0x0] =	sbarrier.arrive $0xFFFF  }
0xcc: {  	_ =	strace $0x9000004D  }
0xcd: {  	s0 =	stileid.u32;
	[bflag:$0x2] =	sbarrier.arrive $0xFFFF  }
0xce: {  	p0 =	sne.s32 s0, $0x0;
	s0 =	rddreg [dreg:$0x3]  }
0xcf: {  	s0 =	sadd.s32 @!p0 $0x100000, s0  }
0xd0: {  	[sflag:s0] =	ssyncadd.tile.s32 @!p0 $0x1;
	_ =	shalt  }
.Lfunc_end2:
_tile_overlayer_lowered:
.L_overlay_start_2:
0xd1: {  	(tag) =	ssettag $0x2  }
0xd2: {  	s0 =	rddreg [dreg:$0x0];
	s2 =	stileid.u32  }
0xd3: {  	s1 =	rddreg [dreg:$0x1];
	p0 =	sne.s32 s2, $0x0  }
0xd4: {  	s3 =	rddreg [dreg:$0x2];
	[bflag:$0x3] =	sbarrier.arrive $0xFFFF;
	s2 =	simm.s32 @!p0 $0x1C0B  }
0xd5: {  	[timem:s3], [sflag:s2] =	dma.local @!p0 [hbm:s0], s1  }
0xd6: {  	s0 =	simm.s32 @!p0 $0xB  }
0xd7: {  	_ =	swait.ge @!p0 [sflag:s0], s1  }
0xd8: {  	s1 =	ssub.s32 @!p0 $0x0, s1;
	[sflag:s0] =	ssyncset.done @!p0 $0x0  }
0xd9: {  	[sflag:s0] =	ssyncadd.s32 @!p0 s1  }
0xda: {  	[bflag:$0x3] =	sbarrier.arrive $0xFFFF  }
0xdb: {  	_ =	shalt  }

// kernel: kernel.8.cloned.1.call-start
scs
__scs_entry_jumppad:
0x0: {  	(pc) =	sbr.rel $0x88, $3  }
0x1: {  	(tag) =	ssettag $0x0;
	lr =	simm.s32 $0x1  }
0x2: {  	[smem:$0x3F9B] =	sst lr;
	_ =	strace $0xD0000000  }
0x3: {  	_ = 	snop  }
0x4: {  	_ = 	snop  }
0x5: {  	_ = 	snop  }
0x6: {  	_ = 	snop  }
0x7: {  	_ = 	snop  }
__scs_overlays_trampoline_lowered:
0x8: {  	[smem:$0x3FAA] =	sst s0  }
0x9: {  	[smem:$0x3FAB] =	sst s1  }
0xa: {  	[smem:$0x3FAC] =	sst s2  }
0xb: {  	[smem:$0x3FAD] =	sst s3  }
0xc: {  	[smem:$0x3FAE] =	sst s4  }
0xd: {  	[smem:$0x3FAF] =	sst s5  }
0xe: {  	[smem:$0x3FB0] =	sst s6  }
0xf: {  	[smem:$0x3FB1] =	sst s7  }
0x10: {  	[smem:$0x3FB2] =	sst s8  }
0x11: {  	[smem:$0x3FB3] =	sst s9;
	s0 =	simm.s32 @!p0 $0x0  }
0x12: {  	s1 =	sld [smem:$0x3F99];
	s0 =	simm.s32 @p0 $0x1  }
0x13: {  	[smem:$0x3FB4] =	sst s0;
	s0 =	simm.s32 @!p1 $0x0  }
0x14: {  	s2 =	sld [smem:$0x3F98];
	s0 =	simm.s32 @p1 $0x1  }
0x15: {  	[smem:$0x3FB5] =	sst s0;
	s0 =	simm.s32 @!p2 $0x0  }
0x16: {  	s3 =	sld [smem:$0x3FDB];
	s0 =	simm.s32 @p2 $0x1  }
0x17: {  	s4 =	simm.s32 $0x1BF5;
	[smem:$0x3FB7] =	sst s0  }
0x18: {  	s0 =	sld [smem:$0x3F9A];
	_ =	swait.ge [sflag:s4], $0x0  }
0x19: {  	s7 =	sld [smem:$0x3F9B]  }
0x1a: {  	s8 =	sadd.s32 $0xFFFFE003, lr  }
0x1b: {  	s9 =	sadd.s32 $0xFFFFFEF7, lr;
	s5 =	simm.s32 $0xFFFFFFFF;
	p2 =	slt.u32 s8, $0xFFFFF086  }
0x1c: {  	p1 =	slt.u32 s9, $0xF7A;
	s5 =	simm.s32 @!p2 $0x0  }
0x1d: {  	s5 =	simm.s32 @p1 $0x1;
	p0 =	seq.s32 s7, s2  }
0x1e: {  	s7 =	smul.u32 @!p0 $0xF7A, s2;
	p2 =	seq.s32 @!p0 s5, $0x0  }
0x1f: {  	s9 =	smul.u32 $0xF7A, s1;
	s8 =	simm.s32 @!p0 $0x1BF5;
	p2 =	por !p2, p0  }
0x20: {  	[sflag:s8] =	ssyncset.s32 @!p0 $0xFFFFF086;
	s6 =	sadd.s32 @!p0 s3, s7;
	s7 =	simm.s32 @!p0 $0x108  }
0x21: {  	s3 =	sadd.s32 s3, s9;
	s6 =	sadd.s32 @!p0 $0x88, s6;
	s7 =	simm.s32 @p2 $0x1082  }
0x22: {  	[simem:s7], [sflag:s8] =	dma.local @!p0 [hbm:s6], $0xF7A  }
0x23: {  	s9 =	sor.u32 $0xD0000000, s2;
	s6 =	simm.s32 $0x108;
	_ =	swait.ge @!p0 [sflag:s8], $0x0  }
0x24: {  	s3 =	sadd.s32 $0x88, s3;
	s6 =	simm.s32 @!p1 $0x1082;
	[sflag:s4] =	ssyncset.s32 $0xFFFFF086  }
0x25: {  	[simem:s6], [sflag:s4] =	dma.local [hbm:s3], $0xF7A  }
0x26: {  	[smem:$0x3F9B] =	sst s1;
	(tag) =	ssettag s2;
	_ =	strace s9  }
0x27: {  	s1 =	sld [smem:$0x3FAB]  }
0x28: {  	s2 =	sld [smem:$0x3FAC]  }
0x29: {  	s4 =	sld [smem:$0x3FAE]  }
0x2a: {  	p0 =	seq.s32 s5, $0x0;
	s5 =	sld [smem:$0x3FAF]  }
0x2b: {  	s6 =	sld [smem:$0x3FB0]  }
0x2c: {  	s7 =	sld [smem:$0x3FB1]  }
0x2d: {  	s3 =	simm.s32 $0x108;
	s8 =	sld [smem:$0x3FB2]  }
0x2e: {  	s3 =	simm.s32 @!p0 $0x1082;
	s9 =	sld [smem:$0x3FB3]  }
0x2f: {  	lr =	sadd.s32 s0, s3;
	s0 =	sld [smem:$0x3FAA]  }
0x30: {  	s3 =	sld [smem:$0x3FAD]  }
0x31: {  	[smem:$0x3FB6] =	sst s10  }
0x32: {  	s10 =	sld [smem:$0x3FB4];
	_ =	sdelay $0x3  }
0x33: {  	p0 =	seq.s32 s10, $0x1;
	s10 =	sld [smem:$0x3FB6];
	_ =	sdelay $0x3  }
0x34: {  	[smem:$0x3FB6] =	sst s10  }
0x35: {  	s10 =	sld [smem:$0x3FB5];
	_ =	sdelay $0x3  }
0x36: {  	p1 =	seq.s32 s10, $0x1;
	s10 =	sld [smem:$0x3FB6];
	_ =	sdelay $0x3  }
0x37: {  	[smem:$0x3FB6] =	sst s10  }
0x38: {  	s10 =	sld [smem:$0x3FB7]  }
0x39: {  	_ = 	snop;
	(pc) =	sbr.ind lr, $3  }
0x3a: {  	_ = 	snop  }
0x3b: {  	_ = 	snop  }
0x3c: {  	p2 =	seq.s32 s10, $0x1;
	s10 =	sld [smem:$0x3FB6]  }
0x3d: {  	_ =	shalt  }
0x3e: {  	_ =	shalt  }
0x3f: {  	_ =	shalt  }
0x40: {  	_ =	shalt  }
0x41: {  	_ =	shalt  }
0x42: {  	_ =	shalt  }
0x43: {  	_ =	shalt  }
0x44: {  	_ =	shalt  }
0x45: {  	_ =	shalt  }
0x46: {  	_ =	shalt  }
0x47: {  	_ =	shalt  }
0x48: {  	_ =	shalt  }
0x49: {  	_ =	shalt  }
0x4a: {  	_ =	shalt  }
0x4b: {  	_ =	shalt  }
0x4c: {  	_ =	shalt  }
0x4d: {  	_ =	shalt  }
0x4e: {  	_ =	shalt  }
0x4f: {  	_ =	shalt  }
0x50: {  	_ =	shalt  }
0x51: {  	_ =	shalt  }
0x52: {  	_ =	shalt  }
0x53: {  	_ =	shalt  }
0x54: {  	_ =	shalt  }
0x55: {  	_ =	shalt  }
0x56: {  	_ =	shalt  }
0x57: {  	_ =	shalt  }
0x58: {  	_ =	shalt  }
0x59: {  	_ =	shalt  }
0x5a: {  	_ =	shalt  }
0x5b: {  	_ =	shalt  }
0x5c: {  	_ =	shalt  }
0x5d: {  	_ =	shalt  }
0x5e: {  	_ =	shalt  }
0x5f: {  	_ =	shalt  }
0x60: {  	_ =	shalt  }
0x61: {  	_ =	shalt  }
0x62: {  	_ =	shalt  }
0x63: {  	_ =	shalt  }
0x64: {  	_ =	shalt  }
0x65: {  	_ =	shalt  }
0x66: {  	_ =	shalt  }
0x67: {  	_ =	shalt  }
0x68: {  	_ =	shalt  }
0x69: {  	_ =	shalt  }
0x6a: {  	_ =	shalt  }
0x6b: {  	_ =	shalt  }
0x6c: {  	_ =	shalt  }
0x6d: {  	_ =	shalt  }
0x6e: {  	_ =	shalt  }
0x6f: {  	_ =	shalt  }
0x70: {  	_ =	shalt  }
0x71: {  	_ =	shalt  }
0x72: {  	_ =	shalt  }
0x73: {  	_ =	shalt  }
0x74: {  	_ =	shalt  }
0x75: {  	_ =	shalt  }
0x76: {  	_ =	shalt  }
0x77: {  	_ =	shalt  }
0x78: {  	_ =	shalt  }
0x79: {  	_ =	shalt  }
0x7a: {  	_ =	shalt  }
0x7b: {  	_ =	shalt  }
0x7c: {  	_ =	shalt  }
0x7d: {  	_ =	shalt  }
0x7e: {  	_ =	shalt  }
0x7f: {  	_ =	shalt  }
0x80: {  	_ =	shalt  }
0x81: {  	_ =	shalt  }
0x82: {  	_ =	shalt  }
0x83: {  	_ =	shalt  }
0x84: {  	_ =	shalt  }
0x85: {  	_ =	shalt  }
0x86: {  	_ =	shalt  }
0x87: {  	_ =	shalt  }
.Lfunc_end0:
.L_simem_size_0:
called_computation_lowered:
.L_overlay_start_0:
0x88: {  	s2 =	sld [smem:$0x3FD9]  }
0x89: {  	s3 =	sld [smem:$0x3FFE];
	_ =	sdelay $0x1  }
0x8a: {  	s1 =	srdreg.scid  }
0x8b: {  	s0 =	sand.u32 $0x1, s1  }
0x8c: {  	s17 =	sshll.u32 s0, $0xA;
	s2 =	sadd.s32 s3, s2  }
0x8d: {  	s2 =	sadd.s32 s2, s17  }
0x8e: {  	[smem:$0x3FC2] =	sst s2  }
0x8f: {  	_ = 	snop  }
0x90: {  	s2 =	sld [smem:$0x3FD0];
	(tm) =	ssettm $0x1  }
0x91: {  	s18 =	sld [smem:$0x3FFB];
	_ =	sdelay $0x3  }
0x92: {  	_ =	strace s18  }
0x93: {  	s3 =	sld [smem:$0x3FFC];
	_ =	sdelay $0x3  }
0x94: {  	_ =	strace s3  }
0x95: {  	s3 =	sld [smem:$0x3FFD];
	_ =	sdelay $0x3  }
0x96: {  	_ =	strace s3  }
0x97: {  	_ =	strace $0x8FFFFFFF  }
0x98: {  	s19 =	sld [smem:$0x3FDB];
	_ =	sdelay $0x1  }
0x99: {  	s4 =	simm.s32 $_scs_section_size  }
0x9a: {  	s5 =	simm.s32 $_size__tile_overlayer_lowered;
	s6 =	simm.s32 $_tile_overlayer_lowered  }
0x9b: {  	s22 =	simm.s32 $0x1BFF;
	s21 =	sshll.u32 s6, $0x1;
	s3 =	sadd.s32 s4, s19  }
0x9c: {  	s7 =	simm.s32 $0x0;
	s20 =	sshll.u32 s5, $0x1;
	s5 =	sadd.s32 s21, s3  }
0x9d: {  	[timem:s7], [sflag:s22] =	dma.local [hbm:s5], s20  }
0x9e: {  	_ =	swait.ge [sflag:s22], s20  }
0x9f: {  	s4 =	ssub.s32 $0x0, s20;
	[sflag:s22] =	ssyncset.done $0x0  }
0xa0: {  	[sflag:s22] =	ssyncadd.s32 s4;
	_ =	sdelay $0x1  }
0xa1: {  	s23 =	simm.s32 $0x1B8B  }
0xa2: {  	_ =	swait.ge [sflag:s23], $0x1  }
0xa3: {  	[sflag:s23] =	ssyncset.done $0x0  }
0xa4: {  	s25 =	simm.s32 $0x1B8E;
	s24 =	sld [smem:$0x3FFE];
	[sflag:s23] =	ssyncadd.s32 $0xFFFFFFFF  }
0xa5: {  	s26 =	simm.s32 $execute0_lowered;
	[smem:$0x3FD2] =	sst s25  }
0xa6: {  	s5 =	sshll.u32 s26, $0x1;
	_ =	strace $0x80000046;
	[dreg:$0x1] =	wrdreg $0xFFFFFFFF  }
0xa7: {  	s28 =	simm.s32 $_size_execute0_lowered;
	s3 =	sadd.s32 s3, s5;
	[dreg:$0x0] =	wrdreg $0x0  }
0xa8: {  	s5 =	sshll.u32 s28, $0x1;
	[dreg:$0x2] =	wrdreg s3  }
0xa9: {  	[dreg:$0x3] =	wrdreg s5  }
0xaa: {  	[dreg:$0x4] =	wrdreg $0xC0  }
0xab: {  	_ =	task [dreg:s7], $0x5FFFF  }
0xac: {  	[dreg:$0x1] =	wrdreg $0xFFFFFFFF  }
0xad: {  	[dreg:$0x0] =	wrdreg $0x60  }
0xae: {  	[dreg:$0x2] =	wrdreg s24  }
0xaf: {  	[dreg:$0x3] =	wrdreg s2  }
0xb0: {  	[dreg:$0x4] =	wrdreg $0x2C100  }
0xb1: {  	[dreg:$0x5] =	wrdreg $0x9  }
0xb2: {  	_ =	task.clear_ibuf [dreg:s7], $0x6FFFF;
	_ =	strace $0x90000046  }
0xb3: {  	s29 =	simm.s32 $0x9;
	_ =	strace $0x80000048  }
0xb4: {  	_ =	swait.ge [sflag:s29], $0x1  }
0xb5: {  	[sflag:s29] =	ssyncadd.s32 $0xFFFFFFFF  }
0xb6: {  	_ =	strace $0x90000048  }
0xb7: {  	_ =	sfence  }
0xb8: {  	s30 =	sld [smem:$0x0];
	_ =	sdelay $0x2  }
0xb9: {  	s31 =	sshll.u32 s1, $0xD;
	s1 =	sshrl.u32 s1, $0x2  }
0xba: {  	s3 =	sand.u32 $0x4000, s31;
	s1 =	sadd.s32 s1, s30  }
0xbb: {  	s0 =	sor.u32 s3, s0;
	s1 =	sshll.u32 s1, $0x11  }
0xbc: {  	s0 =	sor.u32 s1, s0  }
0xbd: {  	s0 =	sadd.s32 $0x8F2B, s0  }
0xbe: {  	[sflag:s0] =	ssyncadd.remote.s32 $0x1  }
0xbf: {  	_ =	sfence.sel $0xFFFF  }
0xc0: {  	[dreg:$0x0] =	wrdreg $0xFFFFFFFF;
	(pc) =	sbr.abs _section_cstart, $3  }
0xc1: {  	[dreg:$0x1] =	wrdreg $0xFFFFFFFF  }
0xc2: {  	_ =	task.clear_ibuf [dreg:s7], $0x2FFFF;
	_ =	strace $0x9FFFFFFF  }
0xc3: {  	(tm) =	ssettm $0x7FFFFFFF  }
tec
execute0_lowered:
.L_overlay_start_1:
0x0: {  	(tag) =	ssettag $0x1  }
0x1: {  	s6 =	rddreg [dreg:$0x0]  }
0x2: {  	s8 =	rddreg [dreg:$0x1]  }
0x3: {  	s2 =	rddreg [dreg:$0x2]  }
0x4: {  	s0 =	rddreg [dreg:$0x3]  }
0x5: {  	s3 =	simm.s32 $0x0;
	s4 =	srdreg.scid;
	s1 =	stileid.u32  }
0x6: {  	s14 =	simm.s32 $0xA0;
	s15 =	simm.s32 $0xF0;
	s16 =	simm.s32 $0x140  }
0x7: {  	s17 =	simm.s32 $0x1;
	s18 =	simm.s32 $0x2;
	s19 =	simm.s32 $0x3  }
0x8: {  	s20 =	simm.s32 $0x4;
	s21 =	simm.s32 $0x5;
	s22 =	simm.s32 $0x0  }
0x9: {  	[smem:$0x7FF] =	sst s3;
	s7 =	sand.u32 $0x1, s4;
	s9 =	smul.u32 $0x4E20, s1  }
0xa: {  	s4 =	sadd.s32 $0x17600, s6;
	s5 =	sadd.s32 $0x17000, s6;
	s12 =	smul.u32 $0x2710, s1  }
0xb: {  	s30 =	sshll.u32 s1, $0x6;
	s10 =	smul.u32 $0x2710, s7;
	s11 =	ssub.s32 $0x2, s7  }
0xc: {  	_ =	strace $0x80000047;
	s7 =	smul.u32 $0x27100, s7;
	s13 =	sshrl.u32 s11, $0x1  }
0xd: {  	s29 =	sadd.s32 s12, s2;
	s9 =	sadd.s32 s9, s10;
	s28 =	ssub.s32 s11, s13  }
0xe: {  	s12 =	sadd.s32 s12, s7;
	s10 =	sshrl.u32 s29, $0x3;
	s11 =	simm.s32 $0x6  }
0xf: {  	s13 =	simm.s32 $0x50;
	s9 =	sshrl.u32 s9, $0x3;
	s31 =	sshrl.u32 s12, $0x3  }
0x10: {  	s12 =	simm.s32 $0x2710;
	s9 =	sadd.s32 s6, s9;
	s6 =	sor.u32 $0x1C06, s30  }
0x11: {  	s8 =	sadd.s32 s8, s31;
	s7 =	sadd.s32 $0xD240, s9;
	s9 =	smax.u32 s28, $0x1  }
.LBB2_1:
0x12: {  	[spmem:s10], [sflag:s6] =	dma.local [hbm:s5], $0x4E2  }
0x13: {  	_ =	swait.ge [sflag:s11], $0x4E2  }
0x14: {  	[sflag:s11] =	ssyncset.done $0x0  }
0x15: {  	[sflag:s11] =	ssyncadd.s32 $0xFFFFFB1E  }
0x16: {  	[tilespmem:s3], [sflag:$0x6] =	stream.linear.gather [hbm4b:s7+s3], $0x2710, $0x38;
	[tilespmem:$0x5320] =	vst v63  }
0x17: {  	_ =	swait.ge [sflag:s11], $0x2710  }
0x18: {  	[sflag:s11] =	ssyncset.done $0x0  }
0x19: {  	[sflag:s11] =	ssyncadd.s32 $0xFFFFD8F0  }
0x1a: {  	[tilespmem:s12], [sflag:$0x6] =	stream.linear.gather [hbm4b:s4+s3], $0x500, $0x38;
	[tilespmem:$0x5320] =	vst v63  }
0x1b: {  	_ =	swait.ge [sflag:s11], $0x500  }
0x1c: {  	[sflag:s11] =	ssyncset.done $0x0  }
0x1d: {  	[sflag:s11] =	ssyncadd.s32 $0xFFFFFB00  }
0x1e: {  	[bflag:$0x0] =	sbarrier.arrive $0xFFFF  }
0x1f: {  	[spmem:s2] =	stream.indirect.scatter.add.f32 [tilespmem:s12], [sflag:$0x1], $0x10, s3, s13, $0xb8;
	[tilespmem:$0x5320] =	vst v63  }
0x20: {  	_ = 	snop  }
0x21: {  	[spmem:s2] =	stream.indirect.scatter.add.f32 [tilespmem:s12], [sflag:$0x2], $0x10, s13, s13, $0xb8;
	[tilespmem:$0x5320] =	vst v63  }
0x22: {  	_ = 	snop  }
0x23: {  	[spmem:s2] =	stream.indirect.scatter.add.f32 [tilespmem:s12], [sflag:$0x3], $0x10, s14, s13, $0xb8;
	[tilespmem:$0x5320] =	vst v63  }
0x24: {  	_ = 	snop  }
0x25: {  	[spmem:s2] =	stream.indirect.scatter.add.f32 [tilespmem:s12], [sflag:$0x4], $0x10, s15, s13, $0xb8;
	[tilespmem:$0x5320] =	vst v63  }
0x26: {  	_ = 	snop  }
0x27: {  	[spmem:s2] =	stream.indirect.scatter.add.f32 [tilespmem:s12], [sflag:$0x5], $0x10, s16, s13, $0xb8;
	[tilespmem:$0x5320] =	vst v63  }
0x28: {  	_ =	swait.ge [sflag:s17], $0x500  }
0x29: {  	[sflag:s17] =	ssyncset.done $0x0  }
0x2a: {  	s23 =	simm.s32 $0x190;
	[sflag:s17] =	ssyncadd.s32 $0xFFFFFB00  }
0x2b: {  	[spmem:s2] =	stream.indirect.scatter.add.f32 [tilespmem:s12], [sflag:$0x1], $0x10, s23, s13, $0xb8;
	[tilespmem:$0x5320] =	vst v63  }
0x2c: {  	_ =	swait.ge [sflag:s18], $0x500  }
0x2d: {  	[sflag:s18] =	ssyncset.done $0x0  }
0x2e: {  	s29 =	simm.s32 $0x1E0;
	[sflag:s18] =	ssyncadd.s32 $0xFFFFFB00  }
0x2f: {  	[spmem:s2] =	stream.indirect.scatter.add.f32 [tilespmem:s12], [sflag:$0x2], $0x10, s29, s13, $0xb8;
	[tilespmem:$0x5320] =	vst v63  }
0x30: {  	_ =	swait.ge [sflag:s19], $0x500  }
0x31: {  	[sflag:s19] =	ssyncset.done $0x0  }
0x32: {  	s30 =	simm.s32 $0x230;
	[sflag:s19] =	ssyncadd.s32 $0xFFFFFB00  }
0x33: {  	[spmem:s2] =	stream.indirect.scatter.add.f32 [tilespmem:s12], [sflag:$0x3], $0x10, s30, s13, $0xb8;
	[tilespmem:$0x5320] =	vst v63  }
0x34: {  	_ =	swait.ge [sflag:s20], $0x500  }
0x35: {  	[sflag:s20] =	ssyncset.done $0x0  }
0x36: {  	s31 =	simm.s32 $0x280;
	[sflag:s20] =	ssyncadd.s32 $0xFFFFFB00  }
0x37: {  	[spmem:s2] =	stream.indirect.scatter.add.f32 [tilespmem:s12], [sflag:$0x4], $0x10, s31, s13, $0xb8;
	[tilespmem:$0x5320] =	vst v63  }
0x38: {  	_ =	swait.ge [sflag:s21], $0x500  }
0x39: {  	[sflag:s21] =	ssyncset.done $0x0  }
0x3a: {  	s24 =	simm.s32 $0x2D0;
	s23 =	simm.s32 $0xFFFF7040;
	[sflag:s21] =	ssyncadd.s32 $0xFFFFFB00  }
.LBB2_2:
0x3b: {  	[spmem:s2] =	stream.indirect.scatter.add.f32 [tilespmem:s12], [sflag:$0x5], $0x10, s24, s13, $0xb8;
	[tilespmem:$0x5320] =	vst v63  }
0x3c: {  	s24 =	smov.u32 s23  }
0x3d: {  	p0 =	sne.s32 s23, $0xFFFFF9C0;
	s23 =	sadd.s32 $0x640, s23;
	_ =	swait.ge [sflag:s17], $0x500  }
0x3e: {  	s24 =	sshra.s32 s24, $0x2;
	[sflag:s17] =	ssyncset.done $0x0  }
0x3f: {  	s25 =	sadd.s32 $0x2710, s24;
	[sflag:s17] =	ssyncadd.s32 $0xFFFFFB00  }
0x40: {  	[spmem:s2] =	stream.indirect.scatter.add.f32 [tilespmem:s12], [sflag:$0x1], $0x10, s25, s13, $0xb8;
	[tilespmem:$0x5320] =	vst v63  }
0x41: {  	_ =	swait.ge [sflag:s18], $0x500  }
0x42: {  	[sflag:s18] =	ssyncset.done $0x0  }
0x43: {  	s25 =	sadd.s32 $0x2760, s24;
	[sflag:s18] =	ssyncadd.s32 $0xFFFFFB00  }
0x44: {  	[spmem:s2] =	stream.indirect.scatter.add.f32 [tilespmem:s12], [sflag:$0x2], $0x10, s25, s13, $0xb8;
	[tilespmem:$0x5320] =	vst v63  }
0x45: {  	_ =	swait.ge [sflag:s19], $0x500  }
0x46: {  	[sflag:s19] =	ssyncset.done $0x0  }
0x47: {  	s25 =	sadd.s32 $0x27B0, s24;
	[sflag:s19] =	ssyncadd.s32 $0xFFFFFB00  }
0x48: {  	[spmem:s2] =	stream.indirect.scatter.add.f32 [tilespmem:s12], [sflag:$0x3], $0x10, s25, s13, $0xb8;
	[tilespmem:$0x5320] =	vst v63  }
0x49: {  	_ =	swait.ge [sflag:s20], $0x500  }
0x4a: {  	[sflag:s20] =	ssyncset.done $0x0  }
.Ltmp0:
0x4b: {  	s25 =	sadd.s32 $0x2800, s24;
	[sflag:s20] =	ssyncadd.s32 $0xFFFFFB00;
	(pc) =	sbr.rel @p0 .LBB2_2-.Ltmp0, $4  }
0x4c: {  	[spmem:s2] =	stream.indirect.scatter.add.f32 [tilespmem:s12], [sflag:$0x4], $0x10, s25, s13, $0xb8;
	[tilespmem:$0x5320] =	vst v63  }
0x4d: {  	_ =	swait.ge [sflag:s21], $0x500  }
0x4e: {  	[sflag:s21] =	ssyncset.done $0x0  }
0x4f: {  	s24 =	sadd.s32 $0x2850, s24;
	[sflag:s21] =	ssyncadd.s32 $0xFFFFFB00  }
0x50: {  	[spmem:s2] =	stream.indirect.scatter.add.f32 [tilespmem:s12], [sflag:$0x5], $0x10, s24, s13, $0xb8;
	[tilespmem:$0x5320] =	vst v63  }
0x51: {  	_ =	swait.ge [sflag:s17], $0x500  }
0x52: {  	[sflag:s17] =	ssyncset.done $0x0  }
0x53: {  	[sflag:s17] =	ssyncadd.s32 $0xFFFFFB00  }
0x54: {  	_ =	swait.ge [sflag:s18], $0x500  }
0x55: {  	[sflag:s18] =	ssyncset.done $0x0  }
0x56: {  	[sflag:s18] =	ssyncadd.s32 $0xFFFFFB00  }
0x57: {  	_ =	swait.ge [sflag:s19], $0x500  }
0x58: {  	[sflag:s19] =	ssyncset.done $0x0  }
0x59: {  	[sflag:s19] =	ssyncadd.s32 $0xFFFFFB00  }
0x5a: {  	_ =	swait.ge [sflag:s20], $0x500  }
0x5b: {  	[sflag:s20] =	ssyncset.done $0x0  }
0x5c: {  	[sflag:s20] =	ssyncadd.s32 $0xFFFFFB00  }
0x5d: {  	_ =	swait.ge [sflag:s21], $0x500  }
0x5e: {  	s22 =	sadd.s32 $0x1, s22;
	[sflag:s21] =	ssyncset.done $0x0  }
0x5f: {  	p0 =	sne.s32 s22, s9;
	[sflag:s21] =	ssyncadd.s32 $0xFFFFFB00  }
.Ltmp1:
0x60: {  	[bflag:$0x0] =	sbarrier.arrive $0xFFFF;
	(pc) =	sbr.rel @p0 .LBB2_1-.Ltmp1, $4  }
0x61: {  	[hbm:s8], [sflag:s6] =	dma.local [spmem:s10], $0x4E2  }
0x62: {  	_ =	swait.ge [sflag:s11], $0x4E2  }
0x63: {  	[sflag:s11] =	ssyncset.done $0x0  }
0x64: {  	[sflag:s11] =	ssyncadd.s32 $0xFFFFFB1E  }
0x65: {  	_ =	sfence.sel $0x180000  }
0x66: {  	[bflag:$0x0] =	sbarrier.arrive $0xFFFF  }
0x67: {  	p0 =	sne.s32 s1, $0x0;
	_ =	strace $0x90000047  }
0x68: {  	s0 =	sadd.s32 @!p0 $0x100000, s0;
	[bflag:$0x2] =	sbarrier.arrive $0xFFFF  }
0x69: {  	[sflag:s0] =	ssyncadd.tile.s32 @!p0 $0x1;
	_ =	shalt  }
.Lfunc_end2:
_tile_overlayer_lowered:
.L_overlay_start_2:
0x6a: {  	(tag) =	ssettag $0x2  }
0x6b: {  	s0 =	rddreg [dreg:$0x0];
	s2 =	stileid.u32  }
0x6c: {  	s1 =	rddreg [dreg:$0x1];
	p0 =	sne.s32 s2, $0x0  }
0x6d: {  	s3 =	rddreg [dreg:$0x2];
	[bflag:$0x3] =	sbarrier.arrive $0xFFFF;
	s2 =	simm.s32 @!p0 $0x1C06  }
0x6e: {  	[timem:s3], [sflag:s2] =	dma.local @!p0 [hbm:s0], s1  }
0x6f: {  	s0 =	simm.s32 @!p0 $0x6  }
0x70: {  	_ =	swait.ge @!p0 [sflag:s0], s1  }
0x71: {  	s1 =	ssub.s32 @!p0 $0x0, s1;
	[sflag:s0] =	ssyncset.done @!p0 $0x0  }
0x72: {  	[sflag:s0] =	ssyncadd.s32 @!p0 s1  }
0x73: {  	[bflag:$0x3] =	sbarrier.arrive $0xFFFF  }
0x74: {  	_ =	shalt  }

</sc_bundles>
